<compile_context>
chip_gen: v7x
topology: tpu7x:2x2x1
jax: 0.10.2.dev20260603
libtpu: 0.0.44.dev20260713+nightly
codegen_flags: <defaults>
</compile_context>

<pallas_src>
import functools

import jax
import jax.numpy as jnp
from jax import lax
from jax.experimental import pallas as pl
from jax.experimental.pallas import tpu as pltpu
from jax.experimental.pallas import tpu_sc as plsc

_TN = 1024
_TNC = 1024
_CHUNK = 128

_BIG = 1e30


def _nn_body(u_ref, kT_ref, kf_ref, idx0_ref, idx1_ref, idx2_ref,
             w0_ref, w1_ref, w2_ref, tbl_ref, *, m):
    b = pl.program_id(0)
    tbl_ref[...] = jnp.transpose(kf_ref[...], (1, 0))

    u = u_ref[...]
    kT = kT_ref[...]
    ux, uy, uz = u[:, 0:1], u[:, 1:2], u[:, 2:3]
    kx, ky, kz = kT[0:1, :], kT[1:2, :], kT[2:3, :]
    d2 = (ux - kx) ** 2 + (uy - ky) ** 2 + (uz - kz) ** 2

    iota = lax.broadcasted_iota(jnp.int32, d2.shape, 1)
    D = d2
    mins, idxs = [], []
    for s in range(3):
        mn = jnp.min(D, axis=1, keepdims=True)
        cand = jnp.where(D == mn, iota, m)
        amn = jnp.min(cand, axis=1, keepdims=True)
        mins.append(mn)
        idxs.append(amn)
        if s < 2:
            D = jnp.where(cand == amn, _BIG, D)

    mns = jnp.concatenate(mins, axis=1)
    wsv = 1.0 / (jnp.sqrt(mns) + 1e-8)
    wn = wsv / jnp.sum(wsv, axis=1, keepdims=True)
    wT = jnp.transpose(wn, (1, 0))
    base = b * m
    for idx, iref in zip(idxs, (idx0_ref, idx1_ref, idx2_ref)):
        iref[...] = jnp.reshape(idx + base, (_TN // 128, 128))
    for s, wref in enumerate((w0_ref, w1_ref, w2_ref)):
        wref[...] = wT[s:s + 1, :]


def _three_nn(unknown, knownT, known_feats):
    B, n, _ = unknown.shape
    m = knownT.shape[2]
    C2 = known_feats.shape[1]
    nblk = n // _TN
    msub = 256
    ntb = m // msub
    grid = (B, nblk)
    iout = jax.ShapeDtypeStruct((B * n // 128, 128), jnp.int32)
    fout = jax.ShapeDtypeStruct((B * nblk, 1, _TN), jnp.float32)
    ispec = pl.BlockSpec((_TN // 128, 128), lambda b, i: (b * nblk + i, 0))
    wspec = pl.BlockSpec((None, 1, _TN), lambda b, i: (b * nblk + i, 0, 0))
    return pl.pallas_call(
        functools.partial(_nn_body, m=m),
        grid=grid,
        in_specs=[
            pl.BlockSpec((None, _TN, 3), lambda b, i: (b, i, 0)),
            pl.BlockSpec((None, 3, m), lambda b, i: (b, 0, 0)),
            pl.BlockSpec((None, C2, msub), lambda b, i: (b, 0, i % ntb)),
        ],
        out_specs=[ispec, ispec, ispec, wspec, wspec, wspec,
                   pl.BlockSpec((msub, C2),
                                lambda b, i: (b * ntb + i % ntb, 0))],
        out_shape=[iout, iout, iout, fout, fout, fout,
                   jax.ShapeDtypeStruct((B * m, C2), jnp.float32)],
    )(unknown, knownT, known_feats)


def _sc_gather(table, idx0, idx1, idx2):
    nrows, chunk = idx0.shape
    N = nrows * chunk
    C2 = table.shape[1]
    info = plsc.get_sparse_core_info()
    nw = info.num_cores * info.num_subcores
    per_w = N // nw
    nchunk = per_w // chunk
    ntask = 3 * nchunk
    nbuf = 4
    mesh = plsc.VectorSubcoreMesh(core_axis_name="c", subcore_axis_name="s")
    gout = jax.ShapeDtypeStruct((N, C2), jnp.float32)

    @functools.partial(
        pl.kernel, mesh=mesh,
        out_type=(gout, gout, gout),
        scratch_types=[
            pltpu.VMEM((ntask, chunk), jnp.int32),
            pltpu.VMEM((nbuf, chunk, C2), jnp.float32),
            [pltpu.SemaphoreType.DMA] * nbuf,
            [pltpu.SemaphoreType.DMA] * nbuf,
        ],
    )
    def gather_kernel(table_hbm, i0_hbm, i1_hbm, i2_hbm,
                      g0_hbm, g1_hbm, g2_hbm, idx_all, rows, gsems, wsems):
        wid = lax.axis_index("s") * info.num_cores + lax.axis_index("c")
        row0 = wid * nchunk
        for j, ih in enumerate((i0_hbm, i1_hbm, i2_hbm)):
            pltpu.sync_copy(ih.at[pl.ds(row0, nchunk), :],
                            idx_all.at[pl.ds(j * nchunk, nchunk), :])

        ghandles = [None] * nbuf

        def start_gather(t):
            buf = t % nbuf
            ghandles[buf] = pltpu.async_copy(
                table_hbm.at[idx_all.at[t]], rows.at[buf], gsems[buf])

        for t in range(nbuf):
            start_gather(t)
        gouts = (g0_hbm, g1_hbm, g2_hbm)
        for t in range(ntask):
            buf = t % nbuf
            ghandles[buf].wait()
            j, c = divmod(t, nchunk)
            off = wid * per_w + c * chunk
            wh = pltpu.async_copy(rows.at[buf],
                                  gouts[j].at[pl.ds(off, chunk), :],
                                  wsems[buf])
            wh.wait()
            if t + nbuf < ntask:
                start_gather(t + nbuf)

    return gather_kernel(table, idx0, idx1, idx2)


def _mlp_body(g0_ref, g1_ref, g2_ref, w0_ref, w1_ref, w2_ref,
              uf_ref, W1_ref, b1_ref, out_ref, *, C2):
    wcat = jnp.concatenate(
        [w0_ref[...], w1_ref[...], w2_ref[...]], axis=0)
    wt = jnp.transpose(wcat, (1, 0))
    interp = (wt[:, 0:1] * g0_ref[...] + wt[:, 1:2] * g1_ref[...]
              + wt[:, 2:3] * g2_ref[...])
    W1 = W1_ref[...]
    acc = lax.dot_general(W1[:, :C2], interp,
                          (((1,), (1,)), ((), ())),
                          preferred_element_type=jnp.float32)
    acc = acc + jnp.dot(W1[:, C2:], uf_ref[...],
                        preferred_element_type=jnp.float32)
    out_ref[...] = jnp.maximum(acc + jnp.transpose(b1_ref[...], (1, 0)), 0.0)


def _mlp(g0, g1, g2, w0, w1, w2, unknow_feats, W1, b1r):
    B, C1, n = unknow_feats.shape
    C2 = g0.shape[1]
    Co = W1.shape[0]
    nblk = n // _TNC
    grid = (B, nblk)
    gspec = pl.BlockSpec((_TNC, C2), lambda b, i: (b * nblk + i, 0))
    wspec = pl.BlockSpec((None, 1, _TNC), lambda b, i: (b * nblk + i, 0, 0))
    return pl.pallas_call(
        functools.partial(_mlp_body, C2=C2),
        grid=grid,
        in_specs=[
            gspec, gspec, gspec, wspec, wspec, wspec,
            pl.BlockSpec((None, C1, _TNC), lambda b, i: (b, 0, i)),
            pl.BlockSpec((Co, W1.shape[1]), lambda b, i: (0, 0)),
            pl.BlockSpec((1, Co), lambda b, i: (0, 0)),
        ],
        out_specs=pl.BlockSpec((None, Co, _TNC), lambda b, i: (b, 0, i)),
        out_shape=jax.ShapeDtypeStruct((B, Co, n), jnp.float32),
    )(g0, g1, g2, w0, w1, w2, unknow_feats, W1, b1r)


def kernel(unknown, known, unknow_feats, known_feats, W1, b1):
    B, n, _ = unknown.shape

    knownT = jnp.transpose(known, (0, 2, 1))

    (idx0, idx1, idx2, w0, w1, w2, table) = _three_nn(
        unknown, knownT, known_feats)

    g0, g1, g2 = _sc_gather(table, idx0, idx1, idx2)

    b1r = b1.reshape(1, -1)
    return _mlp(g0, g1, g2, w0, w1, w2, unknow_feats, W1, b1r)

# --- scband reference (transcript-rebuilt; emitter-appended) ---
"""Pipeline reference for scband-pointnet-fpmodule-66743791780164 (READ-ONLY COPY).

The authoritative reference and input builder live on the scoring server;
editing this copy changes nothing except your own understanding.
"""

import jax, jax.numpy as jnp
import numpy as np


def setup_inputs(seed: int = 0) -> dict:
    key = jax.random.key(seed)
    k1, k2, k3, k4, k5, k6 = jax.random.split(key, 6)
    B, n, m, C1, C2, Co = 4, 8192, 2048, 64, 128, 128
    unknown = jax.random.normal(k1, (B, n, 3), dtype=jnp.float32)
    known = jax.random.normal(k2, (B, m, 3), dtype=jnp.float32)
    unknow_feats = jax.random.normal(k3, (B, C1, n), dtype=jnp.float32)
    known_feats = jax.random.normal(k4, (B, C2, m), dtype=jnp.float32)
    # MLP (conv_1d with kernel size 1) parameters per hyper_mlp=[192, 128]
    W1 = jax.random.normal(k5, (Co, C1 + C2), dtype=jnp.float32) * 0.05
    b1 = jnp.zeros((Co,), dtype=jnp.float32)
    return {"unknown": unknown, "known": known, "unknow_feats": unknow_feats,
            "known_feats": known_feats, "W1": W1, "b1": b1}


def reference(unknown, known, unknow_feats, known_feats, W1, b1):
    # three_nn: find 3 nearest known points for each unknown point
    d2 = jnp.sum((unknown[:, :, None, :] - known[:, None, :, :]) ** 2, axis=-1)  # (B, n, m)
    neg_d2, idx = jax.lax.top_k(-d2, 3)  # (B, n, 3)
    dist = jnp.sqrt(jnp.maximum(-neg_d2, 0.0))
    # inverse-distance weights
    dist_recip = 1.0 / (dist + 1e-08)
    norm = jnp.sum(dist_recip, axis=2, keepdims=True)
    weight = dist_recip / norm  # (B, n, 3)
    # three_interpolate: gather known_feats at idx and weighted-sum
    B, C2, m = known_feats.shape
    n = unknown.shape[1]
    idx_b = jnp.broadcast_to(idx[:, None, :, :], (B, C2, n, 3))
    gathered = jnp.take_along_axis(known_feats[:, :, None, :], idx_b, axis=3)  # (B, C2, n, 3)
    interpolated_feats = jnp.sum(gathered * weight[:, None, :, :], axis=3)  # (B, C2, n)
    # concat with skip features
    new_features = jnp.concatenate([interpolated_feats, unknow_feats], axis=1)  # (B, C1+C2, n)
    # pointwise conv1d (kernel size 1) + ReLU
    out = jnp.einsum('oc,bcn->bon', W1, new_features) + b1[None, :, None]
    return jax.nn.relu(out)

if __name__ == "__main__":
    import jax
    _d = setup_inputs()
    print(jax.jit(kernel)(*tuple(_d.values())))

</pallas_src>

<mosaic_0001>
#map = affine_map<(d0, d1) -> (0, 0)>
module attributes {stable_mosaic.version = 14 : i64} {
  func.func @gather_kernel(%arg0: i32, %arg1: i32, %arg2: memref<8192x128xf32, #tpu.memory_space<hbm>>, %arg3: memref<256x128xi32, #tpu.memory_space<hbm>>, %arg4: memref<256x128xi32, #tpu.memory_space<hbm>>, %arg5: memref<256x128xi32, #tpu.memory_space<hbm>>, %arg6: memref<32768x128xf32, #tpu.memory_space<hbm>>, %arg7: memref<32768x128xf32, #tpu.memory_space<hbm>>, %arg8: memref<32768x128xf32, #tpu.memory_space<hbm>>, %arg9: memref<24x128xi32, #tpu.memory_space<vmem>>, %arg10: memref<4x128x128xf32, #tpu.memory_space<vmem>>, %arg11: memref<!tpu.dma_semaphore, #tpu.memory_space<semaphore_mem>>, %arg12: memref<!tpu.dma_semaphore, #tpu.memory_space<semaphore_mem>>, %arg13: memref<!tpu.dma_semaphore, #tpu.memory_space<semaphore_mem>>, %arg14: memref<!tpu.dma_semaphore, #tpu.memory_space<semaphore_mem>>, %arg15: memref<!tpu.dma_semaphore, #tpu.memory_space<semaphore_mem>>, %arg16: memref<!tpu.dma_semaphore, #tpu.memory_space<semaphore_mem>>, %arg17: memref<!tpu.dma_semaphore, #tpu.memory_space<semaphore_mem>>, %arg18: memref<!tpu.dma_semaphore, #tpu.memory_space<semaphore_mem>>) attributes {dimension_semantics = [#tpu.dimension_semantics<core_parallel>, #tpu.dimension_semantics<subcore_parallel>], iteration_bounds = array<i64: 2, 16>, scalar_prefetch = 0 : i64, scratch_operands = 10 : i64, tpu.core_type = #tpu.core_type<sc_vector_subcore>, window_params = [{transform_indices = #map}, {transform_indices = #map}, {transform_indices = #map}, {transform_indices = #map}, {transform_indices = #map}, {transform_indices = #map}, {transform_indices = #map}]} {
    %mul3A = arith.constant 2 : i32
    %mul3A_0 = arith.muli %arg1, %mul3A : i32
    %add3A = arith.addi %mul3A_0, %arg0 : i32
    %mul3A_1 = arith.constant 8 : i32
    %mul3A_2 = arith.muli %add3A, %mul3A_1 : i32
    "tpu.region"() ({
      %run_scoped3A = tpu.sem_alloc : memref<!tpu.dma_semaphore, #tpu.memory_space<semaphore_mem>>
      %dma_start3A_1297 = arith.constant 0 : i32
      %dma_start3A_1298 = arith.constant 0 : i32
      %dma_start3A_1299 = tpu.memref_slice %arg9[%dma_start3A_1297, %dma_start3A_1298] : memref<24x128xi32, #tpu.memory_space<vmem>> -> memref<8x128xi32, #tpu.memory_space<vmem>>
      %dma_start3A_1300 = arith.constant 0 : i32
      %dma_start3A_1301 = tpu.memref_slice %arg3[%mul3A_2, %dma_start3A_1300] : memref<256x128xi32, #tpu.memory_space<hbm>> -> memref<8x128xi32, #tpu.memory_space<hbm>>
      %dma_start3A_1302 = arith.constant 0 : i32
      %dma_start3A_1303 = arith.constant 0 : i32
      %dma_start3A_1304 = tpu.memref_slice %arg9[%dma_start3A_1302, %dma_start3A_1303] : memref<24x128xi32, #tpu.memory_space<vmem>> -> memref<8x128xi32, #tpu.memory_space<vmem>>
      %dma_start3A_1305 = arith.constant 0 : i32
      %dma_start3A_1306 = tpu.memref_slice %arg3[%mul3A_2, %dma_start3A_1305] : memref<256x128xi32, #tpu.memory_space<hbm>> -> memref<8x128xi32, #tpu.memory_space<hbm>>
      tpu.enqueue_dma source(%dma_start3A_1306 : memref<8x128xi32, #tpu.memory_space<hbm>>) target(%dma_start3A_1304 : memref<8x128xi32, #tpu.memory_space<vmem>>) target_semaphore(%run_scoped3A : memref<!tpu.dma_semaphore, #tpu.memory_space<semaphore_mem>>)
      %dma_wait3A_1307 = arith.constant 0 : i32
      %dma_wait3A_1308 = arith.constant 0 : i32
      %dma_wait3A_1309 = tpu.memref_slice %arg9[%dma_wait3A_1307, %dma_wait3A_1308] : memref<24x128xi32, #tpu.memory_space<vmem>> -> memref<8x128xi32, #tpu.memory_space<vmem>>
      %dma_wait3A_1310 = arith.constant 0 : i32
      %dma_wait3A_1311 = tpu.memref_slice %arg3[%mul3A_2, %dma_wait3A_1310] : memref<256x128xi32, #tpu.memory_space<hbm>> -> memref<8x128xi32, #tpu.memory_space<hbm>>
      %dma_wait3A_1312 = arith.constant 0 : i32
      %dma_wait3A_1313 = arith.constant 0 : i32
      %dma_wait3A_1314 = tpu.memref_slice %arg9[%dma_wait3A_1312, %dma_wait3A_1313] : memref<24x128xi32, #tpu.memory_space<vmem>> -> memref<8x128xi32, #tpu.memory_space<vmem>>
      %dma_wait3A_1315 = arith.constant 0 : i32
      %dma_wait3A_1316 = tpu.memref_slice %arg3[%mul3A_2, %dma_wait3A_1315] : memref<256x128xi32, #tpu.memory_space<hbm>> -> memref<8x128xi32, #tpu.memory_space<hbm>>
      tpu.wait_dma2 semaphore(%run_scoped3A : memref<!tpu.dma_semaphore, #tpu.memory_space<semaphore_mem>>) src(%dma_wait3A_1316 : memref<8x128xi32, #tpu.memory_space<hbm>>) dst(%dma_wait3A_1314 : memref<8x128xi32, #tpu.memory_space<vmem>>)
      tpu.yield
    }) : () -> ()
    "tpu.region"() ({
      %run_scoped3A = tpu.sem_alloc : memref<!tpu.dma_semaphore, #tpu.memory_space<semaphore_mem>>
      %dma_start3A_1297 = arith.constant 8 : i32
      %dma_start3A_1298 = arith.constant 0 : i32
      %dma_start3A_1299 = tpu.memref_slice %arg9[%dma_start3A_1297, %dma_start3A_1298] : memref<24x128xi32, #tpu.memory_space<vmem>> -> memref<8x128xi32, #tpu.memory_space<vmem>>
      %dma_start3A_1300 = arith.constant 0 : i32
      %dma_start3A_1301 = tpu.memref_slice %arg4[%mul3A_2, %dma_start3A_1300] : memref<256x128xi32, #tpu.memory_space<hbm>> -> memref<8x128xi32, #tpu.memory_space<hbm>>
      %dma_start3A_1302 = arith.constant 8 : i32
      %dma_start3A_1303 = arith.constant 0 : i32
      %dma_start3A_1304 = tpu.memref_slice %arg9[%dma_start3A_1302, %dma_start3A_1303] : memref<24x128xi32, #tpu.memory_space<vmem>> -> memref<8x128xi32, #tpu.memory_space<vmem>>
      %dma_start3A_1305 = arith.constant 0 : i32
      %dma_start3A_1306 = tpu.memref_slice %arg4[%mul3A_2, %dma_start3A_1305] : memref<256x128xi32, #tpu.memory_space<hbm>> -> memref<8x128xi32, #tpu.memory_space<hbm>>
      tpu.enqueue_dma source(%dma_start3A_1306 : memref<8x128xi32, #tpu.memory_space<hbm>>) target(%dma_start3A_1304 : memref<8x128xi32, #tpu.memory_space<vmem>>) target_semaphore(%run_scoped3A : memref<!tpu.dma_semaphore, #tpu.memory_space<semaphore_mem>>)
      %dma_wait3A_1307 = arith.constant 8 : i32
      %dma_wait3A_1308 = arith.constant 0 : i32
      %dma_wait3A_1309 = tpu.memref_slice %arg9[%dma_wait3A_1307, %dma_wait3A_1308] : memref<24x128xi32, #tpu.memory_space<vmem>> -> memref<8x128xi32, #tpu.memory_space<vmem>>
      %dma_wait3A_1310 = arith.constant 0 : i32
      %dma_wait3A_1311 = tpu.memref_slice %arg4[%mul3A_2, %dma_wait3A_1310] : memref<256x128xi32, #tpu.memory_space<hbm>> -> memref<8x128xi32, #tpu.memory_space<hbm>>
      %dma_wait3A_1312 = arith.constant 8 : i32
      %dma_wait3A_1313 = arith.constant 0 : i32
      %dma_wait3A_1314 = tpu.memref_slice %arg9[%dma_wait3A_1312, %dma_wait3A_1313] : memref<24x128xi32, #tpu.memory_space<vmem>> -> memref<8x128xi32, #tpu.memory_space<vmem>>
      %dma_wait3A_1315 = arith.constant 0 : i32
      %dma_wait3A_1316 = tpu.memref_slice %arg4[%mul3A_2, %dma_wait3A_1315] : memref<256x128xi32, #tpu.memory_space<hbm>> -> memref<8x128xi32, #tpu.memory_space<hbm>>
      tpu.wait_dma2 semaphore(%run_scoped3A : memref<!tpu.dma_semaphore, #tpu.memory_space<semaphore_mem>>) src(%dma_wait3A_1316 : memref<8x128xi32, #tpu.memory_space<hbm>>) dst(%dma_wait3A_1314 : memref<8x128xi32, #tpu.memory_space<vmem>>)
      tpu.yield
    }) : () -> ()
    "tpu.region"() ({
      %run_scoped3A = tpu.sem_alloc : memref<!tpu.dma_semaphore, #tpu.memory_space<semaphore_mem>>
      %dma_start3A_1297 = arith.constant 16 : i32
      %dma_start3A_1298 = arith.constant 0 : i32
      %dma_start3A_1299 = tpu.memref_slice %arg9[%dma_start3A_1297, %dma_start3A_1298] : memref<24x128xi32, #tpu.memory_space<vmem>> -> memref<8x128xi32, #tpu.memory_space<vmem>>
      %dma_start3A_1300 = arith.constant 0 : i32
      %dma_start3A_1301 = tpu.memref_slice %arg5[%mul3A_2, %dma_start3A_1300] : memref<256x128xi32, #tpu.memory_space<hbm>> -> memref<8x128xi32, #tpu.memory_space<hbm>>
      %dma_start3A_1302 = arith.constant 16 : i32
      %dma_start3A_1303 = arith.constant 0 : i32
      %dma_start3A_1304 = tpu.memref_slice %arg9[%dma_start3A_1302, %dma_start3A_1303] : memref<24x128xi32, #tpu.memory_space<vmem>> -> memref<8x128xi32, #tpu.memory_space<vmem>>
      %dma_start3A_1305 = arith.constant 0 : i32
      %dma_start3A_1306 = tpu.memref_slice %arg5[%mul3A_2, %dma_start3A_1305] : memref<256x128xi32, #tpu.memory_space<hbm>> -> memref<8x128xi32, #tpu.memory_space<hbm>>
      tpu.enqueue_dma source(%dma_start3A_1306 : memref<8x128xi32, #tpu.memory_space<hbm>>) target(%dma_start3A_1304 : memref<8x128xi32, #tpu.memory_space<vmem>>) target_semaphore(%run_scoped3A : memref<!tpu.dma_semaphore, #tpu.memory_space<semaphore_mem>>)
      %dma_wait3A_1307 = arith.constant 16 : i32
      %dma_wait3A_1308 = arith.constant 0 : i32
      %dma_wait3A_1309 = tpu.memref_slice %arg9[%dma_wait3A_1307, %dma_wait3A_1308] : memref<24x128xi32, #tpu.memory_space<vmem>> -> memref<8x128xi32, #tpu.memory_space<vmem>>
      %dma_wait3A_1310 = arith.constant 0 : i32
      %dma_wait3A_1311 = tpu.memref_slice %arg5[%mul3A_2, %dma_wait3A_1310] : memref<256x128xi32, #tpu.memory_space<hbm>> -> memref<8x128xi32, #tpu.memory_space<hbm>>
      %dma_wait3A_1312 = arith.constant 16 : i32
      %dma_wait3A_1313 = arith.constant 0 : i32
      %dma_wait3A_1314 = tpu.memref_slice %arg9[%dma_wait3A_1312, %dma_wait3A_1313] : memref<24x128xi32, #tpu.memory_space<vmem>> -> memref<8x128xi32, #tpu.memory_space<vmem>>
      %dma_wait3A_1315 = arith.constant 0 : i32
      %dma_wait3A_1316 = tpu.memref_slice %arg5[%mul3A_2, %dma_wait3A_1315] : memref<256x128xi32, #tpu.memory_space<hbm>> -> memref<8x128xi32, #tpu.memory_space<hbm>>
      tpu.wait_dma2 semaphore(%run_scoped3A : memref<!tpu.dma_semaphore, #tpu.memory_space<semaphore_mem>>) src(%dma_wait3A_1316 : memref<8x128xi32, #tpu.memory_space<hbm>>) dst(%dma_wait3A_1314 : memref<8x128xi32, #tpu.memory_space<vmem>>)
      tpu.yield
    }) : () -> ()
    %dma_start3A = arith.constant 0 : i32
    %dma_start3A_3 = arith.constant 0 : i32
    %dma_start3A_4 = arith.constant 0 : i32
    %dma_start3A_5 = arith.constant 0 : i32
    %dma_start3A_6 = tpu.memref_slice %arg10[%dma_start3A_3, %dma_start3A_4, %dma_start3A_5] : memref<4x128x128xf32, #tpu.memory_space<vmem>> -> memref<1x128x128xf32, #tpu.memory_space<vmem>>
    %dma_start3A_7 = tpu.memref_squeeze %dma_start3A_6 : memref<1x128x128xf32, #tpu.memory_space<vmem>> -> memref<128x128xf32, #tpu.memory_space<vmem>>
    %dma_start3A_8 = arith.constant 0 : i32
    %dma_start3A_9 = tpu.memref_slice %arg9[%dma_start3A, %dma_start3A_8] : memref<24x128xi32, #tpu.memory_space<vmem>> -> memref<1x128xi32, #tpu.memory_space<vmem>>
    %dma_start3A_10 = tpu.memref_squeeze %dma_start3A_9 : memref<1x128xi32, #tpu.memory_space<vmem>> -> memref<128xi32, #tpu.memory_space<vmem>>
    %dma_start3A_11 = arith.constant 0 : i32
    %dma_start3A_12 = arith.constant 0 : i32
    %dma_start3A_13 = tpu.memref_slice %arg2[%dma_start3A_11, %dma_start3A_12] : memref<8192x128xf32, #tpu.memory_space<hbm>> -> memref<8192x128xf32, #tpu.memory_space<hbm>>
    tpu.enqueue_indirect_dma source(%dma_start3A_13 : memref<8192x128xf32, #tpu.memory_space<hbm>>) target(%dma_start3A_7 : memref<128x128xf32, #tpu.memory_space<vmem>>) offsets(%dma_start3A_10 : memref<128xi32, #tpu.memory_space<vmem>>) semaphore(%arg11 : memref<!tpu.dma_semaphore, #tpu.memory_space<semaphore_mem>>)
    %dma_start3A_14 = arith.constant 1 : i32
    %dma_start3A_15 = arith.constant 1 : i32
    %dma_start3A_16 = arith.constant 0 : i32
    %dma_start3A_17 = arith.constant 0 : i32
    %dma_start3A_18 = tpu.memref_slice %arg10[%dma_start3A_15, %dma_start3A_16, %dma_start3A_17] : memref<4x128x128xf32, #tpu.memory_space<vmem>> -> memref<1x128x128xf32, #tpu.memory_space<vmem>>
    %dma_start3A_19 = tpu.memref_squeeze %dma_start3A_18 : memref<1x128x128xf32, #tpu.memory_space<vmem>> -> memref<128x128xf32, #tpu.memory_space<vmem>>
    %dma_start3A_20 = arith.constant 0 : i32
    %dma_start3A_21 = tpu.memref_slice %arg9[%dma_start3A_14, %dma_start3A_20] : memref<24x128xi32, #tpu.memory_space<vmem>> -> memref<1x128xi32, #tpu.memory_space<vmem>>
    %dma_start3A_22 = tpu.memref_squeeze %dma_start3A_21 : memref<1x128xi32, #tpu.memory_space<vmem>> -> memref<128xi32, #tpu.memory_space<vmem>>
    %dma_start3A_23 = arith.constant 0 : i32
    %dma_start3A_24 = arith.constant 0 : i32
    %dma_start3A_25 = tpu.memref_slice %arg2[%dma_start3A_23, %dma_start3A_24] : memref<8192x128xf32, #tpu.memory_space<hbm>> -> memref<8192x128xf32, #tpu.memory_space<hbm>>
    tpu.enqueue_indirect_dma source(%dma_start3A_25 : memref<8192x128xf32, #tpu.memory_space<hbm>>) target(%dma_start3A_19 : memref<128x128xf32, #tpu.memory_space<vmem>>) offsets(%dma_start3A_22 : memref<128xi32, #tpu.memory_space<vmem>>) semaphore(%arg12 : memref<!tpu.dma_semaphore, #tpu.memory_space<semaphore_mem>>)
    %dma_start3A_26 = arith.constant 2 : i32
    %dma_start3A_27 = arith.constant 2 : i32
    %dma_start3A_28 = arith.constant 0 : i32
    %dma_start3A_29 = arith.constant 0 : i32
    %dma_start3A_30 = tpu.memref_slice %arg10[%dma_start3A_27, %dma_start3A_28, %dma_start3A_29] : memref<4x128x128xf32, #tpu.memory_space<vmem>> -> memref<1x128x128xf32, #tpu.memory_space<vmem>>
    %dma_start3A_31 = tpu.memref_squeeze %dma_start3A_30 : memref<1x128x128xf32, #tpu.memory_space<vmem>> -> memref<128x128xf32, #tpu.memory_space<vmem>>
    %dma_start3A_32 = arith.constant 0 : i32
    %dma_start3A_33 = tpu.memref_slice %arg9[%dma_start3A_26, %dma_start3A_32] : memref<24x128xi32, #tpu.memory_space<vmem>> -> memref<1x128xi32, #tpu.memory_space<vmem>>
    %dma_start3A_34 = tpu.memref_squeeze %dma_start3A_33 : memref<1x128xi32, #tpu.memory_space<vmem>> -> memref<128xi32, #tpu.memory_space<vmem>>
    %dma_start3A_35 = arith.constant 0 : i32
    %dma_start3A_36 = arith.constant 0 : i32
    %dma_start3A_37 = tpu.memref_slice %arg2[%dma_start3A_35, %dma_start3A_36] : memref<8192x128xf32, #tpu.memory_space<hbm>> -> memref<8192x128xf32, #tpu.memory_space<hbm>>
    tpu.enqueue_indirect_dma source(%dma_start3A_37 : memref<8192x128xf32, #tpu.memory_space<hbm>>) target(%dma_start3A_31 : memref<128x128xf32, #tpu.memory_space<vmem>>) offsets(%dma_start3A_34 : memref<128xi32, #tpu.memory_space<vmem>>) semaphore(%arg13 : memref<!tpu.dma_semaphore, #tpu.memory_space<semaphore_mem>>)
    %dma_start3A_38 = arith.constant 3 : i32
    %dma_start3A_39 = arith.constant 3 : i32
    %dma_start3A_40 = arith.constant 0 : i32
    %dma_start3A_41 = arith.constant 0 : i32
    %dma_start3A_42 = tpu.memref_slice %arg10[%dma_start3A_39, %dma_start3A_40, %dma_start3A_41] : memref<4x128x128xf32, #tpu.memory_space<vmem>> -> memref<1x128x128xf32, #tpu.memory_space<vmem>>
    %dma_start3A_43 = tpu.memref_squeeze %dma_start3A_42 : memref<1x128x128xf32, #tpu.memory_space<vmem>> -> memref<128x128xf32, #tpu.memory_space<vmem>>
    %dma_start3A_44 = arith.constant 0 : i32
    %dma_start3A_45 = tpu.memref_slice %arg9[%dma_start3A_38, %dma_start3A_44] : memref<24x128xi32, #tpu.memory_space<vmem>> -> memref<1x128xi32, #tpu.memory_space<vmem>>
    %dma_start3A_46 = tpu.memref_squeeze %dma_start3A_45 : memref<1x128xi32, #tpu.memory_space<vmem>> -> memref<128xi32, #tpu.memory_space<vmem>>
    %dma_start3A_47 = arith.constant 0 : i32
    %dma_start3A_48 = arith.constant 0 : i32
    %dma_start3A_49 = tpu.memref_slice %arg2[%dma_start3A_47, %dma_start3A_48] : memref<8192x128xf32, #tpu.memory_space<hbm>> -> memref<8192x128xf32, #tpu.memory_space<hbm>>
    tpu.enqueue_indirect_dma source(%dma_start3A_49 : memref<8192x128xf32, #tpu.memory_space<hbm>>) target(%dma_start3A_43 : memref<128x128xf32, #tpu.memory_space<vmem>>) offsets(%dma_start3A_46 : memref<128xi32, #tpu.memory_space<vmem>>) semaphore(%arg14 : memref<!tpu.dma_semaphore, #tpu.memory_space<semaphore_mem>>)
    %dma_wait3A = arith.constant 0 : i32
    %dma_wait3A_50 = arith.constant 0 : i32
    %dma_wait3A_51 = arith.constant 0 : i32
    %dma_wait3A_52 = arith.constant 0 : i32
    %dma_wait3A_53 = tpu.memref_slice %arg10[%dma_wait3A_50, %dma_wait3A_51, %dma_wait3A_52] : memref<4x128x128xf32, #tpu.memory_space<vmem>> -> memref<1x128x128xf32, #tpu.memory_space<vmem>>
    %dma_wait3A_54 = tpu.memref_squeeze %dma_wait3A_53 : memref<1x128x128xf32, #tpu.memory_space<vmem>> -> memref<128x128xf32, #tpu.memory_space<vmem>>
    %dma_wait3A_55 = arith.constant 0 : i32
    %dma_wait3A_56 = tpu.memref_slice %arg9[%dma_wait3A, %dma_wait3A_55] : memref<24x128xi32, #tpu.memory_space<vmem>> -> memref<1x128xi32, #tpu.memory_space<vmem>>
    %dma_wait3A_57 = tpu.memref_squeeze %dma_wait3A_56 : memref<1x128xi32, #tpu.memory_space<vmem>> -> memref<128xi32, #tpu.memory_space<vmem>>
    %dma_wait3A_58 = arith.constant 0 : i32
    %dma_wait3A_59 = arith.constant 0 : i32
    %dma_wait3A_60 = tpu.memref_slice %arg2[%dma_wait3A_58, %dma_wait3A_59] : memref<8192x128xf32, #tpu.memory_space<hbm>> -> memref<8192x128xf32, #tpu.memory_space<hbm>>
    tpu.wait_indirect_dma semaphore(%arg11 : memref<!tpu.dma_semaphore, #tpu.memory_space<semaphore_mem>>) src(%dma_wait3A_60 : memref<8192x128xf32, #tpu.memory_space<hbm>>) dst(%dma_wait3A_54 : memref<128x128xf32, #tpu.memory_space<vmem>>)
    %mul3A_61 = arith.constant 1024 : i32
    %mul3A_62 = arith.muli %add3A, %mul3A_61 : i32
    %add3A_63 = arith.constant 0 : i32
    %add3A_64 = arith.addi %mul3A_62, %add3A_63 : i32
    %dma_start3A_65 = arith.constant 0 : i32
    %dma_start3A_66 = arith.constant 0 : i32
    %dma_start3A_67 = arith.constant 0 : i32
    %dma_start3A_68 = tpu.memref_slice %arg10[%dma_start3A_65, %dma_start3A_66, %dma_start3A_67] : memref<4x128x128xf32, #tpu.memory_space<vmem>> -> memref<1x128x128xf32, #tpu.memory_space<vmem>>
    %dma_start3A_69 = tpu.memref_squeeze %dma_start3A_68 : memref<1x128x128xf32, #tpu.memory_space<vmem>> -> memref<128x128xf32, #tpu.memory_space<vmem>>
    %dma_start3A_70 = arith.constant 0 : i32
    %dma_start3A_71 = tpu.memref_slice %arg6[%add3A_64, %dma_start3A_70] : memref<32768x128xf32, #tpu.memory_space<hbm>> -> memref<128x128xf32, #tpu.memory_space<hbm>>
    %dma_start3A_72 = arith.constant 0 : i32
    %dma_start3A_73 = tpu.memref_slice %arg6[%add3A_64, %dma_start3A_72] : memref<32768x128xf32, #tpu.memory_space<hbm>> -> memref<128x128xf32, #tpu.memory_space<hbm>>
    %dma_start3A_74 = arith.constant 0 : i32
    %dma_start3A_75 = arith.constant 0 : i32
    %dma_start3A_76 = tpu.memref_slice %arg10[%dma_start3A_65, %dma_start3A_74, %dma_start3A_75] : memref<4x128x128xf32, #tpu.memory_space<vmem>> -> memref<1x128x128xf32, #tpu.memory_space<vmem>>
    %dma_start3A_77 = tpu.memref_squeeze %dma_start3A_76 : memref<1x128x128xf32, #tpu.memory_space<vmem>> -> memref<128x128xf32, #tpu.memory_space<vmem>>
    tpu.enqueue_dma source(%dma_start3A_77 : memref<128x128xf32, #tpu.memory_space<vmem>>) target(%dma_start3A_73 : memref<128x128xf32, #tpu.memory_space<hbm>>) target_semaphore(%arg15 : memref<!tpu.dma_semaphore, #tpu.memory_space<semaphore_mem>>)
    %dma_wait3A_78 = arith.constant 0 : i32
    %dma_wait3A_79 = arith.constant 0 : i32
    %dma_wait3A_80 = arith.constant 0 : i32
    %dma_wait3A_81 = tpu.memref_slice %arg10[%dma_wait3A_78, %dma_wait3A_79, %dma_wait3A_80] : memref<4x128x128xf32, #tpu.memory_space<vmem>> -> memref<1x128x128xf32, #tpu.memory_space<vmem>>
    %dma_wait3A_82 = tpu.memref_squeeze %dma_wait3A_81 : memref<1x128x128xf32, #tpu.memory_space<vmem>> -> memref<128x128xf32, #tpu.memory_space<vmem>>
    %dma_wait3A_83 = arith.constant 0 : i32
    %dma_wait3A_84 = tpu.memref_slice %arg6[%add3A_64, %dma_wait3A_83] : memref<32768x128xf32, #tpu.memory_space<hbm>> -> memref<128x128xf32, #tpu.memory_space<hbm>>
    %dma_wait3A_85 = arith.constant 0 : i32
    %dma_wait3A_86 = tpu.memref_slice %arg6[%add3A_64, %dma_wait3A_85] : memref<32768x128xf32, #tpu.memory_space<hbm>> -> memref<128x128xf32, #tpu.memory_space<hbm>>
    %dma_wait3A_87 = arith.constant 0 : i32
    %dma_wait3A_88 = arith.constant 0 : i32
    %dma_wait3A_89 = tpu.memref_slice %arg10[%dma_wait3A_78, %dma_wait3A_87, %dma_wait3A_88] : memref<4x128x128xf32, #tpu.memory_space<vmem>> -> memref<1x128x128xf32, #tpu.memory_space<vmem>>
    %dma_wait3A_90 = tpu.memref_squeeze %dma_wait3A_89 : memref<1x128x128xf32, #tpu.memory_space<vmem>> -> memref<128x128xf32, #tpu.memory_space<vmem>>
    tpu.wait_dma2 semaphore(%arg15 : memref<!tpu.dma_semaphore, #tpu.memory_space<semaphore_mem>>) src(%dma_wait3A_90 : memref<128x128xf32, #tpu.memory_space<vmem>>) dst(%dma_wait3A_86 : memref<128x128xf32, #tpu.memory_space<hbm>>)
    %dma_start3A_91 = arith.constant 4 : i32
    %dma_start3A_92 = arith.constant 0 : i32
    %dma_start3A_93 = arith.constant 0 : i32
    %dma_start3A_94 = arith.constant 0 : i32
    %dma_start3A_95 = tpu.memref_slice %arg10[%dma_start3A_92, %dma_start3A_93, %dma_start3A_94] : memref<4x128x128xf32, #tpu.memory_space<vmem>> -> memref<1x128x128xf32, #tpu.memory_space<vmem>>
    %dma_start3A_96 = tpu.memref_squeeze %dma_start3A_95 : memref<1x128x128xf32, #tpu.memory_space<vmem>> -> memref<128x128xf32, #tpu.memory_space<vmem>>
    %dma_start3A_97 = arith.constant 0 : i32
    %dma_start3A_98 = tpu.memref_slice %arg9[%dma_start3A_91, %dma_start3A_97] : memref<24x128xi32, #tpu.memory_space<vmem>> -> memref<1x128xi32, #tpu.memory_space<vmem>>
    %dma_start3A_99 = tpu.memref_squeeze %dma_start3A_98 : memref<1x128xi32, #tpu.memory_space<vmem>> -> memref<128xi32, #tpu.memory_space<vmem>>
    %dma_start3A_100 = arith.constant 0 : i32
    %dma_start3A_101 = arith.constant 0 : i32
    %dma_start3A_102 = tpu.memref_slice %arg2[%dma_start3A_100, %dma_start3A_101] : memref<8192x128xf32, #tpu.memory_space<hbm>> -> memref<8192x128xf32, #tpu.memory_space<hbm>>
    tpu.enqueue_indirect_dma source(%dma_start3A_102 : memref<8192x128xf32, #tpu.memory_space<hbm>>) target(%dma_start3A_96 : memref<128x128xf32, #tpu.memory_space<vmem>>) offsets(%dma_start3A_99 : memref<128xi32, #tpu.memory_space<vmem>>) semaphore(%arg11 : memref<!tpu.dma_semaphore, #tpu.memory_space<semaphore_mem>>)
    %dma_wait3A_103 = arith.constant 1 : i32
    %dma_wait3A_104 = arith.constant 1 : i32
    %dma_wait3A_105 = arith.constant 0 : i32
    %dma_wait3A_106 = arith.constant 0 : i32
    %dma_wait3A_107 = tpu.memref_slice %arg10[%dma_wait3A_104, %dma_wait3A_105, %dma_wait3A_106] : memref<4x128x128xf32, #tpu.memory_space<vmem>> -> memref<1x128x128xf32, #tpu.memory_space<vmem>>
    %dma_wait3A_108 = tpu.memref_squeeze %dma_wait3A_107 : memref<1x128x128xf32, #tpu.memory_space<vmem>> -> memref<128x128xf32, #tpu.memory_space<vmem>>
    %dma_wait3A_109 = arith.constant 0 : i32
    %dma_wait3A_110 = tpu.memref_slice %arg9[%dma_wait3A_103, %dma_wait3A_109] : memref<24x128xi32, #tpu.memory_space<vmem>> -> memref<1x128xi32, #tpu.memory_space<vmem>>
    %dma_wait3A_111 = tpu.memref_squeeze %dma_wait3A_110 : memref<1x128xi32, #tpu.memory_space<vmem>> -> memref<128xi32, #tpu.memory_space<vmem>>
    %dma_wait3A_112 = arith.constant 0 : i32
    %dma_wait3A_113 = arith.constant 0 : i32
    %dma_wait3A_114 = tpu.memref_slice %arg2[%dma_wait3A_112, %dma_wait3A_113] : memref<8192x128xf32, #tpu.memory_space<hbm>> -> memref<8192x128xf32, #tpu.memory_space<hbm>>
    tpu.wait_indirect_dma semaphore(%arg12 : memref<!tpu.dma_semaphore, #tpu.memory_space<semaphore_mem>>) src(%dma_wait3A_114 : memref<8192x128xf32, #tpu.memory_space<hbm>>) dst(%dma_wait3A_108 : memref<128x128xf32, #tpu.memory_space<vmem>>)
    %mul3A_115 = arith.constant 1024 : i32
    %mul3A_116 = arith.muli %add3A, %mul3A_115 : i32
    %add3A_117 = arith.constant 128 : i32
    %add3A_118 = arith.addi %mul3A_116, %add3A_117 : i32
    %dma_start3A_119 = arith.constant 1 : i32
    %dma_start3A_120 = arith.constant 0 : i32
    %dma_start3A_121 = arith.constant 0 : i32
    %dma_start3A_122 = tpu.memref_slice %arg10[%dma_start3A_119, %dma_start3A_120, %dma_start3A_121] : memref<4x128x128xf32, #tpu.memory_space<vmem>> -> memref<1x128x128xf32, #tpu.memory_space<vmem>>
    %dma_start3A_123 = tpu.memref_squeeze %dma_start3A_122 : memref<1x128x128xf32, #tpu.memory_space<vmem>> -> memref<128x128xf32, #tpu.memory_space<vmem>>
    %dma_start3A_124 = arith.constant 0 : i32
    %dma_start3A_125 = tpu.memref_slice %arg6[%add3A_118, %dma_start3A_124] : memref<32768x128xf32, #tpu.memory_space<hbm>> -> memref<128x128xf32, #tpu.memory_space<hbm>>
    %dma_start3A_126 = arith.constant 0 : i32
    %dma_start3A_127 = tpu.memref_slice %arg6[%add3A_118, %dma_start3A_126] : memref<32768x128xf32, #tpu.memory_space<hbm>> -> memref<128x128xf32, #tpu.memory_space<hbm>>
    %dma_start3A_128 = arith.constant 0 : i32
    %dma_start3A_129 = arith.constant 0 : i32
    %dma_start3A_130 = tpu.memref_slice %arg10[%dma_start3A_119, %dma_start3A_128, %dma_start3A_129] : memref<4x128x128xf32, #tpu.memory_space<vmem>> -> memref<1x128x128xf32, #tpu.memory_space<vmem>>
    %dma_start3A_131 = tpu.memref_squeeze %dma_start3A_130 : memref<1x128x128xf32, #tpu.memory_space<vmem>> -> memref<128x128xf32, #tpu.memory_space<vmem>>
    tpu.enqueue_dma source(%dma_start3A_131 : memref<128x128xf32, #tpu.memory_space<vmem>>) target(%dma_start3A_127 : memref<128x128xf32, #tpu.memory_space<hbm>>) target_semaphore(%arg16 : memref<!tpu.dma_semaphore, #tpu.memory_space<semaphore_mem>>)
    %dma_wait3A_132 = arith.constant 1 : i32
    %dma_wait3A_133 = arith.constant 0 : i32
    %dma_wait3A_134 = arith.constant 0 : i32
    %dma_wait3A_135 = tpu.memref_slice %arg10[%dma_wait3A_132, %dma_wait3A_133, %dma_wait3A_134] : memref<4x128x128xf32, #tpu.memory_space<vmem>> -> memref<1x128x128xf32, #tpu.memory_space<vmem>>
    %dma_wait3A_136 = tpu.memref_squeeze %dma_wait3A_135 : memref<1x128x128xf32, #tpu.memory_space<vmem>> -> memref<128x128xf32, #tpu.memory_space<vmem>>
    %dma_wait3A_137 = arith.constant 0 : i32
    %dma_wait3A_138 = tpu.memref_slice %arg6[%add3A_118, %dma_wait3A_137] : memref<32768x128xf32, #tpu.memory_space<hbm>> -> memref<128x128xf32, #tpu.memory_space<hbm>>
    %dma_wait3A_139 = arith.constant 0 : i32
    %dma_wait3A_140 = tpu.memref_slice %arg6[%add3A_118, %dma_wait3A_139] : memref<32768x128xf32, #tpu.memory_space<hbm>> -> memref<128x128xf32, #tpu.memory_space<hbm>>
    %dma_wait3A_141 = arith.constant 0 : i32
    %dma_wait3A_142 = arith.constant 0 : i32
    %dma_wait3A_143 = tpu.memref_slice %arg10[%dma_wait3A_132, %dma_wait3A_141, %dma_wait3A_142] : memref<4x128x128xf32, #tpu.memory_space<vmem>> -> memref<1x128x128xf32, #tpu.memory_space<vmem>>
    %dma_wait3A_144 = tpu.memref_squeeze %dma_wait3A_143 : memref<1x128x128xf32, #tpu.memory_space<vmem>> -> memref<128x128xf32, #tpu.memory_space<vmem>>
    tpu.wait_dma2 semaphore(%arg16 : memref<!tpu.dma_semaphore, #tpu.memory_space<semaphore_mem>>) src(%dma_wait3A_144 : memref<128x128xf32, #tpu.memory_space<vmem>>) dst(%dma_wait3A_140 : memref<128x128xf32, #tpu.memory_space<hbm>>)
    %dma_start3A_145 = arith.constant 5 : i32
    %dma_start3A_146 = arith.constant 1 : i32
    %dma_start3A_147 = arith.constant 0 : i32
    %dma_start3A_148 = arith.constant 0 : i32
    %dma_start3A_149 = tpu.memref_slice %arg10[%dma_start3A_146, %dma_start3A_147, %dma_start3A_148] : memref<4x128x128xf32, #tpu.memory_space<vmem>> -> memref<1x128x128xf32, #tpu.memory_space<vmem>>
    %dma_start3A_150 = tpu.memref_squeeze %dma_start3A_149 : memref<1x128x128xf32, #tpu.memory_space<vmem>> -> memref<128x128xf32, #tpu.memory_space<vmem>>
    %dma_start3A_151 = arith.constant 0 : i32
    %dma_start3A_152 = tpu.memref_slice %arg9[%dma_start3A_145, %dma_start3A_151] : memref<24x128xi32, #tpu.memory_space<vmem>> -> memref<1x128xi32, #tpu.memory_space<vmem>>
    %dma_start3A_153 = tpu.memref_squeeze %dma_start3A_152 : memref<1x128xi32, #tpu.memory_space<vmem>> -> memref<128xi32, #tpu.memory_space<vmem>>
    %dma_start3A_154 = arith.constant 0 : i32
    %dma_start3A_155 = arith.constant 0 : i32
    %dma_start3A_156 = tpu.memref_slice %arg2[%dma_start3A_154, %dma_start3A_155] : memref<8192x128xf32, #tpu.memory_space<hbm>> -> memref<8192x128xf32, #tpu.memory_space<hbm>>
    tpu.enqueue_indirect_dma source(%dma_start3A_156 : memref<8192x128xf32, #tpu.memory_space<hbm>>) target(%dma_start3A_150 : memref<128x128xf32, #tpu.memory_space<vmem>>) offsets(%dma_start3A_153 : memref<128xi32, #tpu.memory_space<vmem>>) semaphore(%arg12 : memref<!tpu.dma_semaphore, #tpu.memory_space<semaphore_mem>>)
    %dma_wait3A_157 = arith.constant 2 : i32
    %dma_wait3A_158 = arith.constant 2 : i32
    %dma_wait3A_159 = arith.constant 0 : i32
    %dma_wait3A_160 = arith.constant 0 : i32
    %dma_wait3A_161 = tpu.memref_slice %arg10[%dma_wait3A_158, %dma_wait3A_159, %dma_wait3A_160] : memref<4x128x128xf32, #tpu.memory_space<vmem>> -> memref<1x128x128xf32, #tpu.memory_space<vmem>>
    %dma_wait3A_162 = tpu.memref_squeeze %dma_wait3A_161 : memref<1x128x128xf32, #tpu.memory_space<vmem>> -> memref<128x128xf32, #tpu.memory_space<vmem>>
    %dma_wait3A_163 = arith.constant 0 : i32
    %dma_wait3A_164 = tpu.memref_slice %arg9[%dma_wait3A_157, %dma_wait3A_163] : memref<24x128xi32, #tpu.memory_space<vmem>> -> memref<1x128xi32, #tpu.memory_space<vmem>>
    %dma_wait3A_165 = tpu.memref_squeeze %dma_wait3A_164 : memref<1x128xi32, #tpu.memory_space<vmem>> -> memref<128xi32, #tpu.memory_space<vmem>>
    %dma_wait3A_166 = arith.constant 0 : i32
    %dma_wait3A_167 = arith.constant 0 : i32
    %dma_wait3A_168 = tpu.memref_slice %arg2[%dma_wait3A_166, %dma_wait3A_167] : memref<8192x128xf32, #tpu.memory_space<hbm>> -> memref<8192x128xf32, #tpu.memory_space<hbm>>
    tpu.wait_indirect_dma semaphore(%arg13 : memref<!tpu.dma_semaphore, #tpu.memory_space<semaphore_mem>>) src(%dma_wait3A_168 : memref<8192x128xf32, #tpu.memory_space<hbm>>) dst(%dma_wait3A_162 : memref<128x128xf32, #tpu.memory_space<vmem>>)
    %mul3A_169 = arith.constant 1024 : i32
    %mul3A_170 = arith.muli %add3A, %mul3A_169 : i32
    %add3A_171 = arith.constant 256 : i32
    %add3A_172 = arith.addi %mul3A_170, %add3A_171 : i32
    %dma_start3A_173 = arith.constant 2 : i32
    %dma_start3A_174 = arith.constant 0 : i32
    %dma_start3A_175 = arith.constant 0 : i32
    %dma_start3A_176 = tpu.memref_slice %arg10[%dma_start3A_173, %dma_start3A_174, %dma_start3A_175] : memref<4x128x128xf32, #tpu.memory_space<vmem>> -> memref<1x128x128xf32, #tpu.memory_space<vmem>>
    %dma_start3A_177 = tpu.memref_squeeze %dma_start3A_176 : memref<1x128x128xf32, #tpu.memory_space<vmem>> -> memref<128x128xf32, #tpu.memory_space<vmem>>
    %dma_start3A_178 = arith.constant 0 : i32
    %dma_start3A_179 = tpu.memref_slice %arg6[%add3A_172, %dma_start3A_178] : memref<32768x128xf32, #tpu.memory_space<hbm>> -> memref<128x128xf32, #tpu.memory_space<hbm>>
    %dma_start3A_180 = arith.constant 0 : i32
    %dma_start3A_181 = tpu.memref_slice %arg6[%add3A_172, %dma_start3A_180] : memref<32768x128xf32, #tpu.memory_space<hbm>> -> memref<128x128xf32, #tpu.memory_space<hbm>>
    %dma_start3A_182 = arith.constant 0 : i32
    %dma_start3A_183 = arith.constant 0 : i32
    %dma_start3A_184 = tpu.memref_slice %arg10[%dma_start3A_173, %dma_start3A_182, %dma_start3A_183] : memref<4x128x128xf32, #tpu.memory_space<vmem>> -> memref<1x128x128xf32, #tpu.memory_space<vmem>>
    %dma_start3A_185 = tpu.memref_squeeze %dma_start3A_184 : memref<1x128x128xf32, #tpu.memory_space<vmem>> -> memref<128x128xf32, #tpu.memory_space<vmem>>
    tpu.enqueue_dma source(%dma_start3A_185 : memref<128x128xf32, #tpu.memory_space<vmem>>) target(%dma_start3A_181 : memref<128x128xf32, #tpu.memory_space<hbm>>) target_semaphore(%arg17 : memref<!tpu.dma_semaphore, #tpu.memory_space<semaphore_mem>>)
    %dma_wait3A_186 = arith.constant 2 : i32
    %dma_wait3A_187 = arith.constant 0 : i32
    %dma_wait3A_188 = arith.constant 0 : i32
    %dma_wait3A_189 = tpu.memref_slice %arg10[%dma_wait3A_186, %dma_wait3A_187, %dma_wait3A_188] : memref<4x128x128xf32, #tpu.memory_space<vmem>> -> memref<1x128x128xf32, #tpu.memory_space<vmem>>
    %dma_wait3A_190 = tpu.memref_squeeze %dma_wait3A_189 : memref<1x128x128xf32, #tpu.memory_space<vmem>> -> memref<128x128xf32, #tpu.memory_space<vmem>>
    %dma_wait3A_191 = arith.constant 0 : i32
    %dma_wait3A_192 = tpu.memref_slice %arg6[%add3A_172, %dma_wait3A_191] : memref<32768x128xf32, #tpu.memory_space<hbm>> -> memref<128x128xf32, #tpu.memory_space<hbm>>
    %dma_wait3A_193 = arith.constant 0 : i32
    %dma_wait3A_194 = tpu.memref_slice %arg6[%add3A_172, %dma_wait3A_193] : memref<32768x128xf32, #tpu.memory_space<hbm>> -> memref<128x128xf32, #tpu.memory_space<hbm>>
    %dma_wait3A_195 = arith.constant 0 : i32
    %dma_wait3A_196 = arith.constant 0 : i32
    %dma_wait3A_197 = tpu.memref_slice %arg10[%dma_wait3A_186, %dma_wait3A_195, %dma_wait3A_196] : memref<4x128x128xf32, #tpu.memory_space<vmem>> -> memref<1x128x128xf32, #tpu.memory_space<vmem>>
    %dma_wait3A_198 = tpu.memref_squeeze %dma_wait3A_197 : memref<1x128x128xf32, #tpu.memory_space<vmem>> -> memref<128x128xf32, #tpu.memory_space<vmem>>
    tpu.wait_dma2 semaphore(%arg17 : memref<!tpu.dma_semaphore, #tpu.memory_space<semaphore_mem>>) src(%dma_wait3A_198 : memref<128x128xf32, #tpu.memory_space<vmem>>) dst(%dma_wait3A_194 : memref<128x128xf32, #tpu.memory_space<hbm>>)
    %dma_start3A_199 = arith.constant 6 : i32
    %dma_start3A_200 = arith.constant 2 : i32
    %dma_start3A_201 = arith.constant 0 : i32
    %dma_start3A_202 = arith.constant 0 : i32
    %dma_start3A_203 = tpu.memref_slice %arg10[%dma_start3A_200, %dma_start3A_201, %dma_start3A_202] : memref<4x128x128xf32, #tpu.memory_space<vmem>> -> memref<1x128x128xf32, #tpu.memory_space<vmem>>
    %dma_start3A_204 = tpu.memref_squeeze %dma_start3A_203 : memref<1x128x128xf32, #tpu.memory_space<vmem>> -> memref<128x128xf32, #tpu.memory_space<vmem>>
    %dma_start3A_205 = arith.constant 0 : i32
    %dma_start3A_206 = tpu.memref_slice %arg9[%dma_start3A_199, %dma_start3A_205] : memref<24x128xi32, #tpu.memory_space<vmem>> -> memref<1x128xi32, #tpu.memory_space<vmem>>
    %dma_start3A_207 = tpu.memref_squeeze %dma_start3A_206 : memref<1x128xi32, #tpu.memory_space<vmem>> -> memref<128xi32, #tpu.memory_space<vmem>>
    %dma_start3A_208 = arith.constant 0 : i32
    %dma_start3A_209 = arith.constant 0 : i32
    %dma_start3A_210 = tpu.memref_slice %arg2[%dma_start3A_208, %dma_start3A_209] : memref<8192x128xf32, #tpu.memory_space<hbm>> -> memref<8192x128xf32, #tpu.memory_space<hbm>>
    tpu.enqueue_indirect_dma source(%dma_start3A_210 : memref<8192x128xf32, #tpu.memory_space<hbm>>) target(%dma_start3A_204 : memref<128x128xf32, #tpu.memory_space<vmem>>) offsets(%dma_start3A_207 : memref<128xi32, #tpu.memory_space<vmem>>) semaphore(%arg13 : memref<!tpu.dma_semaphore, #tpu.memory_space<semaphore_mem>>)
    %dma_wait3A_211 = arith.constant 3 : i32
    %dma_wait3A_212 = arith.constant 3 : i32
    %dma_wait3A_213 = arith.constant 0 : i32
    %dma_wait3A_214 = arith.constant 0 : i32
    %dma_wait3A_215 = tpu.memref_slice %arg10[%dma_wait3A_212, %dma_wait3A_213, %dma_wait3A_214] : memref<4x128x128xf32, #tpu.memory_space<vmem>> -> memref<1x128x128xf32, #tpu.memory_space<vmem>>
    %dma_wait3A_216 = tpu.memref_squeeze %dma_wait3A_215 : memref<1x128x128xf32, #tpu.memory_space<vmem>> -> memref<128x128xf32, #tpu.memory_space<vmem>>
    %dma_wait3A_217 = arith.constant 0 : i32
    %dma_wait3A_218 = tpu.memref_slice %arg9[%dma_wait3A_211, %dma_wait3A_217] : memref<24x128xi32, #tpu.memory_space<vmem>> -> memref<1x128xi32, #tpu.memory_space<vmem>>
    %dma_wait3A_219 = tpu.memref_squeeze %dma_wait3A_218 : memref<1x128xi32, #tpu.memory_space<vmem>> -> memref<128xi32, #tpu.memory_space<vmem>>
    %dma_wait3A_220 = arith.constant 0 : i32
    %dma_wait3A_221 = arith.constant 0 : i32
    %dma_wait3A_222 = tpu.memref_slice %arg2[%dma_wait3A_220, %dma_wait3A_221] : memref<8192x128xf32, #tpu.memory_space<hbm>> -> memref<8192x128xf32, #tpu.memory_space<hbm>>
    tpu.wait_indirect_dma semaphore(%arg14 : memref<!tpu.dma_semaphore, #tpu.memory_space<semaphore_mem>>) src(%dma_wait3A_222 : memref<8192x128xf32, #tpu.memory_space<hbm>>) dst(%dma_wait3A_216 : memref<128x128xf32, #tpu.memory_space<vmem>>)
    %mul3A_223 = arith.constant 1024 : i32
    %mul3A_224 = arith.muli %add3A, %mul3A_223 : i32
    %add3A_225 = arith.constant 384 : i32
    %add3A_226 = arith.addi %mul3A_224, %add3A_225 : i32
    %dma_start3A_227 = arith.constant 3 : i32
    %dma_start3A_228 = arith.constant 0 : i32
    %dma_start3A_229 = arith.constant 0 : i32
    %dma_start3A_230 = tpu.memref_slice %arg10[%dma_start3A_227, %dma_start3A_228, %dma_start3A_229] : memref<4x128x128xf32, #tpu.memory_space<vmem>> -> memref<1x128x128xf32, #tpu.memory_space<vmem>>
    %dma_start3A_231 = tpu.memref_squeeze %dma_start3A_230 : memref<1x128x128xf32, #tpu.memory_space<vmem>> -> memref<128x128xf32, #tpu.memory_space<vmem>>
    %dma_start3A_232 = arith.constant 0 : i32
    %dma_start3A_233 = tpu.memref_slice %arg6[%add3A_226, %dma_start3A_232] : memref<32768x128xf32, #tpu.memory_space<hbm>> -> memref<128x128xf32, #tpu.memory_space<hbm>>
    %dma_start3A_234 = arith.constant 0 : i32
    %dma_start3A_235 = tpu.memref_slice %arg6[%add3A_226, %dma_start3A_234] : memref<32768x128xf32, #tpu.memory_space<hbm>> -> memref<128x128xf32, #tpu.memory_space<hbm>>
    %dma_start3A_236 = arith.constant 0 : i32
    %dma_start3A_237 = arith.constant 0 : i32
    %dma_start3A_238 = tpu.memref_slice %arg10[%dma_start3A_227, %dma_start3A_236, %dma_start3A_237] : memref<4x128x128xf32, #tpu.memory_space<vmem>> -> memref<1x128x128xf32, #tpu.memory_space<vmem>>
    %dma_start3A_239 = tpu.memref_squeeze %dma_start3A_238 : memref<1x128x128xf32, #tpu.memory_space<vmem>> -> memref<128x128xf32, #tpu.memory_space<vmem>>
    tpu.enqueue_dma source(%dma_start3A_239 : memref<128x128xf32, #tpu.memory_space<vmem>>) target(%dma_start3A_235 : memref<128x128xf32, #tpu.memory_space<hbm>>) target_semaphore(%arg18 : memref<!tpu.dma_semaphore, #tpu.memory_space<semaphore_mem>>)
    %dma_wait3A_240 = arith.constant 3 : i32
    %dma_wait3A_241 = arith.constant 0 : i32
    %dma_wait3A_242 = arith.constant 0 : i32
    %dma_wait3A_243 = tpu.memref_slice %arg10[%dma_wait3A_240, %dma_wait3A_241, %dma_wait3A_242] : memref<4x128x128xf32, #tpu.memory_space<vmem>> -> memref<1x128x128xf32, #tpu.memory_space<vmem>>
    %dma_wait3A_244 = tpu.memref_squeeze %dma_wait3A_243 : memref<1x128x128xf32, #tpu.memory_space<vmem>> -> memref<128x128xf32, #tpu.memory_space<vmem>>
    %dma_wait3A_245 = arith.constant 0 : i32
    %dma_wait3A_246 = tpu.memref_slice %arg6[%add3A_226, %dma_wait3A_245] : memref<32768x128xf32, #tpu.memory_space<hbm>> -> memref<128x128xf32, #tpu.memory_space<hbm>>
    %dma_wait3A_247 = arith.constant 0 : i32
    %dma_wait3A_248 = tpu.memref_slice %arg6[%add3A_226, %dma_wait3A_247] : memref<32768x128xf32, #tpu.memory_space<hbm>> -> memref<128x128xf32, #tpu.memory_space<hbm>>
    %dma_wait3A_249 = arith.constant 0 : i32
    %dma_wait3A_250 = arith.constant 0 : i32
    %dma_wait3A_251 = tpu.memref_slice %arg10[%dma_wait3A_240, %dma_wait3A_249, %dma_wait3A_250] : memref<4x128x128xf32, #tpu.memory_space<vmem>> -> memref<1x128x128xf32, #tpu.memory_space<vmem>>
    %dma_wait3A_252 = tpu.memref_squeeze %dma_wait3A_251 : memref<1x128x128xf32, #tpu.memory_space<vmem>> -> memref<128x128xf32, #tpu.memory_space<vmem>>
    tpu.wait_dma2 semaphore(%arg18 : memref<!tpu.dma_semaphore, #tpu.memory_space<semaphore_mem>>) src(%dma_wait3A_252 : memref<128x128xf32, #tpu.memory_space<vmem>>) dst(%dma_wait3A_248 : memref<128x128xf32, #tpu.memory_space<hbm>>)
    %dma_start3A_253 = arith.constant 7 : i32
    %dma_start3A_254 = arith.constant 3 : i32
    %dma_start3A_255 = arith.constant 0 : i32
    %dma_start3A_256 = arith.constant 0 : i32
    %dma_start3A_257 = tpu.memref_slice %arg10[%dma_start3A_254, %dma_start3A_255, %dma_start3A_256] : memref<4x128x128xf32, #tpu.memory_space<vmem>> -> memref<1x128x128xf32, #tpu.memory_space<vmem>>
    %dma_start3A_258 = tpu.memref_squeeze %dma_start3A_257 : memref<1x128x128xf32, #tpu.memory_space<vmem>> -> memref<128x128xf32, #tpu.memory_space<vmem>>
    %dma_start3A_259 = arith.constant 0 : i32
    %dma_start3A_260 = tpu.memref_slice %arg9[%dma_start3A_253, %dma_start3A_259] : memref<24x128xi32, #tpu.memory_space<vmem>> -> memref<1x128xi32, #tpu.memory_space<vmem>>
    %dma_start3A_261 = tpu.memref_squeeze %dma_start3A_260 : memref<1x128xi32, #tpu.memory_space<vmem>> -> memref<128xi32, #tpu.memory_space<vmem>>
    %dma_start3A_262 = arith.constant 0 : i32
    %dma_start3A_263 = arith.constant 0 : i32
    %dma_start3A_264 = tpu.memref_slice %arg2[%dma_start3A_262, %dma_start3A_263] : memref<8192x128xf32, #tpu.memory_space<hbm>> -> memref<8192x128xf32, #tpu.memory_space<hbm>>
    tpu.enqueue_indirect_dma source(%dma_start3A_264 : memref<8192x128xf32, #tpu.memory_space<hbm>>) target(%dma_start3A_258 : memref<128x128xf32, #tpu.memory_space<vmem>>) offsets(%dma_start3A_261 : memref<128xi32, #tpu.memory_space<vmem>>) semaphore(%arg14 : memref<!tpu.dma_semaphore, #tpu.memory_space<semaphore_mem>>)
    %dma_wait3A_265 = arith.constant 4 : i32
    %dma_wait3A_266 = arith.constant 0 : i32
    %dma_wait3A_267 = arith.constant 0 : i32
    %dma_wait3A_268 = arith.constant 0 : i32
    %dma_wait3A_269 = tpu.memref_slice %arg10[%dma_wait3A_266, %dma_wait3A_267, %dma_wait3A_268] : memref<4x128x128xf32, #tpu.memory_space<vmem>> -> memref<1x128x128xf32, #tpu.memory_space<vmem>>
    %dma_wait3A_270 = tpu.memref_squeeze %dma_wait3A_269 : memref<1x128x128xf32, #tpu.memory_space<vmem>> -> memref<128x128xf32, #tpu.memory_space<vmem>>
    %dma_wait3A_271 = arith.constant 0 : i32
    %dma_wait3A_272 = tpu.memref_slice %arg9[%dma_wait3A_265, %dma_wait3A_271] : memref<24x128xi32, #tpu.memory_space<vmem>> -> memref<1x128xi32, #tpu.memory_space<vmem>>
    %dma_wait3A_273 = tpu.memref_squeeze %dma_wait3A_272 : memref<1x128xi32, #tpu.memory_space<vmem>> -> memref<128xi32, #tpu.memory_space<vmem>>
    %dma_wait3A_274 = arith.constant 0 : i32
    %dma_wait3A_275 = arith.constant 0 : i32
    %dma_wait3A_276 = tpu.memref_slice %arg2[%dma_wait3A_274, %dma_wait3A_275] : memref<8192x128xf32, #tpu.memory_space<hbm>> -> memref<8192x128xf32, #tpu.memory_space<hbm>>
    tpu.wait_indirect_dma semaphore(%arg11 : memref<!tpu.dma_semaphore, #tpu.memory_space<semaphore_mem>>) src(%dma_wait3A_276 : memref<8192x128xf32, #tpu.memory_space<hbm>>) dst(%dma_wait3A_270 : memref<128x128xf32, #tpu.memory_space<vmem>>)
    %mul3A_277 = arith.constant 1024 : i32
    %mul3A_278 = arith.muli %add3A, %mul3A_277 : i32
    %add3A_279 = arith.constant 512 : i32
    %add3A_280 = arith.addi %mul3A_278, %add3A_279 : i32
    %dma_start3A_281 = arith.constant 0 : i32
    %dma_start3A_282 = arith.constant 0 : i32
    %dma_start3A_283 = arith.constant 0 : i32
    %dma_start3A_284 = tpu.memref_slice %arg10[%dma_start3A_281, %dma_start3A_282, %dma_start3A_283] : memref<4x128x128xf32, #tpu.memory_space<vmem>> -> memref<1x128x128xf32, #tpu.memory_space<vmem>>
    %dma_start3A_285 = tpu.memref_squeeze %dma_start3A_284 : memref<1x128x128xf32, #tpu.memory_space<vmem>> -> memref<128x128xf32, #tpu.memory_space<vmem>>
    %dma_start3A_286 = arith.constant 0 : i32
    %dma_start3A_287 = tpu.memref_slice %arg6[%add3A_280, %dma_start3A_286] : memref<32768x128xf32, #tpu.memory_space<hbm>> -> memref<128x128xf32, #tpu.memory_space<hbm>>
    %dma_start3A_288 = arith.constant 0 : i32
    %dma_start3A_289 = tpu.memref_slice %arg6[%add3A_280, %dma_start3A_288] : memref<32768x128xf32, #tpu.memory_space<hbm>> -> memref<128x128xf32, #tpu.memory_space<hbm>>
    %dma_start3A_290 = arith.constant 0 : i32
    %dma_start3A_291 = arith.constant 0 : i32
    %dma_start3A_292 = tpu.memref_slice %arg10[%dma_start3A_281, %dma_start3A_290, %dma_start3A_291] : memref<4x128x128xf32, #tpu.memory_space<vmem>> -> memref<1x128x128xf32, #tpu.memory_space<vmem>>
    %dma_start3A_293 = tpu.memref_squeeze %dma_start3A_292 : memref<1x128x128xf32, #tpu.memory_space<vmem>> -> memref<128x128xf32, #tpu.memory_space<vmem>>
    tpu.enqueue_dma source(%dma_start3A_293 : memref<128x128xf32, #tpu.memory_space<vmem>>) target(%dma_start3A_289 : memref<128x128xf32, #tpu.memory_space<hbm>>) target_semaphore(%arg15 : memref<!tpu.dma_semaphore, #tpu.memory_space<semaphore_mem>>)
    %dma_wait3A_294 = arith.constant 0 : i32
    %dma_wait3A_295 = arith.constant 0 : i32
    %dma_wait3A_296 = arith.constant 0 : i32
    %dma_wait3A_297 = tpu.memref_slice %arg10[%dma_wait3A_294, %dma_wait3A_295, %dma_wait3A_296] : memref<4x128x128xf32, #tpu.memory_space<vmem>> -> memref<1x128x128xf32, #tpu.memory_space<vmem>>
    %dma_wait3A_298 = tpu.memref_squeeze %dma_wait3A_297 : memref<1x128x128xf32, #tpu.memory_space<vmem>> -> memref<128x128xf32, #tpu.memory_space<vmem>>
    %dma_wait3A_299 = arith.constant 0 : i32
    %dma_wait3A_300 = tpu.memref_slice %arg6[%add3A_280, %dma_wait3A_299] : memref<32768x128xf32, #tpu.memory_space<hbm>> -> memref<128x128xf32, #tpu.memory_space<hbm>>
    %dma_wait3A_301 = arith.constant 0 : i32
    %dma_wait3A_302 = tpu.memref_slice %arg6[%add3A_280, %dma_wait3A_301] : memref<32768x128xf32, #tpu.memory_space<hbm>> -> memref<128x128xf32, #tpu.memory_space<hbm>>
    %dma_wait3A_303 = arith.constant 0 : i32
    %dma_wait3A_304 = arith.constant 0 : i32
    %dma_wait3A_305 = tpu.memref_slice %arg10[%dma_wait3A_294, %dma_wait3A_303, %dma_wait3A_304] : memref<4x128x128xf32, #tpu.memory_space<vmem>> -> memref<1x128x128xf32, #tpu.memory_space<vmem>>
    %dma_wait3A_306 = tpu.memref_squeeze %dma_wait3A_305 : memref<1x128x128xf32, #tpu.memory_space<vmem>> -> memref<128x128xf32, #tpu.memory_space<vmem>>
    tpu.wait_dma2 semaphore(%arg15 : memref<!tpu.dma_semaphore, #tpu.memory_space<semaphore_mem>>) src(%dma_wait3A_306 : memref<128x128xf32, #tpu.memory_space<vmem>>) dst(%dma_wait3A_302 : memref<128x128xf32, #tpu.memory_space<hbm>>)
    %dma_start3A_307 = arith.constant 8 : i32
    %dma_start3A_308 = arith.constant 0 : i32
    %dma_start3A_309 = arith.constant 0 : i32
    %dma_start3A_310 = arith.constant 0 : i32
    %dma_start3A_311 = tpu.memref_slice %arg10[%dma_start3A_308, %dma_start3A_309, %dma_start3A_310] : memref<4x128x128xf32, #tpu.memory_space<vmem>> -> memref<1x128x128xf32, #tpu.memory_space<vmem>>
    %dma_start3A_312 = tpu.memref_squeeze %dma_start3A_311 : memref<1x128x128xf32, #tpu.memory_space<vmem>> -> memref<128x128xf32, #tpu.memory_space<vmem>>
    %dma_start3A_313 = arith.constant 0 : i32
    %dma_start3A_314 = tpu.memref_slice %arg9[%dma_start3A_307, %dma_start3A_313] : memref<24x128xi32, #tpu.memory_space<vmem>> -> memref<1x128xi32, #tpu.memory_space<vmem>>
    %dma_start3A_315 = tpu.memref_squeeze %dma_start3A_314 : memref<1x128xi32, #tpu.memory_space<vmem>> -> memref<128xi32, #tpu.memory_space<vmem>>
    %dma_start3A_316 = arith.constant 0 : i32
    %dma_start3A_317 = arith.constant 0 : i32
    %dma_start3A_318 = tpu.memref_slice %arg2[%dma_start3A_316, %dma_start3A_317] : memref<8192x128xf32, #tpu.memory_space<hbm>> -> memref<8192x128xf32, #tpu.memory_space<hbm>>
    tpu.enqueue_indirect_dma source(%dma_start3A_318 : memref<8192x128xf32, #tpu.memory_space<hbm>>) target(%dma_start3A_312 : memref<128x128xf32, #tpu.memory_space<vmem>>) offsets(%dma_start3A_315 : memref<128xi32, #tpu.memory_space<vmem>>) semaphore(%arg11 : memref<!tpu.dma_semaphore, #tpu.memory_space<semaphore_mem>>)
    %dma_wait3A_319 = arith.constant 5 : i32
    %dma_wait3A_320 = arith.constant 1 : i32
    %dma_wait3A_321 = arith.constant 0 : i32
    %dma_wait3A_322 = arith.constant 0 : i32
    %dma_wait3A_323 = tpu.memref_slice %arg10[%dma_wait3A_320, %dma_wait3A_321, %dma_wait3A_322] : memref<4x128x128xf32, #tpu.memory_space<vmem>> -> memref<1x128x128xf32, #tpu.memory_space<vmem>>
    %dma_wait3A_324 = tpu.memref_squeeze %dma_wait3A_323 : memref<1x128x128xf32, #tpu.memory_space<vmem>> -> memref<128x128xf32, #tpu.memory_space<vmem>>
    %dma_wait3A_325 = arith.constant 0 : i32
    %dma_wait3A_326 = tpu.memref_slice %arg9[%dma_wait3A_319, %dma_wait3A_325] : memref<24x128xi32, #tpu.memory_space<vmem>> -> memref<1x128xi32, #tpu.memory_space<vmem>>
    %dma_wait3A_327 = tpu.memref_squeeze %dma_wait3A_326 : memref<1x128xi32, #tpu.memory_space<vmem>> -> memref<128xi32, #tpu.memory_space<vmem>>
    %dma_wait3A_328 = arith.constant 0 : i32
    %dma_wait3A_329 = arith.constant 0 : i32
    %dma_wait3A_330 = tpu.memref_slice %arg2[%dma_wait3A_328, %dma_wait3A_329] : memref<8192x128xf32, #tpu.memory_space<hbm>> -> memref<8192x128xf32, #tpu.memory_space<hbm>>
    tpu.wait_indirect_dma semaphore(%arg12 : memref<!tpu.dma_semaphore, #tpu.memory_space<semaphore_mem>>) src(%dma_wait3A_330 : memref<8192x128xf32, #tpu.memory_space<hbm>>) dst(%dma_wait3A_324 : memref<128x128xf32, #tpu.memory_space<vmem>>)
    %mul3A_331 = arith.constant 1024 : i32
    %mul3A_332 = arith.muli %add3A, %mul3A_331 : i32
    %add3A_333 = arith.constant 640 : i32
    %add3A_334 = arith.addi %mul3A_332, %add3A_333 : i32
    %dma_start3A_335 = arith.constant 1 : i32
    %dma_start3A_336 = arith.constant 0 : i32
    %dma_start3A_337 = arith.constant 0 : i32
    %dma_start3A_338 = tpu.memref_slice %arg10[%dma_start3A_335, %dma_start3A_336, %dma_start3A_337] : memref<4x128x128xf32, #tpu.memory_space<vmem>> -> memref<1x128x128xf32, #tpu.memory_space<vmem>>
    %dma_start3A_339 = tpu.memref_squeeze %dma_start3A_338 : memref<1x128x128xf32, #tpu.memory_space<vmem>> -> memref<128x128xf32, #tpu.memory_space<vmem>>
    %dma_start3A_340 = arith.constant 0 : i32
    %dma_start3A_341 = tpu.memref_slice %arg6[%add3A_334, %dma_start3A_340] : memref<32768x128xf32, #tpu.memory_space<hbm>> -> memref<128x128xf32, #tpu.memory_space<hbm>>
    %dma_start3A_342 = arith.constant 0 : i32
    %dma_start3A_343 = tpu.memref_slice %arg6[%add3A_334, %dma_start3A_342] : memref<32768x128xf32, #tpu.memory_space<hbm>> -> memref<128x128xf32, #tpu.memory_space<hbm>>
    %dma_start3A_344 = arith.constant 0 : i32
    %dma_start3A_345 = arith.constant 0 : i32
    %dma_start3A_346 = tpu.memref_slice %arg10[%dma_start3A_335, %dma_start3A_344, %dma_start3A_345] : memref<4x128x128xf32, #tpu.memory_space<vmem>> -> memref<1x128x128xf32, #tpu.memory_space<vmem>>
    %dma_start3A_347 = tpu.memref_squeeze %dma_start3A_346 : memref<1x128x128xf32, #tpu.memory_space<vmem>> -> memref<128x128xf32, #tpu.memory_space<vmem>>
    tpu.enqueue_dma source(%dma_start3A_347 : memref<128x128xf32, #tpu.memory_space<vmem>>) target(%dma_start3A_343 : memref<128x128xf32, #tpu.memory_space<hbm>>) target_semaphore(%arg16 : memref<!tpu.dma_semaphore, #tpu.memory_space<semaphore_mem>>)
    %dma_wait3A_348 = arith.constant 1 : i32
    %dma_wait3A_349 = arith.constant 0 : i32
    %dma_wait3A_350 = arith.constant 0 : i32
    %dma_wait3A_351 = tpu.memref_slice %arg10[%dma_wait3A_348, %dma_wait3A_349, %dma_wait3A_350] : memref<4x128x128xf32, #tpu.memory_space<vmem>> -> memref<1x128x128xf32, #tpu.memory_space<vmem>>
    %dma_wait3A_352 = tpu.memref_squeeze %dma_wait3A_351 : memref<1x128x128xf32, #tpu.memory_space<vmem>> -> memref<128x128xf32, #tpu.memory_space<vmem>>
    %dma_wait3A_353 = arith.constant 0 : i32
    %dma_wait3A_354 = tpu.memref_slice %arg6[%add3A_334, %dma_wait3A_353] : memref<32768x128xf32, #tpu.memory_space<hbm>> -> memref<128x128xf32, #tpu.memory_space<hbm>>
    %dma_wait3A_355 = arith.constant 0 : i32
    %dma_wait3A_356 = tpu.memref_slice %arg6[%add3A_334, %dma_wait3A_355] : memref<32768x128xf32, #tpu.memory_space<hbm>> -> memref<128x128xf32, #tpu.memory_space<hbm>>
    %dma_wait3A_357 = arith.constant 0 : i32
    %dma_wait3A_358 = arith.constant 0 : i32
    %dma_wait3A_359 = tpu.memref_slice %arg10[%dma_wait3A_348, %dma_wait3A_357, %dma_wait3A_358] : memref<4x128x128xf32, #tpu.memory_space<vmem>> -> memref<1x128x128xf32, #tpu.memory_space<vmem>>
    %dma_wait3A_360 = tpu.memref_squeeze %dma_wait3A_359 : memref<1x128x128xf32, #tpu.memory_space<vmem>> -> memref<128x128xf32, #tpu.memory_space<vmem>>
    tpu.wait_dma2 semaphore(%arg16 : memref<!tpu.dma_semaphore, #tpu.memory_space<semaphore_mem>>) src(%dma_wait3A_360 : memref<128x128xf32, #tpu.memory_space<vmem>>) dst(%dma_wait3A_356 : memref<128x128xf32, #tpu.memory_space<hbm>>)
    %dma_start3A_361 = arith.constant 9 : i32
    %dma_start3A_362 = arith.constant 1 : i32
    %dma_start3A_363 = arith.constant 0 : i32
    %dma_start3A_364 = arith.constant 0 : i32
    %dma_start3A_365 = tpu.memref_slice %arg10[%dma_start3A_362, %dma_start3A_363, %dma_start3A_364] : memref<4x128x128xf32, #tpu.memory_space<vmem>> -> memref<1x128x128xf32, #tpu.memory_space<vmem>>
    %dma_start3A_366 = tpu.memref_squeeze %dma_start3A_365 : memref<1x128x128xf32, #tpu.memory_space<vmem>> -> memref<128x128xf32, #tpu.memory_space<vmem>>
    %dma_start3A_367 = arith.constant 0 : i32
    %dma_start3A_368 = tpu.memref_slice %arg9[%dma_start3A_361, %dma_start3A_367] : memref<24x128xi32, #tpu.memory_space<vmem>> -> memref<1x128xi32, #tpu.memory_space<vmem>>
    %dma_start3A_369 = tpu.memref_squeeze %dma_start3A_368 : memref<1x128xi32, #tpu.memory_space<vmem>> -> memref<128xi32, #tpu.memory_space<vmem>>
    %dma_start3A_370 = arith.constant 0 : i32
    %dma_start3A_371 = arith.constant 0 : i32
    %dma_start3A_372 = tpu.memref_slice %arg2[%dma_start3A_370, %dma_start3A_371] : memref<8192x128xf32, #tpu.memory_space<hbm>> -> memref<8192x128xf32, #tpu.memory_space<hbm>>
    tpu.enqueue_indirect_dma source(%dma_start3A_372 : memref<8192x128xf32, #tpu.memory_space<hbm>>) target(%dma_start3A_366 : memref<128x128xf32, #tpu.memory_space<vmem>>) offsets(%dma_start3A_369 : memref<128xi32, #tpu.memory_space<vmem>>) semaphore(%arg12 : memref<!tpu.dma_semaphore, #tpu.memory_space<semaphore_mem>>)
    %dma_wait3A_373 = arith.constant 6 : i32
    %dma_wait3A_374 = arith.constant 2 : i32
    %dma_wait3A_375 = arith.constant 0 : i32
    %dma_wait3A_376 = arith.constant 0 : i32
    %dma_wait3A_377 = tpu.memref_slice %arg10[%dma_wait3A_374, %dma_wait3A_375, %dma_wait3A_376] : memref<4x128x128xf32, #tpu.memory_space<vmem>> -> memref<1x128x128xf32, #tpu.memory_space<vmem>>
    %dma_wait3A_378 = tpu.memref_squeeze %dma_wait3A_377 : memref<1x128x128xf32, #tpu.memory_space<vmem>> -> memref<128x128xf32, #tpu.memory_space<vmem>>
    %dma_wait3A_379 = arith.constant 0 : i32
    %dma_wait3A_380 = tpu.memref_slice %arg9[%dma_wait3A_373, %dma_wait3A_379] : memref<24x128xi32, #tpu.memory_space<vmem>> -> memref<1x128xi32, #tpu.memory_space<vmem>>
    %dma_wait3A_381 = tpu.memref_squeeze %dma_wait3A_380 : memref<1x128xi32, #tpu.memory_space<vmem>> -> memref<128xi32, #tpu.memory_space<vmem>>
    %dma_wait3A_382 = arith.constant 0 : i32
    %dma_wait3A_383 = arith.constant 0 : i32
    %dma_wait3A_384 = tpu.memref_slice %arg2[%dma_wait3A_382, %dma_wait3A_383] : memref<8192x128xf32, #tpu.memory_space<hbm>> -> memref<8192x128xf32, #tpu.memory_space<hbm>>
    tpu.wait_indirect_dma semaphore(%arg13 : memref<!tpu.dma_semaphore, #tpu.memory_space<semaphore_mem>>) src(%dma_wait3A_384 : memref<8192x128xf32, #tpu.memory_space<hbm>>) dst(%dma_wait3A_378 : memref<128x128xf32, #tpu.memory_space<vmem>>)
    %mul3A_385 = arith.constant 1024 : i32
    %mul3A_386 = arith.muli %add3A, %mul3A_385 : i32
    %add3A_387 = arith.constant 768 : i32
    %add3A_388 = arith.addi %mul3A_386, %add3A_387 : i32
    %dma_start3A_389 = arith.constant 2 : i32
    %dma_start3A_390 = arith.constant 0 : i32
    %dma_start3A_391 = arith.constant 0 : i32
    %dma_start3A_392 = tpu.memref_slice %arg10[%dma_start3A_389, %dma_start3A_390, %dma_start3A_391] : memref<4x128x128xf32, #tpu.memory_space<vmem>> -> memref<1x128x128xf32, #tpu.memory_space<vmem>>
    %dma_start3A_393 = tpu.memref_squeeze %dma_start3A_392 : memref<1x128x128xf32, #tpu.memory_space<vmem>> -> memref<128x128xf32, #tpu.memory_space<vmem>>
    %dma_start3A_394 = arith.constant 0 : i32
    %dma_start3A_395 = tpu.memref_slice %arg6[%add3A_388, %dma_start3A_394] : memref<32768x128xf32, #tpu.memory_space<hbm>> -> memref<128x128xf32, #tpu.memory_space<hbm>>
    %dma_start3A_396 = arith.constant 0 : i32
    %dma_start3A_397 = tpu.memref_slice %arg6[%add3A_388, %dma_start3A_396] : memref<32768x128xf32, #tpu.memory_space<hbm>> -> memref<128x128xf32, #tpu.memory_space<hbm>>
    %dma_start3A_398 = arith.constant 0 : i32
    %dma_start3A_399 = arith.constant 0 : i32
    %dma_start3A_400 = tpu.memref_slice %arg10[%dma_start3A_389, %dma_start3A_398, %dma_start3A_399] : memref<4x128x128xf32, #tpu.memory_space<vmem>> -> memref<1x128x128xf32, #tpu.memory_space<vmem>>
    %dma_start3A_401 = tpu.memref_squeeze %dma_start3A_400 : memref<1x128x128xf32, #tpu.memory_space<vmem>> -> memref<128x128xf32, #tpu.memory_space<vmem>>
    tpu.enqueue_dma source(%dma_start3A_401 : memref<128x128xf32, #tpu.memory_space<vmem>>) target(%dma_start3A_397 : memref<128x128xf32, #tpu.memory_space<hbm>>) target_semaphore(%arg17 : memref<!tpu.dma_semaphore, #tpu.memory_space<semaphore_mem>>)
    %dma_wait3A_402 = arith.constant 2 : i32
    %dma_wait3A_403 = arith.constant 0 : i32
    %dma_wait3A_404 = arith.constant 0 : i32
    %dma_wait3A_405 = tpu.memref_slice %arg10[%dma_wait3A_402, %dma_wait3A_403, %dma_wait3A_404] : memref<4x128x128xf32, #tpu.memory_space<vmem>> -> memref<1x128x128xf32, #tpu.memory_space<vmem>>
    %dma_wait3A_406 = tpu.memref_squeeze %dma_wait3A_405 : memref<1x128x128xf32, #tpu.memory_space<vmem>> -> memref<128x128xf32, #tpu.memory_space<vmem>>
    %dma_wait3A_407 = arith.constant 0 : i32
    %dma_wait3A_408 = tpu.memref_slice %arg6[%add3A_388, %dma_wait3A_407] : memref<32768x128xf32, #tpu.memory_space<hbm>> -> memref<128x128xf32, #tpu.memory_space<hbm>>
    %dma_wait3A_409 = arith.constant 0 : i32
    %dma_wait3A_410 = tpu.memref_slice %arg6[%add3A_388, %dma_wait3A_409] : memref<32768x128xf32, #tpu.memory_space<hbm>> -> memref<128x128xf32, #tpu.memory_space<hbm>>
    %dma_wait3A_411 = arith.constant 0 : i32
    %dma_wait3A_412 = arith.constant 0 : i32
    %dma_wait3A_413 = tpu.memref_slice %arg10[%dma_wait3A_402, %dma_wait3A_411, %dma_wait3A_412] : memref<4x128x128xf32, #tpu.memory_space<vmem>> -> memref<1x128x128xf32, #tpu.memory_space<vmem>>
    %dma_wait3A_414 = tpu.memref_squeeze %dma_wait3A_413 : memref<1x128x128xf32, #tpu.memory_space<vmem>> -> memref<128x128xf32, #tpu.memory_space<vmem>>
    tpu.wait_dma2 semaphore(%arg17 : memref<!tpu.dma_semaphore, #tpu.memory_space<semaphore_mem>>) src(%dma_wait3A_414 : memref<128x128xf32, #tpu.memory_space<vmem>>) dst(%dma_wait3A_410 : memref<128x128xf32, #tpu.memory_space<hbm>>)
    %dma_start3A_415 = arith.constant 10 : i32
    %dma_start3A_416 = arith.constant 2 : i32
    %dma_start3A_417 = arith.constant 0 : i32
    %dma_start3A_418 = arith.constant 0 : i32
    %dma_start3A_419 = tpu.memref_slice %arg10[%dma_start3A_416, %dma_start3A_417, %dma_start3A_418] : memref<4x128x128xf32, #tpu.memory_space<vmem>> -> memref<1x128x128xf32, #tpu.memory_space<vmem>>
    %dma_start3A_420 = tpu.memref_squeeze %dma_start3A_419 : memref<1x128x128xf32, #tpu.memory_space<vmem>> -> memref<128x128xf32, #tpu.memory_space<vmem>>
    %dma_start3A_421 = arith.constant 0 : i32
    %dma_start3A_422 = tpu.memref_slice %arg9[%dma_start3A_415, %dma_start3A_421] : memref<24x128xi32, #tpu.memory_space<vmem>> -> memref<1x128xi32, #tpu.memory_space<vmem>>
    %dma_start3A_423 = tpu.memref_squeeze %dma_start3A_422 : memref<1x128xi32, #tpu.memory_space<vmem>> -> memref<128xi32, #tpu.memory_space<vmem>>
    %dma_start3A_424 = arith.constant 0 : i32
    %dma_start3A_425 = arith.constant 0 : i32
    %dma_start3A_426 = tpu.memref_slice %arg2[%dma_start3A_424, %dma_start3A_425] : memref<8192x128xf32, #tpu.memory_space<hbm>> -> memref<8192x128xf32, #tpu.memory_space<hbm>>
    tpu.enqueue_indirect_dma source(%dma_start3A_426 : memref<8192x128xf32, #tpu.memory_space<hbm>>) target(%dma_start3A_420 : memref<128x128xf32, #tpu.memory_space<vmem>>) offsets(%dma_start3A_423 : memref<128xi32, #tpu.memory_space<vmem>>) semaphore(%arg13 : memref<!tpu.dma_semaphore, #tpu.memory_space<semaphore_mem>>)
    %dma_wait3A_427 = arith.constant 7 : i32
    %dma_wait3A_428 = arith.constant 3 : i32
    %dma_wait3A_429 = arith.constant 0 : i32
    %dma_wait3A_430 = arith.constant 0 : i32
    %dma_wait3A_431 = tpu.memref_slice %arg10[%dma_wait3A_428, %dma_wait3A_429, %dma_wait3A_430] : memref<4x128x128xf32, #tpu.memory_space<vmem>> -> memref<1x128x128xf32, #tpu.memory_space<vmem>>
    %dma_wait3A_432 = tpu.memref_squeeze %dma_wait3A_431 : memref<1x128x128xf32, #tpu.memory_space<vmem>> -> memref<128x128xf32, #tpu.memory_space<vmem>>
    %dma_wait3A_433 = arith.constant 0 : i32
    %dma_wait3A_434 = tpu.memref_slice %arg9[%dma_wait3A_427, %dma_wait3A_433] : memref<24x128xi32, #tpu.memory_space<vmem>> -> memref<1x128xi32, #tpu.memory_space<vmem>>
    %dma_wait3A_435 = tpu.memref_squeeze %dma_wait3A_434 : memref<1x128xi32, #tpu.memory_space<vmem>> -> memref<128xi32, #tpu.memory_space<vmem>>
    %dma_wait3A_436 = arith.constant 0 : i32
    %dma_wait3A_437 = arith.constant 0 : i32
    %dma_wait3A_438 = tpu.memref_slice %arg2[%dma_wait3A_436, %dma_wait3A_437] : memref<8192x128xf32, #tpu.memory_space<hbm>> -> memref<8192x128xf32, #tpu.memory_space<hbm>>
    tpu.wait_indirect_dma semaphore(%arg14 : memref<!tpu.dma_semaphore, #tpu.memory_space<semaphore_mem>>) src(%dma_wait3A_438 : memref<8192x128xf32, #tpu.memory_space<hbm>>) dst(%dma_wait3A_432 : memref<128x128xf32, #tpu.memory_space<vmem>>)
    %mul3A_439 = arith.constant 1024 : i32
    %mul3A_440 = arith.muli %add3A, %mul3A_439 : i32
    %add3A_441 = arith.constant 896 : i32
    %add3A_442 = arith.addi %mul3A_440, %add3A_441 : i32
    %dma_start3A_443 = arith.constant 3 : i32
    %dma_start3A_444 = arith.constant 0 : i32
    %dma_start3A_445 = arith.constant 0 : i32
    %dma_start3A_446 = tpu.memref_slice %arg10[%dma_start3A_443, %dma_start3A_444, %dma_start3A_445] : memref<4x128x128xf32, #tpu.memory_space<vmem>> -> memref<1x128x128xf32, #tpu.memory_space<vmem>>
    %dma_start3A_447 = tpu.memref_squeeze %dma_start3A_446 : memref<1x128x128xf32, #tpu.memory_space<vmem>> -> memref<128x128xf32, #tpu.memory_space<vmem>>
    %dma_start3A_448 = arith.constant 0 : i32
    %dma_start3A_449 = tpu.memref_slice %arg6[%add3A_442, %dma_start3A_448] : memref<32768x128xf32, #tpu.memory_space<hbm>> -> memref<128x128xf32, #tpu.memory_space<hbm>>
    %dma_start3A_450 = arith.constant 0 : i32
    %dma_start3A_451 = tpu.memref_slice %arg6[%add3A_442, %dma_start3A_450] : memref<32768x128xf32, #tpu.memory_space<hbm>> -> memref<128x128xf32, #tpu.memory_space<hbm>>
    %dma_start3A_452 = arith.constant 0 : i32
    %dma_start3A_453 = arith.constant 0 : i32
    %dma_start3A_454 = tpu.memref_slice %arg10[%dma_start3A_443, %dma_start3A_452, %dma_start3A_453] : memref<4x128x128xf32, #tpu.memory_space<vmem>> -> memref<1x128x128xf32, #tpu.memory_space<vmem>>
    %dma_start3A_455 = tpu.memref_squeeze %dma_start3A_454 : memref<1x128x128xf32, #tpu.memory_space<vmem>> -> memref<128x128xf32, #tpu.memory_space<vmem>>
    tpu.enqueue_dma source(%dma_start3A_455 : memref<128x128xf32, #tpu.memory_space<vmem>>) target(%dma_start3A_451 : memref<128x128xf32, #tpu.memory_space<hbm>>) target_semaphore(%arg18 : memref<!tpu.dma_semaphore, #tpu.memory_space<semaphore_mem>>)
    %dma_wait3A_456 = arith.constant 3 : i32
    %dma_wait3A_457 = arith.constant 0 : i32
    %dma_wait3A_458 = arith.constant 0 : i32
    %dma_wait3A_459 = tpu.memref_slice %arg10[%dma_wait3A_456, %dma_wait3A_457, %dma_wait3A_458] : memref<4x128x128xf32, #tpu.memory_space<vmem>> -> memref<1x128x128xf32, #tpu.memory_space<vmem>>
    %dma_wait3A_460 = tpu.memref_squeeze %dma_wait3A_459 : memref<1x128x128xf32, #tpu.memory_space<vmem>> -> memref<128x128xf32, #tpu.memory_space<vmem>>
    %dma_wait3A_461 = arith.constant 0 : i32
    %dma_wait3A_462 = tpu.memref_slice %arg6[%add3A_442, %dma_wait3A_461] : memref<32768x128xf32, #tpu.memory_space<hbm>> -> memref<128x128xf32, #tpu.memory_space<hbm>>
    %dma_wait3A_463 = arith.constant 0 : i32
    %dma_wait3A_464 = tpu.memref_slice %arg6[%add3A_442, %dma_wait3A_463] : memref<32768x128xf32, #tpu.memory_space<hbm>> -> memref<128x128xf32, #tpu.memory_space<hbm>>
    %dma_wait3A_465 = arith.constant 0 : i32
    %dma_wait3A_466 = arith.constant 0 : i32
    %dma_wait3A_467 = tpu.memref_slice %arg10[%dma_wait3A_456, %dma_wait3A_465, %dma_wait3A_466] : memref<4x128x128xf32, #tpu.memory_space<vmem>> -> memref<1x128x128xf32, #tpu.memory_space<vmem>>
    %dma_wait3A_468 = tpu.memref_squeeze %dma_wait3A_467 : memref<1x128x128xf32, #tpu.memory_space<vmem>> -> memref<128x128xf32, #tpu.memory_space<vmem>>
    tpu.wait_dma2 semaphore(%arg18 : memref<!tpu.dma_semaphore, #tpu.memory_space<semaphore_mem>>) src(%dma_wait3A_468 : memref<128x128xf32, #tpu.memory_space<vmem>>) dst(%dma_wait3A_464 : memref<128x128xf32, #tpu.memory_space<hbm>>)
    %dma_start3A_469 = arith.constant 11 : i32
    %dma_start3A_470 = arith.constant 3 : i32
    %dma_start3A_471 = arith.constant 0 : i32
    %dma_start3A_472 = arith.constant 0 : i32
    %dma_start3A_473 = tpu.memref_slice %arg10[%dma_start3A_470, %dma_start3A_471, %dma_start3A_472] : memref<4x128x128xf32, #tpu.memory_space<vmem>> -> memref<1x128x128xf32, #tpu.memory_space<vmem>>
    %dma_start3A_474 = tpu.memref_squeeze %dma_start3A_473 : memref<1x128x128xf32, #tpu.memory_space<vmem>> -> memref<128x128xf32, #tpu.memory_space<vmem>>
    %dma_start3A_475 = arith.constant 0 : i32
    %dma_start3A_476 = tpu.memref_slice %arg9[%dma_start3A_469, %dma_start3A_475] : memref<24x128xi32, #tpu.memory_space<vmem>> -> memref<1x128xi32, #tpu.memory_space<vmem>>
    %dma_start3A_477 = tpu.memref_squeeze %dma_start3A_476 : memref<1x128xi32, #tpu.memory_space<vmem>> -> memref<128xi32, #tpu.memory_space<vmem>>
    %dma_start3A_478 = arith.constant 0 : i32
    %dma_start3A_479 = arith.constant 0 : i32
    %dma_start3A_480 = tpu.memref_slice %arg2[%dma_start3A_478, %dma_start3A_479] : memref<8192x128xf32, #tpu.memory_space<hbm>> -> memref<8192x128xf32, #tpu.memory_space<hbm>>
    tpu.enqueue_indirect_dma source(%dma_start3A_480 : memref<8192x128xf32, #tpu.memory_space<hbm>>) target(%dma_start3A_474 : memref<128x128xf32, #tpu.memory_space<vmem>>) offsets(%dma_start3A_477 : memref<128xi32, #tpu.memory_space<vmem>>) semaphore(%arg14 : memref<!tpu.dma_semaphore, #tpu.memory_space<semaphore_mem>>)
    %dma_wait3A_481 = arith.constant 8 : i32
    %dma_wait3A_482 = arith.constant 0 : i32
    %dma_wait3A_483 = arith.constant 0 : i32
    %dma_wait3A_484 = arith.constant 0 : i32
    %dma_wait3A_485 = tpu.memref_slice %arg10[%dma_wait3A_482, %dma_wait3A_483, %dma_wait3A_484] : memref<4x128x128xf32, #tpu.memory_space<vmem>> -> memref<1x128x128xf32, #tpu.memory_space<vmem>>
    %dma_wait3A_486 = tpu.memref_squeeze %dma_wait3A_485 : memref<1x128x128xf32, #tpu.memory_space<vmem>> -> memref<128x128xf32, #tpu.memory_space<vmem>>
    %dma_wait3A_487 = arith.constant 0 : i32
    %dma_wait3A_488 = tpu.memref_slice %arg9[%dma_wait3A_481, %dma_wait3A_487] : memref<24x128xi32, #tpu.memory_space<vmem>> -> memref<1x128xi32, #tpu.memory_space<vmem>>
    %dma_wait3A_489 = tpu.memref_squeeze %dma_wait3A_488 : memref<1x128xi32, #tpu.memory_space<vmem>> -> memref<128xi32, #tpu.memory_space<vmem>>
    %dma_wait3A_490 = arith.constant 0 : i32
    %dma_wait3A_491 = arith.constant 0 : i32
    %dma_wait3A_492 = tpu.memref_slice %arg2[%dma_wait3A_490, %dma_wait3A_491] : memref<8192x128xf32, #tpu.memory_space<hbm>> -> memref<8192x128xf32, #tpu.memory_space<hbm>>
    tpu.wait_indirect_dma semaphore(%arg11 : memref<!tpu.dma_semaphore, #tpu.memory_space<semaphore_mem>>) src(%dma_wait3A_492 : memref<8192x128xf32, #tpu.memory_space<hbm>>) dst(%dma_wait3A_486 : memref<128x128xf32, #tpu.memory_space<vmem>>)
    %mul3A_493 = arith.constant 1024 : i32
    %mul3A_494 = arith.muli %add3A, %mul3A_493 : i32
    %add3A_495 = arith.constant 0 : i32
    %add3A_496 = arith.addi %mul3A_494, %add3A_495 : i32
    %dma_start3A_497 = arith.constant 0 : i32
    %dma_start3A_498 = arith.constant 0 : i32
    %dma_start3A_499 = arith.constant 0 : i32
    %dma_start3A_500 = tpu.memref_slice %arg10[%dma_start3A_497, %dma_start3A_498, %dma_start3A_499] : memref<4x128x128xf32, #tpu.memory_space<vmem>> -> memref<1x128x128xf32, #tpu.memory_space<vmem>>
    %dma_start3A_501 = tpu.memref_squeeze %dma_start3A_500 : memref<1x128x128xf32, #tpu.memory_space<vmem>> -> memref<128x128xf32, #tpu.memory_space<vmem>>
    %dma_start3A_502 = arith.constant 0 : i32
    %dma_start3A_503 = tpu.memref_slice %arg7[%add3A_496, %dma_start3A_502] : memref<32768x128xf32, #tpu.memory_space<hbm>> -> memref<128x128xf32, #tpu.memory_space<hbm>>
    %dma_start3A_504 = arith.constant 0 : i32
    %dma_start3A_505 = tpu.memref_slice %arg7[%add3A_496, %dma_start3A_504] : memref<32768x128xf32, #tpu.memory_space<hbm>> -> memref<128x128xf32, #tpu.memory_space<hbm>>
    %dma_start3A_506 = arith.constant 0 : i32
    %dma_start3A_507 = arith.constant 0 : i32
    %dma_start3A_508 = tpu.memref_slice %arg10[%dma_start3A_497, %dma_start3A_506, %dma_start3A_507] : memref<4x128x128xf32, #tpu.memory_space<vmem>> -> memref<1x128x128xf32, #tpu.memory_space<vmem>>
    %dma_start3A_509 = tpu.memref_squeeze %dma_start3A_508 : memref<1x128x128xf32, #tpu.memory_space<vmem>> -> memref<128x128xf32, #tpu.memory_space<vmem>>
    tpu.enqueue_dma source(%dma_start3A_509 : memref<128x128xf32, #tpu.memory_space<vmem>>) target(%dma_start3A_505 : memref<128x128xf32, #tpu.memory_space<hbm>>) target_semaphore(%arg15 : memref<!tpu.dma_semaphore, #tpu.memory_space<semaphore_mem>>)
    %dma_wait3A_510 = arith.constant 0 : i32
    %dma_wait3A_511 = arith.constant 0 : i32
    %dma_wait3A_512 = arith.constant 0 : i32
    %dma_wait3A_513 = tpu.memref_slice %arg10[%dma_wait3A_510, %dma_wait3A_511, %dma_wait3A_512] : memref<4x128x128xf32, #tpu.memory_space<vmem>> -> memref<1x128x128xf32, #tpu.memory_space<vmem>>
    %dma_wait3A_514 = tpu.memref_squeeze %dma_wait3A_513 : memref<1x128x128xf32, #tpu.memory_space<vmem>> -> memref<128x128xf32, #tpu.memory_space<vmem>>
    %dma_wait3A_515 = arith.constant 0 : i32
    %dma_wait3A_516 = tpu.memref_slice %arg7[%add3A_496, %dma_wait3A_515] : memref<32768x128xf32, #tpu.memory_space<hbm>> -> memref<128x128xf32, #tpu.memory_space<hbm>>
    %dma_wait3A_517 = arith.constant 0 : i32
    %dma_wait3A_518 = tpu.memref_slice %arg7[%add3A_496, %dma_wait3A_517] : memref<32768x128xf32, #tpu.memory_space<hbm>> -> memref<128x128xf32, #tpu.memory_space<hbm>>
    %dma_wait3A_519 = arith.constant 0 : i32
    %dma_wait3A_520 = arith.constant 0 : i32
    %dma_wait3A_521 = tpu.memref_slice %arg10[%dma_wait3A_510, %dma_wait3A_519, %dma_wait3A_520] : memref<4x128x128xf32, #tpu.memory_space<vmem>> -> memref<1x128x128xf32, #tpu.memory_space<vmem>>
    %dma_wait3A_522 = tpu.memref_squeeze %dma_wait3A_521 : memref<1x128x128xf32, #tpu.memory_space<vmem>> -> memref<128x128xf32, #tpu.memory_space<vmem>>
    tpu.wait_dma2 semaphore(%arg15 : memref<!tpu.dma_semaphore, #tpu.memory_space<semaphore_mem>>) src(%dma_wait3A_522 : memref<128x128xf32, #tpu.memory_space<vmem>>) dst(%dma_wait3A_518 : memref<128x128xf32, #tpu.memory_space<hbm>>)
    %dma_start3A_523 = arith.constant 12 : i32
    %dma_start3A_524 = arith.constant 0 : i32
    %dma_start3A_525 = arith.constant 0 : i32
    %dma_start3A_526 = arith.constant 0 : i32
    %dma_start3A_527 = tpu.memref_slice %arg10[%dma_start3A_524, %dma_start3A_525, %dma_start3A_526] : memref<4x128x128xf32, #tpu.memory_space<vmem>> -> memref<1x128x128xf32, #tpu.memory_space<vmem>>
    %dma_start3A_528 = tpu.memref_squeeze %dma_start3A_527 : memref<1x128x128xf32, #tpu.memory_space<vmem>> -> memref<128x128xf32, #tpu.memory_space<vmem>>
    %dma_start3A_529 = arith.constant 0 : i32
    %dma_start3A_530 = tpu.memref_slice %arg9[%dma_start3A_523, %dma_start3A_529] : memref<24x128xi32, #tpu.memory_space<vmem>> -> memref<1x128xi32, #tpu.memory_space<vmem>>
    %dma_start3A_531 = tpu.memref_squeeze %dma_start3A_530 : memref<1x128xi32, #tpu.memory_space<vmem>> -> memref<128xi32, #tpu.memory_space<vmem>>
    %dma_start3A_532 = arith.constant 0 : i32
    %dma_start3A_533 = arith.constant 0 : i32
    %dma_start3A_534 = tpu.memref_slice %arg2[%dma_start3A_532, %dma_start3A_533] : memref<8192x128xf32, #tpu.memory_space<hbm>> -> memref<8192x128xf32, #tpu.memory_space<hbm>>
    tpu.enqueue_indirect_dma source(%dma_start3A_534 : memref<8192x128xf32, #tpu.memory_space<hbm>>) target(%dma_start3A_528 : memref<128x128xf32, #tpu.memory_space<vmem>>) offsets(%dma_start3A_531 : memref<128xi32, #tpu.memory_space<vmem>>) semaphore(%arg11 : memref<!tpu.dma_semaphore, #tpu.memory_space<semaphore_mem>>)
    %dma_wait3A_535 = arith.constant 9 : i32
    %dma_wait3A_536 = arith.constant 1 : i32
    %dma_wait3A_537 = arith.constant 0 : i32
    %dma_wait3A_538 = arith.constant 0 : i32
    %dma_wait3A_539 = tpu.memref_slice %arg10[%dma_wait3A_536, %dma_wait3A_537, %dma_wait3A_538] : memref<4x128x128xf32, #tpu.memory_space<vmem>> -> memref<1x128x128xf32, #tpu.memory_space<vmem>>
    %dma_wait3A_540 = tpu.memref_squeeze %dma_wait3A_539 : memref<1x128x128xf32, #tpu.memory_space<vmem>> -> memref<128x128xf32, #tpu.memory_space<vmem>>
    %dma_wait3A_541 = arith.constant 0 : i32
    %dma_wait3A_542 = tpu.memref_slice %arg9[%dma_wait3A_535, %dma_wait3A_541] : memref<24x128xi32, #tpu.memory_space<vmem>> -> memref<1x128xi32, #tpu.memory_space<vmem>>
    %dma_wait3A_543 = tpu.memref_squeeze %dma_wait3A_542 : memref<1x128xi32, #tpu.memory_space<vmem>> -> memref<128xi32, #tpu.memory_space<vmem>>
    %dma_wait3A_544 = arith.constant 0 : i32
    %dma_wait3A_545 = arith.constant 0 : i32
    %dma_wait3A_546 = tpu.memref_slice %arg2[%dma_wait3A_544, %dma_wait3A_545] : memref<8192x128xf32, #tpu.memory_space<hbm>> -> memref<8192x128xf32, #tpu.memory_space<hbm>>
    tpu.wait_indirect_dma semaphore(%arg12 : memref<!tpu.dma_semaphore, #tpu.memory_space<semaphore_mem>>) src(%dma_wait3A_546 : memref<8192x128xf32, #tpu.memory_space<hbm>>) dst(%dma_wait3A_540 : memref<128x128xf32, #tpu.memory_space<vmem>>)
    %mul3A_547 = arith.constant 1024 : i32
    %mul3A_548 = arith.muli %add3A, %mul3A_547 : i32
    %add3A_549 = arith.constant 128 : i32
    %add3A_550 = arith.addi %mul3A_548, %add3A_549 : i32
    %dma_start3A_551 = arith.constant 1 : i32
    %dma_start3A_552 = arith.constant 0 : i32
    %dma_start3A_553 = arith.constant 0 : i32
    %dma_start3A_554 = tpu.memref_slice %arg10[%dma_start3A_551, %dma_start3A_552, %dma_start3A_553] : memref<4x128x128xf32, #tpu.memory_space<vmem>> -> memref<1x128x128xf32, #tpu.memory_space<vmem>>
    %dma_start3A_555 = tpu.memref_squeeze %dma_start3A_554 : memref<1x128x128xf32, #tpu.memory_space<vmem>> -> memref<128x128xf32, #tpu.memory_space<vmem>>
    %dma_start3A_556 = arith.constant 0 : i32
    %dma_start3A_557 = tpu.memref_slice %arg7[%add3A_550, %dma_start3A_556] : memref<32768x128xf32, #tpu.memory_space<hbm>> -> memref<128x128xf32, #tpu.memory_space<hbm>>
    %dma_start3A_558 = arith.constant 0 : i32
    %dma_start3A_559 = tpu.memref_slice %arg7[%add3A_550, %dma_start3A_558] : memref<32768x128xf32, #tpu.memory_space<hbm>> -> memref<128x128xf32, #tpu.memory_space<hbm>>
    %dma_start3A_560 = arith.constant 0 : i32
    %dma_start3A_561 = arith.constant 0 : i32
    %dma_start3A_562 = tpu.memref_slice %arg10[%dma_start3A_551, %dma_start3A_560, %dma_start3A_561] : memref<4x128x128xf32, #tpu.memory_space<vmem>> -> memref<1x128x128xf32, #tpu.memory_space<vmem>>
    %dma_start3A_563 = tpu.memref_squeeze %dma_start3A_562 : memref<1x128x128xf32, #tpu.memory_space<vmem>> -> memref<128x128xf32, #tpu.memory_space<vmem>>
    tpu.enqueue_dma source(%dma_start3A_563 : memref<128x128xf32, #tpu.memory_space<vmem>>) target(%dma_start3A_559 : memref<128x128xf32, #tpu.memory_space<hbm>>) target_semaphore(%arg16 : memref<!tpu.dma_semaphore, #tpu.memory_space<semaphore_mem>>)
    %dma_wait3A_564 = arith.constant 1 : i32
    %dma_wait3A_565 = arith.constant 0 : i32
    %dma_wait3A_566 = arith.constant 0 : i32
    %dma_wait3A_567 = tpu.memref_slice %arg10[%dma_wait3A_564, %dma_wait3A_565, %dma_wait3A_566] : memref<4x128x128xf32, #tpu.memory_space<vmem>> -> memref<1x128x128xf32, #tpu.memory_space<vmem>>
    %dma_wait3A_568 = tpu.memref_squeeze %dma_wait3A_567 : memref<1x128x128xf32, #tpu.memory_space<vmem>> -> memref<128x128xf32, #tpu.memory_space<vmem>>
    %dma_wait3A_569 = arith.constant 0 : i32
    %dma_wait3A_570 = tpu.memref_slice %arg7[%add3A_550, %dma_wait3A_569] : memref<32768x128xf32, #tpu.memory_space<hbm>> -> memref<128x128xf32, #tpu.memory_space<hbm>>
    %dma_wait3A_571 = arith.constant 0 : i32
    %dma_wait3A_572 = tpu.memref_slice %arg7[%add3A_550, %dma_wait3A_571] : memref<32768x128xf32, #tpu.memory_space<hbm>> -> memref<128x128xf32, #tpu.memory_space<hbm>>
    %dma_wait3A_573 = arith.constant 0 : i32
    %dma_wait3A_574 = arith.constant 0 : i32
    %dma_wait3A_575 = tpu.memref_slice %arg10[%dma_wait3A_564, %dma_wait3A_573, %dma_wait3A_574] : memref<4x128x128xf32, #tpu.memory_space<vmem>> -> memref<1x128x128xf32, #tpu.memory_space<vmem>>
    %dma_wait3A_576 = tpu.memref_squeeze %dma_wait3A_575 : memref<1x128x128xf32, #tpu.memory_space<vmem>> -> memref<128x128xf32, #tpu.memory_space<vmem>>
    tpu.wait_dma2 semaphore(%arg16 : memref<!tpu.dma_semaphore, #tpu.memory_space<semaphore_mem>>) src(%dma_wait3A_576 : memref<128x128xf32, #tpu.memory_space<vmem>>) dst(%dma_wait3A_572 : memref<128x128xf32, #tpu.memory_space<hbm>>)
    %dma_start3A_577 = arith.constant 13 : i32
    %dma_start3A_578 = arith.constant 1 : i32
    %dma_start3A_579 = arith.constant 0 : i32
    %dma_start3A_580 = arith.constant 0 : i32
    %dma_start3A_581 = tpu.memref_slice %arg10[%dma_start3A_578, %dma_start3A_579, %dma_start3A_580] : memref<4x128x128xf32, #tpu.memory_space<vmem>> -> memref<1x128x128xf32, #tpu.memory_space<vmem>>
    %dma_start3A_582 = tpu.memref_squeeze %dma_start3A_581 : memref<1x128x128xf32, #tpu.memory_space<vmem>> -> memref<128x128xf32, #tpu.memory_space<vmem>>
    %dma_start3A_583 = arith.constant 0 : i32
    %dma_start3A_584 = tpu.memref_slice %arg9[%dma_start3A_577, %dma_start3A_583] : memref<24x128xi32, #tpu.memory_space<vmem>> -> memref<1x128xi32, #tpu.memory_space<vmem>>
    %dma_start3A_585 = tpu.memref_squeeze %dma_start3A_584 : memref<1x128xi32, #tpu.memory_space<vmem>> -> memref<128xi32, #tpu.memory_space<vmem>>
    %dma_start3A_586 = arith.constant 0 : i32
    %dma_start3A_587 = arith.constant 0 : i32
    %dma_start3A_588 = tpu.memref_slice %arg2[%dma_start3A_586, %dma_start3A_587] : memref<8192x128xf32, #tpu.memory_space<hbm>> -> memref<8192x128xf32, #tpu.memory_space<hbm>>
    tpu.enqueue_indirect_dma source(%dma_start3A_588 : memref<8192x128xf32, #tpu.memory_space<hbm>>) target(%dma_start3A_582 : memref<128x128xf32, #tpu.memory_space<vmem>>) offsets(%dma_start3A_585 : memref<128xi32, #tpu.memory_space<vmem>>) semaphore(%arg12 : memref<!tpu.dma_semaphore, #tpu.memory_space<semaphore_mem>>)
    %dma_wait3A_589 = arith.constant 10 : i32
    %dma_wait3A_590 = arith.constant 2 : i32
    %dma_wait3A_591 = arith.constant 0 : i32
    %dma_wait3A_592 = arith.constant 0 : i32
    %dma_wait3A_593 = tpu.memref_slice %arg10[%dma_wait3A_590, %dma_wait3A_591, %dma_wait3A_592] : memref<4x128x128xf32, #tpu.memory_space<vmem>> -> memref<1x128x128xf32, #tpu.memory_space<vmem>>
    %dma_wait3A_594 = tpu.memref_squeeze %dma_wait3A_593 : memref<1x128x128xf32, #tpu.memory_space<vmem>> -> memref<128x128xf32, #tpu.memory_space<vmem>>
    %dma_wait3A_595 = arith.constant 0 : i32
    %dma_wait3A_596 = tpu.memref_slice %arg9[%dma_wait3A_589, %dma_wait3A_595] : memref<24x128xi32, #tpu.memory_space<vmem>> -> memref<1x128xi32, #tpu.memory_space<vmem>>
    %dma_wait3A_597 = tpu.memref_squeeze %dma_wait3A_596 : memref<1x128xi32, #tpu.memory_space<vmem>> -> memref<128xi32, #tpu.memory_space<vmem>>
    %dma_wait3A_598 = arith.constant 0 : i32
    %dma_wait3A_599 = arith.constant 0 : i32
    %dma_wait3A_600 = tpu.memref_slice %arg2[%dma_wait3A_598, %dma_wait3A_599] : memref<8192x128xf32, #tpu.memory_space<hbm>> -> memref<8192x128xf32, #tpu.memory_space<hbm>>
    tpu.wait_indirect_dma semaphore(%arg13 : memref<!tpu.dma_semaphore, #tpu.memory_space<semaphore_mem>>) src(%dma_wait3A_600 : memref<8192x128xf32, #tpu.memory_space<hbm>>) dst(%dma_wait3A_594 : memref<128x128xf32, #tpu.memory_space<vmem>>)
    %mul3A_601 = arith.constant 1024 : i32
    %mul3A_602 = arith.muli %add3A, %mul3A_601 : i32
    %add3A_603 = arith.constant 256 : i32
    %add3A_604 = arith.addi %mul3A_602, %add3A_603 : i32
    %dma_start3A_605 = arith.constant 2 : i32
    %dma_start3A_606 = arith.constant 0 : i32
    %dma_start3A_607 = arith.constant 0 : i32
    %dma_start3A_608 = tpu.memref_slice %arg10[%dma_start3A_605, %dma_start3A_606, %dma_start3A_607] : memref<4x128x128xf32, #tpu.memory_space<vmem>> -> memref<1x128x128xf32, #tpu.memory_space<vmem>>
    %dma_start3A_609 = tpu.memref_squeeze %dma_start3A_608 : memref<1x128x128xf32, #tpu.memory_space<vmem>> -> memref<128x128xf32, #tpu.memory_space<vmem>>
    %dma_start3A_610 = arith.constant 0 : i32
    %dma_start3A_611 = tpu.memref_slice %arg7[%add3A_604, %dma_start3A_610] : memref<32768x128xf32, #tpu.memory_space<hbm>> -> memref<128x128xf32, #tpu.memory_space<hbm>>
    %dma_start3A_612 = arith.constant 0 : i32
    %dma_start3A_613 = tpu.memref_slice %arg7[%add3A_604, %dma_start3A_612] : memref<32768x128xf32, #tpu.memory_space<hbm>> -> memref<128x128xf32, #tpu.memory_space<hbm>>
    %dma_start3A_614 = arith.constant 0 : i32
    %dma_start3A_615 = arith.constant 0 : i32
    %dma_start3A_616 = tpu.memref_slice %arg10[%dma_start3A_605, %dma_start3A_614, %dma_start3A_615] : memref<4x128x128xf32, #tpu.memory_space<vmem>> -> memref<1x128x128xf32, #tpu.memory_space<vmem>>
    %dma_start3A_617 = tpu.memref_squeeze %dma_start3A_616 : memref<1x128x128xf32, #tpu.memory_space<vmem>> -> memref<128x128xf32, #tpu.memory_space<vmem>>
    tpu.enqueue_dma source(%dma_start3A_617 : memref<128x128xf32, #tpu.memory_space<vmem>>) target(%dma_start3A_613 : memref<128x128xf32, #tpu.memory_space<hbm>>) target_semaphore(%arg17 : memref<!tpu.dma_semaphore, #tpu.memory_space<semaphore_mem>>)
    %dma_wait3A_618 = arith.constant 2 : i32
    %dma_wait3A_619 = arith.constant 0 : i32
    %dma_wait3A_620 = arith.constant 0 : i32
    %dma_wait3A_621 = tpu.memref_slice %arg10[%dma_wait3A_618, %dma_wait3A_619, %dma_wait3A_620] : memref<4x128x128xf32, #tpu.memory_space<vmem>> -> memref<1x128x128xf32, #tpu.memory_space<vmem>>
    %dma_wait3A_622 = tpu.memref_squeeze %dma_wait3A_621 : memref<1x128x128xf32, #tpu.memory_space<vmem>> -> memref<128x128xf32, #tpu.memory_space<vmem>>
    %dma_wait3A_623 = arith.constant 0 : i32
    %dma_wait3A_624 = tpu.memref_slice %arg7[%add3A_604, %dma_wait3A_623] : memref<32768x128xf32, #tpu.memory_space<hbm>> -> memref<128x128xf32, #tpu.memory_space<hbm>>
    %dma_wait3A_625 = arith.constant 0 : i32
    %dma_wait3A_626 = tpu.memref_slice %arg7[%add3A_604, %dma_wait3A_625] : memref<32768x128xf32, #tpu.memory_space<hbm>> -> memref<128x128xf32, #tpu.memory_space<hbm>>
    %dma_wait3A_627 = arith.constant 0 : i32
    %dma_wait3A_628 = arith.constant 0 : i32
    %dma_wait3A_629 = tpu.memref_slice %arg10[%dma_wait3A_618, %dma_wait3A_627, %dma_wait3A_628] : memref<4x128x128xf32, #tpu.memory_space<vmem>> -> memref<1x128x128xf32, #tpu.memory_space<vmem>>
    %dma_wait3A_630 = tpu.memref_squeeze %dma_wait3A_629 : memref<1x128x128xf32, #tpu.memory_space<vmem>> -> memref<128x128xf32, #tpu.memory_space<vmem>>
    tpu.wait_dma2 semaphore(%arg17 : memref<!tpu.dma_semaphore, #tpu.memory_space<semaphore_mem>>) src(%dma_wait3A_630 : memref<128x128xf32, #tpu.memory_space<vmem>>) dst(%dma_wait3A_626 : memref<128x128xf32, #tpu.memory_space<hbm>>)
    %dma_start3A_631 = arith.constant 14 : i32
    %dma_start3A_632 = arith.constant 2 : i32
    %dma_start3A_633 = arith.constant 0 : i32
    %dma_start3A_634 = arith.constant 0 : i32
    %dma_start3A_635 = tpu.memref_slice %arg10[%dma_start3A_632, %dma_start3A_633, %dma_start3A_634] : memref<4x128x128xf32, #tpu.memory_space<vmem>> -> memref<1x128x128xf32, #tpu.memory_space<vmem>>
    %dma_start3A_636 = tpu.memref_squeeze %dma_start3A_635 : memref<1x128x128xf32, #tpu.memory_space<vmem>> -> memref<128x128xf32, #tpu.memory_space<vmem>>
    %dma_start3A_637 = arith.constant 0 : i32
    %dma_start3A_638 = tpu.memref_slice %arg9[%dma_start3A_631, %dma_start3A_637] : memref<24x128xi32, #tpu.memory_space<vmem>> -> memref<1x128xi32, #tpu.memory_space<vmem>>
    %dma_start3A_639 = tpu.memref_squeeze %dma_start3A_638 : memref<1x128xi32, #tpu.memory_space<vmem>> -> memref<128xi32, #tpu.memory_space<vmem>>
    %dma_start3A_640 = arith.constant 0 : i32
    %dma_start3A_641 = arith.constant 0 : i32
    %dma_start3A_642 = tpu.memref_slice %arg2[%dma_start3A_640, %dma_start3A_641] : memref<8192x128xf32, #tpu.memory_space<hbm>> -> memref<8192x128xf32, #tpu.memory_space<hbm>>
    tpu.enqueue_indirect_dma source(%dma_start3A_642 : memref<8192x128xf32, #tpu.memory_space<hbm>>) target(%dma_start3A_636 : memref<128x128xf32, #tpu.memory_space<vmem>>) offsets(%dma_start3A_639 : memref<128xi32, #tpu.memory_space<vmem>>) semaphore(%arg13 : memref<!tpu.dma_semaphore, #tpu.memory_space<semaphore_mem>>)
    %dma_wait3A_643 = arith.constant 11 : i32
    %dma_wait3A_644 = arith.constant 3 : i32
    %dma_wait3A_645 = arith.constant 0 : i32
    %dma_wait3A_646 = arith.constant 0 : i32
    %dma_wait3A_647 = tpu.memref_slice %arg10[%dma_wait3A_644, %dma_wait3A_645, %dma_wait3A_646] : memref<4x128x128xf32, #tpu.memory_space<vmem>> -> memref<1x128x128xf32, #tpu.memory_space<vmem>>
    %dma_wait3A_648 = tpu.memref_squeeze %dma_wait3A_647 : memref<1x128x128xf32, #tpu.memory_space<vmem>> -> memref<128x128xf32, #tpu.memory_space<vmem>>
    %dma_wait3A_649 = arith.constant 0 : i32
    %dma_wait3A_650 = tpu.memref_slice %arg9[%dma_wait3A_643, %dma_wait3A_649] : memref<24x128xi32, #tpu.memory_space<vmem>> -> memref<1x128xi32, #tpu.memory_space<vmem>>
    %dma_wait3A_651 = tpu.memref_squeeze %dma_wait3A_650 : memref<1x128xi32, #tpu.memory_space<vmem>> -> memref<128xi32, #tpu.memory_space<vmem>>
    %dma_wait3A_652 = arith.constant 0 : i32
    %dma_wait3A_653 = arith.constant 0 : i32
    %dma_wait3A_654 = tpu.memref_slice %arg2[%dma_wait3A_652, %dma_wait3A_653] : memref<8192x128xf32, #tpu.memory_space<hbm>> -> memref<8192x128xf32, #tpu.memory_space<hbm>>
    tpu.wait_indirect_dma semaphore(%arg14 : memref<!tpu.dma_semaphore, #tpu.memory_space<semaphore_mem>>) src(%dma_wait3A_654 : memref<8192x128xf32, #tpu.memory_space<hbm>>) dst(%dma_wait3A_648 : memref<128x128xf32, #tpu.memory_space<vmem>>)
    %mul3A_655 = arith.constant 1024 : i32
    %mul3A_656 = arith.muli %add3A, %mul3A_655 : i32
    %add3A_657 = arith.constant 384 : i32
    %add3A_658 = arith.addi %mul3A_656, %add3A_657 : i32
    %dma_start3A_659 = arith.constant 3 : i32
    %dma_start3A_660 = arith.constant 0 : i32
    %dma_start3A_661 = arith.constant 0 : i32
    %dma_start3A_662 = tpu.memref_slice %arg10[%dma_start3A_659, %dma_start3A_660, %dma_start3A_661] : memref<4x128x128xf32, #tpu.memory_space<vmem>> -> memref<1x128x128xf32, #tpu.memory_space<vmem>>
    %dma_start3A_663 = tpu.memref_squeeze %dma_start3A_662 : memref<1x128x128xf32, #tpu.memory_space<vmem>> -> memref<128x128xf32, #tpu.memory_space<vmem>>
    %dma_start3A_664 = arith.constant 0 : i32
    %dma_start3A_665 = tpu.memref_slice %arg7[%add3A_658, %dma_start3A_664] : memref<32768x128xf32, #tpu.memory_space<hbm>> -> memref<128x128xf32, #tpu.memory_space<hbm>>
    %dma_start3A_666 = arith.constant 0 : i32
    %dma_start3A_667 = tpu.memref_slice %arg7[%add3A_658, %dma_start3A_666] : memref<32768x128xf32, #tpu.memory_space<hbm>> -> memref<128x128xf32, #tpu.memory_space<hbm>>
    %dma_start3A_668 = arith.constant 0 : i32
    %dma_start3A_669 = arith.constant 0 : i32
    %dma_start3A_670 = tpu.memref_slice %arg10[%dma_start3A_659, %dma_start3A_668, %dma_start3A_669] : memref<4x128x128xf32, #tpu.memory_space<vmem>> -> memref<1x128x128xf32, #tpu.memory_space<vmem>>
    %dma_start3A_671 = tpu.memref_squeeze %dma_start3A_670 : memref<1x128x128xf32, #tpu.memory_space<vmem>> -> memref<128x128xf32, #tpu.memory_space<vmem>>
    tpu.enqueue_dma source(%dma_start3A_671 : memref<128x128xf32, #tpu.memory_space<vmem>>) target(%dma_start3A_667 : memref<128x128xf32, #tpu.memory_space<hbm>>) target_semaphore(%arg18 : memref<!tpu.dma_semaphore, #tpu.memory_space<semaphore_mem>>)
    %dma_wait3A_672 = arith.constant 3 : i32
    %dma_wait3A_673 = arith.constant 0 : i32
    %dma_wait3A_674 = arith.constant 0 : i32
    %dma_wait3A_675 = tpu.memref_slice %arg10[%dma_wait3A_672, %dma_wait3A_673, %dma_wait3A_674] : memref<4x128x128xf32, #tpu.memory_space<vmem>> -> memref<1x128x128xf32, #tpu.memory_space<vmem>>
    %dma_wait3A_676 = tpu.memref_squeeze %dma_wait3A_675 : memref<1x128x128xf32, #tpu.memory_space<vmem>> -> memref<128x128xf32, #tpu.memory_space<vmem>>
    %dma_wait3A_677 = arith.constant 0 : i32
    %dma_wait3A_678 = tpu.memref_slice %arg7[%add3A_658, %dma_wait3A_677] : memref<32768x128xf32, #tpu.memory_space<hbm>> -> memref<128x128xf32, #tpu.memory_space<hbm>>
    %dma_wait3A_679 = arith.constant 0 : i32
    %dma_wait3A_680 = tpu.memref_slice %arg7[%add3A_658, %dma_wait3A_679] : memref<32768x128xf32, #tpu.memory_space<hbm>> -> memref<128x128xf32, #tpu.memory_space<hbm>>
    %dma_wait3A_681 = arith.constant 0 : i32
    %dma_wait3A_682 = arith.constant 0 : i32
    %dma_wait3A_683 = tpu.memref_slice %arg10[%dma_wait3A_672, %dma_wait3A_681, %dma_wait3A_682] : memref<4x128x128xf32, #tpu.memory_space<vmem>> -> memref<1x128x128xf32, #tpu.memory_space<vmem>>
    %dma_wait3A_684 = tpu.memref_squeeze %dma_wait3A_683 : memref<1x128x128xf32, #tpu.memory_space<vmem>> -> memref<128x128xf32, #tpu.memory_space<vmem>>
    tpu.wait_dma2 semaphore(%arg18 : memref<!tpu.dma_semaphore, #tpu.memory_space<semaphore_mem>>) src(%dma_wait3A_684 : memref<128x128xf32, #tpu.memory_space<vmem>>) dst(%dma_wait3A_680 : memref<128x128xf32, #tpu.memory_space<hbm>>)
    %dma_start3A_685 = arith.constant 15 : i32
    %dma_start3A_686 = arith.constant 3 : i32
    %dma_start3A_687 = arith.constant 0 : i32
    %dma_start3A_688 = arith.constant 0 : i32
    %dma_start3A_689 = tpu.memref_slice %arg10[%dma_start3A_686, %dma_start3A_687, %dma_start3A_688] : memref<4x128x128xf32, #tpu.memory_space<vmem>> -> memref<1x128x128xf32, #tpu.memory_space<vmem>>
    %dma_start3A_690 = tpu.memref_squeeze %dma_start3A_689 : memref<1x128x128xf32, #tpu.memory_space<vmem>> -> memref<128x128xf32, #tpu.memory_space<vmem>>
    %dma_start3A_691 = arith.constant 0 : i32
    %dma_start3A_692 = tpu.memref_slice %arg9[%dma_start3A_685, %dma_start3A_691] : memref<24x128xi32, #tpu.memory_space<vmem>> -> memref<1x128xi32, #tpu.memory_space<vmem>>
    %dma_start3A_693 = tpu.memref_squeeze %dma_start3A_692 : memref<1x128xi32, #tpu.memory_space<vmem>> -> memref<128xi32, #tpu.memory_space<vmem>>
    %dma_start3A_694 = arith.constant 0 : i32
    %dma_start3A_695 = arith.constant 0 : i32
    %dma_start3A_696 = tpu.memref_slice %arg2[%dma_start3A_694, %dma_start3A_695] : memref<8192x128xf32, #tpu.memory_space<hbm>> -> memref<8192x128xf32, #tpu.memory_space<hbm>>
    tpu.enqueue_indirect_dma source(%dma_start3A_696 : memref<8192x128xf32, #tpu.memory_space<hbm>>) target(%dma_start3A_690 : memref<128x128xf32, #tpu.memory_space<vmem>>) offsets(%dma_start3A_693 : memref<128xi32, #tpu.memory_space<vmem>>) semaphore(%arg14 : memref<!tpu.dma_semaphore, #tpu.memory_space<semaphore_mem>>)
    %dma_wait3A_697 = arith.constant 12 : i32
    %dma_wait3A_698 = arith.constant 0 : i32
    %dma_wait3A_699 = arith.constant 0 : i32
    %dma_wait3A_700 = arith.constant 0 : i32
    %dma_wait3A_701 = tpu.memref_slice %arg10[%dma_wait3A_698, %dma_wait3A_699, %dma_wait3A_700] : memref<4x128x128xf32, #tpu.memory_space<vmem>> -> memref<1x128x128xf32, #tpu.memory_space<vmem>>
    %dma_wait3A_702 = tpu.memref_squeeze %dma_wait3A_701 : memref<1x128x128xf32, #tpu.memory_space<vmem>> -> memref<128x128xf32, #tpu.memory_space<vmem>>
    %dma_wait3A_703 = arith.constant 0 : i32
    %dma_wait3A_704 = tpu.memref_slice %arg9[%dma_wait3A_697, %dma_wait3A_703] : memref<24x128xi32, #tpu.memory_space<vmem>> -> memref<1x128xi32, #tpu.memory_space<vmem>>
    %dma_wait3A_705 = tpu.memref_squeeze %dma_wait3A_704 : memref<1x128xi32, #tpu.memory_space<vmem>> -> memref<128xi32, #tpu.memory_space<vmem>>
    %dma_wait3A_706 = arith.constant 0 : i32
    %dma_wait3A_707 = arith.constant 0 : i32
    %dma_wait3A_708 = tpu.memref_slice %arg2[%dma_wait3A_706, %dma_wait3A_707] : memref<8192x128xf32, #tpu.memory_space<hbm>> -> memref<8192x128xf32, #tpu.memory_space<hbm>>
    tpu.wait_indirect_dma semaphore(%arg11 : memref<!tpu.dma_semaphore, #tpu.memory_space<semaphore_mem>>) src(%dma_wait3A_708 : memref<8192x128xf32, #tpu.memory_space<hbm>>) dst(%dma_wait3A_702 : memref<128x128xf32, #tpu.memory_space<vmem>>)
    %mul3A_709 = arith.constant 1024 : i32
    %mul3A_710 = arith.muli %add3A, %mul3A_709 : i32
    %add3A_711 = arith.constant 512 : i32
    %add3A_712 = arith.addi %mul3A_710, %add3A_711 : i32
    %dma_start3A_713 = arith.constant 0 : i32
    %dma_start3A_714 = arith.constant 0 : i32
    %dma_start3A_715 = arith.constant 0 : i32
    %dma_start3A_716 = tpu.memref_slice %arg10[%dma_start3A_713, %dma_start3A_714, %dma_start3A_715] : memref<4x128x128xf32, #tpu.memory_space<vmem>> -> memref<1x128x128xf32, #tpu.memory_space<vmem>>
    %dma_start3A_717 = tpu.memref_squeeze %dma_start3A_716 : memref<1x128x128xf32, #tpu.memory_space<vmem>> -> memref<128x128xf32, #tpu.memory_space<vmem>>
    %dma_start3A_718 = arith.constant 0 : i32
    %dma_start3A_719 = tpu.memref_slice %arg7[%add3A_712, %dma_start3A_718] : memref<32768x128xf32, #tpu.memory_space<hbm>> -> memref<128x128xf32, #tpu.memory_space<hbm>>
    %dma_start3A_720 = arith.constant 0 : i32
    %dma_start3A_721 = tpu.memref_slice %arg7[%add3A_712, %dma_start3A_720] : memref<32768x128xf32, #tpu.memory_space<hbm>> -> memref<128x128xf32, #tpu.memory_space<hbm>>
    %dma_start3A_722 = arith.constant 0 : i32
    %dma_start3A_723 = arith.constant 0 : i32
    %dma_start3A_724 = tpu.memref_slice %arg10[%dma_start3A_713, %dma_start3A_722, %dma_start3A_723] : memref<4x128x128xf32, #tpu.memory_space<vmem>> -> memref<1x128x128xf32, #tpu.memory_space<vmem>>
    %dma_start3A_725 = tpu.memref_squeeze %dma_start3A_724 : memref<1x128x128xf32, #tpu.memory_space<vmem>> -> memref<128x128xf32, #tpu.memory_space<vmem>>
    tpu.enqueue_dma source(%dma_start3A_725 : memref<128x128xf32, #tpu.memory_space<vmem>>) target(%dma_start3A_721 : memref<128x128xf32, #tpu.memory_space<hbm>>) target_semaphore(%arg15 : memref<!tpu.dma_semaphore, #tpu.memory_space<semaphore_mem>>)
    %dma_wait3A_726 = arith.constant 0 : i32
    %dma_wait3A_727 = arith.constant 0 : i32
    %dma_wait3A_728 = arith.constant 0 : i32
    %dma_wait3A_729 = tpu.memref_slice %arg10[%dma_wait3A_726, %dma_wait3A_727, %dma_wait3A_728] : memref<4x128x128xf32, #tpu.memory_space<vmem>> -> memref<1x128x128xf32, #tpu.memory_space<vmem>>
    %dma_wait3A_730 = tpu.memref_squeeze %dma_wait3A_729 : memref<1x128x128xf32, #tpu.memory_space<vmem>> -> memref<128x128xf32, #tpu.memory_space<vmem>>
    %dma_wait3A_731 = arith.constant 0 : i32
    %dma_wait3A_732 = tpu.memref_slice %arg7[%add3A_712, %dma_wait3A_731] : memref<32768x128xf32, #tpu.memory_space<hbm>> -> memref<128x128xf32, #tpu.memory_space<hbm>>
    %dma_wait3A_733 = arith.constant 0 : i32
    %dma_wait3A_734 = tpu.memref_slice %arg7[%add3A_712, %dma_wait3A_733] : memref<32768x128xf32, #tpu.memory_space<hbm>> -> memref<128x128xf32, #tpu.memory_space<hbm>>
    %dma_wait3A_735 = arith.constant 0 : i32
    %dma_wait3A_736 = arith.constant 0 : i32
    %dma_wait3A_737 = tpu.memref_slice %arg10[%dma_wait3A_726, %dma_wait3A_735, %dma_wait3A_736] : memref<4x128x128xf32, #tpu.memory_space<vmem>> -> memref<1x128x128xf32, #tpu.memory_space<vmem>>
    %dma_wait3A_738 = tpu.memref_squeeze %dma_wait3A_737 : memref<1x128x128xf32, #tpu.memory_space<vmem>> -> memref<128x128xf32, #tpu.memory_space<vmem>>
    tpu.wait_dma2 semaphore(%arg15 : memref<!tpu.dma_semaphore, #tpu.memory_space<semaphore_mem>>) src(%dma_wait3A_738 : memref<128x128xf32, #tpu.memory_space<vmem>>) dst(%dma_wait3A_734 : memref<128x128xf32, #tpu.memory_space<hbm>>)
    %dma_start3A_739 = arith.constant 16 : i32
    %dma_start3A_740 = arith.constant 0 : i32
    %dma_start3A_741 = arith.constant 0 : i32
    %dma_start3A_742 = arith.constant 0 : i32
    %dma_start3A_743 = tpu.memref_slice %arg10[%dma_start3A_740, %dma_start3A_741, %dma_start3A_742] : memref<4x128x128xf32, #tpu.memory_space<vmem>> -> memref<1x128x128xf32, #tpu.memory_space<vmem>>
    %dma_start3A_744 = tpu.memref_squeeze %dma_start3A_743 : memref<1x128x128xf32, #tpu.memory_space<vmem>> -> memref<128x128xf32, #tpu.memory_space<vmem>>
    %dma_start3A_745 = arith.constant 0 : i32
    %dma_start3A_746 = tpu.memref_slice %arg9[%dma_start3A_739, %dma_start3A_745] : memref<24x128xi32, #tpu.memory_space<vmem>> -> memref<1x128xi32, #tpu.memory_space<vmem>>
    %dma_start3A_747 = tpu.memref_squeeze %dma_start3A_746 : memref<1x128xi32, #tpu.memory_space<vmem>> -> memref<128xi32, #tpu.memory_space<vmem>>
    %dma_start3A_748 = arith.constant 0 : i32
    %dma_start3A_749 = arith.constant 0 : i32
    %dma_start3A_750 = tpu.memref_slice %arg2[%dma_start3A_748, %dma_start3A_749] : memref<8192x128xf32, #tpu.memory_space<hbm>> -> memref<8192x128xf32, #tpu.memory_space<hbm>>
    tpu.enqueue_indirect_dma source(%dma_start3A_750 : memref<8192x128xf32, #tpu.memory_space<hbm>>) target(%dma_start3A_744 : memref<128x128xf32, #tpu.memory_space<vmem>>) offsets(%dma_start3A_747 : memref<128xi32, #tpu.memory_space<vmem>>) semaphore(%arg11 : memref<!tpu.dma_semaphore, #tpu.memory_space<semaphore_mem>>)
    %dma_wait3A_751 = arith.constant 13 : i32
    %dma_wait3A_752 = arith.constant 1 : i32
    %dma_wait3A_753 = arith.constant 0 : i32
    %dma_wait3A_754 = arith.constant 0 : i32
    %dma_wait3A_755 = tpu.memref_slice %arg10[%dma_wait3A_752, %dma_wait3A_753, %dma_wait3A_754] : memref<4x128x128xf32, #tpu.memory_space<vmem>> -> memref<1x128x128xf32, #tpu.memory_space<vmem>>
    %dma_wait3A_756 = tpu.memref_squeeze %dma_wait3A_755 : memref<1x128x128xf32, #tpu.memory_space<vmem>> -> memref<128x128xf32, #tpu.memory_space<vmem>>
    %dma_wait3A_757 = arith.constant 0 : i32
    %dma_wait3A_758 = tpu.memref_slice %arg9[%dma_wait3A_751, %dma_wait3A_757] : memref<24x128xi32, #tpu.memory_space<vmem>> -> memref<1x128xi32, #tpu.memory_space<vmem>>
    %dma_wait3A_759 = tpu.memref_squeeze %dma_wait3A_758 : memref<1x128xi32, #tpu.memory_space<vmem>> -> memref<128xi32, #tpu.memory_space<vmem>>
    %dma_wait3A_760 = arith.constant 0 : i32
    %dma_wait3A_761 = arith.constant 0 : i32
    %dma_wait3A_762 = tpu.memref_slice %arg2[%dma_wait3A_760, %dma_wait3A_761] : memref<8192x128xf32, #tpu.memory_space<hbm>> -> memref<8192x128xf32, #tpu.memory_space<hbm>>
    tpu.wait_indirect_dma semaphore(%arg12 : memref<!tpu.dma_semaphore, #tpu.memory_space<semaphore_mem>>) src(%dma_wait3A_762 : memref<8192x128xf32, #tpu.memory_space<hbm>>) dst(%dma_wait3A_756 : memref<128x128xf32, #tpu.memory_space<vmem>>)
    %mul3A_763 = arith.constant 1024 : i32
    %mul3A_764 = arith.muli %add3A, %mul3A_763 : i32
    %add3A_765 = arith.constant 640 : i32
    %add3A_766 = arith.addi %mul3A_764, %add3A_765 : i32
    %dma_start3A_767 = arith.constant 1 : i32
    %dma_start3A_768 = arith.constant 0 : i32
    %dma_start3A_769 = arith.constant 0 : i32
    %dma_start3A_770 = tpu.memref_slice %arg10[%dma_start3A_767, %dma_start3A_768, %dma_start3A_769] : memref<4x128x128xf32, #tpu.memory_space<vmem>> -> memref<1x128x128xf32, #tpu.memory_space<vmem>>
    %dma_start3A_771 = tpu.memref_squeeze %dma_start3A_770 : memref<1x128x128xf32, #tpu.memory_space<vmem>> -> memref<128x128xf32, #tpu.memory_space<vmem>>
    %dma_start3A_772 = arith.constant 0 : i32
    %dma_start3A_773 = tpu.memref_slice %arg7[%add3A_766, %dma_start3A_772] : memref<32768x128xf32, #tpu.memory_space<hbm>> -> memref<128x128xf32, #tpu.memory_space<hbm>>
    %dma_start3A_774 = arith.constant 0 : i32
    %dma_start3A_775 = tpu.memref_slice %arg7[%add3A_766, %dma_start3A_774] : memref<32768x128xf32, #tpu.memory_space<hbm>> -> memref<128x128xf32, #tpu.memory_space<hbm>>
    %dma_start3A_776 = arith.constant 0 : i32
    %dma_start3A_777 = arith.constant 0 : i32
    %dma_start3A_778 = tpu.memref_slice %arg10[%dma_start3A_767, %dma_start3A_776, %dma_start3A_777] : memref<4x128x128xf32, #tpu.memory_space<vmem>> -> memref<1x128x128xf32, #tpu.memory_space<vmem>>
    %dma_start3A_779 = tpu.memref_squeeze %dma_start3A_778 : memref<1x128x128xf32, #tpu.memory_space<vmem>> -> memref<128x128xf32, #tpu.memory_space<vmem>>
    tpu.enqueue_dma source(%dma_start3A_779 : memref<128x128xf32, #tpu.memory_space<vmem>>) target(%dma_start3A_775 : memref<128x128xf32, #tpu.memory_space<hbm>>) target_semaphore(%arg16 : memref<!tpu.dma_semaphore, #tpu.memory_space<semaphore_mem>>)
    %dma_wait3A_780 = arith.constant 1 : i32
    %dma_wait3A_781 = arith.constant 0 : i32
    %dma_wait3A_782 = arith.constant 0 : i32
    %dma_wait3A_783 = tpu.memref_slice %arg10[%dma_wait3A_780, %dma_wait3A_781, %dma_wait3A_782] : memref<4x128x128xf32, #tpu.memory_space<vmem>> -> memref<1x128x128xf32, #tpu.memory_space<vmem>>
    %dma_wait3A_784 = tpu.memref_squeeze %dma_wait3A_783 : memref<1x128x128xf32, #tpu.memory_space<vmem>> -> memref<128x128xf32, #tpu.memory_space<vmem>>
    %dma_wait3A_785 = arith.constant 0 : i32
    %dma_wait3A_786 = tpu.memref_slice %arg7[%add3A_766, %dma_wait3A_785] : memref<32768x128xf32, #tpu.memory_space<hbm>> -> memref<128x128xf32, #tpu.memory_space<hbm>>
    %dma_wait3A_787 = arith.constant 0 : i32
    %dma_wait3A_788 = tpu.memref_slice %arg7[%add3A_766, %dma_wait3A_787] : memref<32768x128xf32, #tpu.memory_space<hbm>> -> memref<128x128xf32, #tpu.memory_space<hbm>>
    %dma_wait3A_789 = arith.constant 0 : i32
    %dma_wait3A_790 = arith.constant 0 : i32
    %dma_wait3A_791 = tpu.memref_slice %arg10[%dma_wait3A_780, %dma_wait3A_789, %dma_wait3A_790] : memref<4x128x128xf32, #tpu.memory_space<vmem>> -> memref<1x128x128xf32, #tpu.memory_space<vmem>>
    %dma_wait3A_792 = tpu.memref_squeeze %dma_wait3A_791 : memref<1x128x128xf32, #tpu.memory_space<vmem>> -> memref<128x128xf32, #tpu.memory_space<vmem>>
    tpu.wait_dma2 semaphore(%arg16 : memref<!tpu.dma_semaphore, #tpu.memory_space<semaphore_mem>>) src(%dma_wait3A_792 : memref<128x128xf32, #tpu.memory_space<vmem>>) dst(%dma_wait3A_788 : memref<128x128xf32, #tpu.memory_space<hbm>>)
    %dma_start3A_793 = arith.constant 17 : i32
    %dma_start3A_794 = arith.constant 1 : i32
    %dma_start3A_795 = arith.constant 0 : i32
    %dma_start3A_796 = arith.constant 0 : i32
    %dma_start3A_797 = tpu.memref_slice %arg10[%dma_start3A_794, %dma_start3A_795, %dma_start3A_796] : memref<4x128x128xf32, #tpu.memory_space<vmem>> -> memref<1x128x128xf32, #tpu.memory_space<vmem>>
    %dma_start3A_798 = tpu.memref_squeeze %dma_start3A_797 : memref<1x128x128xf32, #tpu.memory_space<vmem>> -> memref<128x128xf32, #tpu.memory_space<vmem>>
    %dma_start3A_799 = arith.constant 0 : i32
    %dma_start3A_800 = tpu.memref_slice %arg9[%dma_start3A_793, %dma_start3A_799] : memref<24x128xi32, #tpu.memory_space<vmem>> -> memref<1x128xi32, #tpu.memory_space<vmem>>
    %dma_start3A_801 = tpu.memref_squeeze %dma_start3A_800 : memref<1x128xi32, #tpu.memory_space<vmem>> -> memref<128xi32, #tpu.memory_space<vmem>>
    %dma_start3A_802 = arith.constant 0 : i32
    %dma_start3A_803 = arith.constant 0 : i32
    %dma_start3A_804 = tpu.memref_slice %arg2[%dma_start3A_802, %dma_start3A_803] : memref<8192x128xf32, #tpu.memory_space<hbm>> -> memref<8192x128xf32, #tpu.memory_space<hbm>>
    tpu.enqueue_indirect_dma source(%dma_start3A_804 : memref<8192x128xf32, #tpu.memory_space<hbm>>) target(%dma_start3A_798 : memref<128x128xf32, #tpu.memory_space<vmem>>) offsets(%dma_start3A_801 : memref<128xi32, #tpu.memory_space<vmem>>) semaphore(%arg12 : memref<!tpu.dma_semaphore, #tpu.memory_space<semaphore_mem>>)
    %dma_wait3A_805 = arith.constant 14 : i32
    %dma_wait3A_806 = arith.constant 2 : i32
    %dma_wait3A_807 = arith.constant 0 : i32
    %dma_wait3A_808 = arith.constant 0 : i32
    %dma_wait3A_809 = tpu.memref_slice %arg10[%dma_wait3A_806, %dma_wait3A_807, %dma_wait3A_808] : memref<4x128x128xf32, #tpu.memory_space<vmem>> -> memref<1x128x128xf32, #tpu.memory_space<vmem>>
    %dma_wait3A_810 = tpu.memref_squeeze %dma_wait3A_809 : memref<1x128x128xf32, #tpu.memory_space<vmem>> -> memref<128x128xf32, #tpu.memory_space<vmem>>
    %dma_wait3A_811 = arith.constant 0 : i32
    %dma_wait3A_812 = tpu.memref_slice %arg9[%dma_wait3A_805, %dma_wait3A_811] : memref<24x128xi32, #tpu.memory_space<vmem>> -> memref<1x128xi32, #tpu.memory_space<vmem>>
    %dma_wait3A_813 = tpu.memref_squeeze %dma_wait3A_812 : memref<1x128xi32, #tpu.memory_space<vmem>> -> memref<128xi32, #tpu.memory_space<vmem>>
    %dma_wait3A_814 = arith.constant 0 : i32
    %dma_wait3A_815 = arith.constant 0 : i32
    %dma_wait3A_816 = tpu.memref_slice %arg2[%dma_wait3A_814, %dma_wait3A_815] : memref<8192x128xf32, #tpu.memory_space<hbm>> -> memref<8192x128xf32, #tpu.memory_space<hbm>>
    tpu.wait_indirect_dma semaphore(%arg13 : memref<!tpu.dma_semaphore, #tpu.memory_space<semaphore_mem>>) src(%dma_wait3A_816 : memref<8192x128xf32, #tpu.memory_space<hbm>>) dst(%dma_wait3A_810 : memref<128x128xf32, #tpu.memory_space<vmem>>)
    %mul3A_817 = arith.constant 1024 : i32
    %mul3A_818 = arith.muli %add3A, %mul3A_817 : i32
    %add3A_819 = arith.constant 768 : i32
    %add3A_820 = arith.addi %mul3A_818, %add3A_819 : i32
    %dma_start3A_821 = arith.constant 2 : i32
    %dma_start3A_822 = arith.constant 0 : i32
    %dma_start3A_823 = arith.constant 0 : i32
    %dma_start3A_824 = tpu.memref_slice %arg10[%dma_start3A_821, %dma_start3A_822, %dma_start3A_823] : memref<4x128x128xf32, #tpu.memory_space<vmem>> -> memref<1x128x128xf32, #tpu.memory_space<vmem>>
    %dma_start3A_825 = tpu.memref_squeeze %dma_start3A_824 : memref<1x128x128xf32, #tpu.memory_space<vmem>> -> memref<128x128xf32, #tpu.memory_space<vmem>>
    %dma_start3A_826 = arith.constant 0 : i32
    %dma_start3A_827 = tpu.memref_slice %arg7[%add3A_820, %dma_start3A_826] : memref<32768x128xf32, #tpu.memory_space<hbm>> -> memref<128x128xf32, #tpu.memory_space<hbm>>
    %dma_start3A_828 = arith.constant 0 : i32
    %dma_start3A_829 = tpu.memref_slice %arg7[%add3A_820, %dma_start3A_828] : memref<32768x128xf32, #tpu.memory_space<hbm>> -> memref<128x128xf32, #tpu.memory_space<hbm>>
    %dma_start3A_830 = arith.constant 0 : i32
    %dma_start3A_831 = arith.constant 0 : i32
    %dma_start3A_832 = tpu.memref_slice %arg10[%dma_start3A_821, %dma_start3A_830, %dma_start3A_831] : memref<4x128x128xf32, #tpu.memory_space<vmem>> -> memref<1x128x128xf32, #tpu.memory_space<vmem>>
    %dma_start3A_833 = tpu.memref_squeeze %dma_start3A_832 : memref<1x128x128xf32, #tpu.memory_space<vmem>> -> memref<128x128xf32, #tpu.memory_space<vmem>>
    tpu.enqueue_dma source(%dma_start3A_833 : memref<128x128xf32, #tpu.memory_space<vmem>>) target(%dma_start3A_829 : memref<128x128xf32, #tpu.memory_space<hbm>>) target_semaphore(%arg17 : memref<!tpu.dma_semaphore, #tpu.memory_space<semaphore_mem>>)
    %dma_wait3A_834 = arith.constant 2 : i32
    %dma_wait3A_835 = arith.constant 0 : i32
    %dma_wait3A_836 = arith.constant 0 : i32
    %dma_wait3A_837 = tpu.memref_slice %arg10[%dma_wait3A_834, %dma_wait3A_835, %dma_wait3A_836] : memref<4x128x128xf32, #tpu.memory_space<vmem>> -> memref<1x128x128xf32, #tpu.memory_space<vmem>>
    %dma_wait3A_838 = tpu.memref_squeeze %dma_wait3A_837 : memref<1x128x128xf32, #tpu.memory_space<vmem>> -> memref<128x128xf32, #tpu.memory_space<vmem>>
    %dma_wait3A_839 = arith.constant 0 : i32
    %dma_wait3A_840 = tpu.memref_slice %arg7[%add3A_820, %dma_wait3A_839] : memref<32768x128xf32, #tpu.memory_space<hbm>> -> memref<128x128xf32, #tpu.memory_space<hbm>>
    %dma_wait3A_841 = arith.constant 0 : i32
    %dma_wait3A_842 = tpu.memref_slice %arg7[%add3A_820, %dma_wait3A_841] : memref<32768x128xf32, #tpu.memory_space<hbm>> -> memref<128x128xf32, #tpu.memory_space<hbm>>
    %dma_wait3A_843 = arith.constant 0 : i32
    %dma_wait3A_844 = arith.constant 0 : i32
    %dma_wait3A_845 = tpu.memref_slice %arg10[%dma_wait3A_834, %dma_wait3A_843, %dma_wait3A_844] : memref<4x128x128xf32, #tpu.memory_space<vmem>> -> memref<1x128x128xf32, #tpu.memory_space<vmem>>
    %dma_wait3A_846 = tpu.memref_squeeze %dma_wait3A_845 : memref<1x128x128xf32, #tpu.memory_space<vmem>> -> memref<128x128xf32, #tpu.memory_space<vmem>>
    tpu.wait_dma2 semaphore(%arg17 : memref<!tpu.dma_semaphore, #tpu.memory_space<semaphore_mem>>) src(%dma_wait3A_846 : memref<128x128xf32, #tpu.memory_space<vmem>>) dst(%dma_wait3A_842 : memref<128x128xf32, #tpu.memory_space<hbm>>)
    %dma_start3A_847 = arith.constant 18 : i32
    %dma_start3A_848 = arith.constant 2 : i32
    %dma_start3A_849 = arith.constant 0 : i32
    %dma_start3A_850 = arith.constant 0 : i32
    %dma_start3A_851 = tpu.memref_slice %arg10[%dma_start3A_848, %dma_start3A_849, %dma_start3A_850] : memref<4x128x128xf32, #tpu.memory_space<vmem>> -> memref<1x128x128xf32, #tpu.memory_space<vmem>>
    %dma_start3A_852 = tpu.memref_squeeze %dma_start3A_851 : memref<1x128x128xf32, #tpu.memory_space<vmem>> -> memref<128x128xf32, #tpu.memory_space<vmem>>
    %dma_start3A_853 = arith.constant 0 : i32
    %dma_start3A_854 = tpu.memref_slice %arg9[%dma_start3A_847, %dma_start3A_853] : memref<24x128xi32, #tpu.memory_space<vmem>> -> memref<1x128xi32, #tpu.memory_space<vmem>>
    %dma_start3A_855 = tpu.memref_squeeze %dma_start3A_854 : memref<1x128xi32, #tpu.memory_space<vmem>> -> memref<128xi32, #tpu.memory_space<vmem>>
    %dma_start3A_856 = arith.constant 0 : i32
    %dma_start3A_857 = arith.constant 0 : i32
    %dma_start3A_858 = tpu.memref_slice %arg2[%dma_start3A_856, %dma_start3A_857] : memref<8192x128xf32, #tpu.memory_space<hbm>> -> memref<8192x128xf32, #tpu.memory_space<hbm>>
    tpu.enqueue_indirect_dma source(%dma_start3A_858 : memref<8192x128xf32, #tpu.memory_space<hbm>>) target(%dma_start3A_852 : memref<128x128xf32, #tpu.memory_space<vmem>>) offsets(%dma_start3A_855 : memref<128xi32, #tpu.memory_space<vmem>>) semaphore(%arg13 : memref<!tpu.dma_semaphore, #tpu.memory_space<semaphore_mem>>)
    %dma_wait3A_859 = arith.constant 15 : i32
    %dma_wait3A_860 = arith.constant 3 : i32
    %dma_wait3A_861 = arith.constant 0 : i32
    %dma_wait3A_862 = arith.constant 0 : i32
    %dma_wait3A_863 = tpu.memref_slice %arg10[%dma_wait3A_860, %dma_wait3A_861, %dma_wait3A_862] : memref<4x128x128xf32, #tpu.memory_space<vmem>> -> memref<1x128x128xf32, #tpu.memory_space<vmem>>
    %dma_wait3A_864 = tpu.memref_squeeze %dma_wait3A_863 : memref<1x128x128xf32, #tpu.memory_space<vmem>> -> memref<128x128xf32, #tpu.memory_space<vmem>>
    %dma_wait3A_865 = arith.constant 0 : i32
    %dma_wait3A_866 = tpu.memref_slice %arg9[%dma_wait3A_859, %dma_wait3A_865] : memref<24x128xi32, #tpu.memory_space<vmem>> -> memref<1x128xi32, #tpu.memory_space<vmem>>
    %dma_wait3A_867 = tpu.memref_squeeze %dma_wait3A_866 : memref<1x128xi32, #tpu.memory_space<vmem>> -> memref<128xi32, #tpu.memory_space<vmem>>
    %dma_wait3A_868 = arith.constant 0 : i32
    %dma_wait3A_869 = arith.constant 0 : i32
    %dma_wait3A_870 = tpu.memref_slice %arg2[%dma_wait3A_868, %dma_wait3A_869] : memref<8192x128xf32, #tpu.memory_space<hbm>> -> memref<8192x128xf32, #tpu.memory_space<hbm>>
    tpu.wait_indirect_dma semaphore(%arg14 : memref<!tpu.dma_semaphore, #tpu.memory_space<semaphore_mem>>) src(%dma_wait3A_870 : memref<8192x128xf32, #tpu.memory_space<hbm>>) dst(%dma_wait3A_864 : memref<128x128xf32, #tpu.memory_space<vmem>>)
    %mul3A_871 = arith.constant 1024 : i32
    %mul3A_872 = arith.muli %add3A, %mul3A_871 : i32
    %add3A_873 = arith.constant 896 : i32
    %add3A_874 = arith.addi %mul3A_872, %add3A_873 : i32
    %dma_start3A_875 = arith.constant 3 : i32
    %dma_start3A_876 = arith.constant 0 : i32
    %dma_start3A_877 = arith.constant 0 : i32
    %dma_start3A_878 = tpu.memref_slice %arg10[%dma_start3A_875, %dma_start3A_876, %dma_start3A_877] : memref<4x128x128xf32, #tpu.memory_space<vmem>> -> memref<1x128x128xf32, #tpu.memory_space<vmem>>
    %dma_start3A_879 = tpu.memref_squeeze %dma_start3A_878 : memref<1x128x128xf32, #tpu.memory_space<vmem>> -> memref<128x128xf32, #tpu.memory_space<vmem>>
    %dma_start3A_880 = arith.constant 0 : i32
    %dma_start3A_881 = tpu.memref_slice %arg7[%add3A_874, %dma_start3A_880] : memref<32768x128xf32, #tpu.memory_space<hbm>> -> memref<128x128xf32, #tpu.memory_space<hbm>>
    %dma_start3A_882 = arith.constant 0 : i32
    %dma_start3A_883 = tpu.memref_slice %arg7[%add3A_874, %dma_start3A_882] : memref<32768x128xf32, #tpu.memory_space<hbm>> -> memref<128x128xf32, #tpu.memory_space<hbm>>
    %dma_start3A_884 = arith.constant 0 : i32
    %dma_start3A_885 = arith.constant 0 : i32
    %dma_start3A_886 = tpu.memref_slice %arg10[%dma_start3A_875, %dma_start3A_884, %dma_start3A_885] : memref<4x128x128xf32, #tpu.memory_space<vmem>> -> memref<1x128x128xf32, #tpu.memory_space<vmem>>
    %dma_start3A_887 = tpu.memref_squeeze %dma_start3A_886 : memref<1x128x128xf32, #tpu.memory_space<vmem>> -> memref<128x128xf32, #tpu.memory_space<vmem>>
    tpu.enqueue_dma source(%dma_start3A_887 : memref<128x128xf32, #tpu.memory_space<vmem>>) target(%dma_start3A_883 : memref<128x128xf32, #tpu.memory_space<hbm>>) target_semaphore(%arg18 : memref<!tpu.dma_semaphore, #tpu.memory_space<semaphore_mem>>)
    %dma_wait3A_888 = arith.constant 3 : i32
    %dma_wait3A_889 = arith.constant 0 : i32
    %dma_wait3A_890 = arith.constant 0 : i32
    %dma_wait3A_891 = tpu.memref_slice %arg10[%dma_wait3A_888, %dma_wait3A_889, %dma_wait3A_890] : memref<4x128x128xf32, #tpu.memory_space<vmem>> -> memref<1x128x128xf32, #tpu.memory_space<vmem>>
    %dma_wait3A_892 = tpu.memref_squeeze %dma_wait3A_891 : memref<1x128x128xf32, #tpu.memory_space<vmem>> -> memref<128x128xf32, #tpu.memory_space<vmem>>
    %dma_wait3A_893 = arith.constant 0 : i32
    %dma_wait3A_894 = tpu.memref_slice %arg7[%add3A_874, %dma_wait3A_893] : memref<32768x128xf32, #tpu.memory_space<hbm>> -> memref<128x128xf32, #tpu.memory_space<hbm>>
    %dma_wait3A_895 = arith.constant 0 : i32
    %dma_wait3A_896 = tpu.memref_slice %arg7[%add3A_874, %dma_wait3A_895] : memref<32768x128xf32, #tpu.memory_space<hbm>> -> memref<128x128xf32, #tpu.memory_space<hbm>>
    %dma_wait3A_897 = arith.constant 0 : i32
    %dma_wait3A_898 = arith.constant 0 : i32
    %dma_wait3A_899 = tpu.memref_slice %arg10[%dma_wait3A_888, %dma_wait3A_897, %dma_wait3A_898] : memref<4x128x128xf32, #tpu.memory_space<vmem>> -> memref<1x128x128xf32, #tpu.memory_space<vmem>>
    %dma_wait3A_900 = tpu.memref_squeeze %dma_wait3A_899 : memref<1x128x128xf32, #tpu.memory_space<vmem>> -> memref<128x128xf32, #tpu.memory_space<vmem>>
    tpu.wait_dma2 semaphore(%arg18 : memref<!tpu.dma_semaphore, #tpu.memory_space<semaphore_mem>>) src(%dma_wait3A_900 : memref<128x128xf32, #tpu.memory_space<vmem>>) dst(%dma_wait3A_896 : memref<128x128xf32, #tpu.memory_space<hbm>>)
    %dma_start3A_901 = arith.constant 19 : i32
    %dma_start3A_902 = arith.constant 3 : i32
    %dma_start3A_903 = arith.constant 0 : i32
    %dma_start3A_904 = arith.constant 0 : i32
    %dma_start3A_905 = tpu.memref_slice %arg10[%dma_start3A_902, %dma_start3A_903, %dma_start3A_904] : memref<4x128x128xf32, #tpu.memory_space<vmem>> -> memref<1x128x128xf32, #tpu.memory_space<vmem>>
    %dma_start3A_906 = tpu.memref_squeeze %dma_start3A_905 : memref<1x128x128xf32, #tpu.memory_space<vmem>> -> memref<128x128xf32, #tpu.memory_space<vmem>>
    %dma_start3A_907 = arith.constant 0 : i32
    %dma_start3A_908 = tpu.memref_slice %arg9[%dma_start3A_901, %dma_start3A_907] : memref<24x128xi32, #tpu.memory_space<vmem>> -> memref<1x128xi32, #tpu.memory_space<vmem>>
    %dma_start3A_909 = tpu.memref_squeeze %dma_start3A_908 : memref<1x128xi32, #tpu.memory_space<vmem>> -> memref<128xi32, #tpu.memory_space<vmem>>
    %dma_start3A_910 = arith.constant 0 : i32
    %dma_start3A_911 = arith.constant 0 : i32
    %dma_start3A_912 = tpu.memref_slice %arg2[%dma_start3A_910, %dma_start3A_911] : memref<8192x128xf32, #tpu.memory_space<hbm>> -> memref<8192x128xf32, #tpu.memory_space<hbm>>
    tpu.enqueue_indirect_dma source(%dma_start3A_912 : memref<8192x128xf32, #tpu.memory_space<hbm>>) target(%dma_start3A_906 : memref<128x128xf32, #tpu.memory_space<vmem>>) offsets(%dma_start3A_909 : memref<128xi32, #tpu.memory_space<vmem>>) semaphore(%arg14 : memref<!tpu.dma_semaphore, #tpu.memory_space<semaphore_mem>>)
    %dma_wait3A_913 = arith.constant 16 : i32
    %dma_wait3A_914 = arith.constant 0 : i32
    %dma_wait3A_915 = arith.constant 0 : i32
    %dma_wait3A_916 = arith.constant 0 : i32
    %dma_wait3A_917 = tpu.memref_slice %arg10[%dma_wait3A_914, %dma_wait3A_915, %dma_wait3A_916] : memref<4x128x128xf32, #tpu.memory_space<vmem>> -> memref<1x128x128xf32, #tpu.memory_space<vmem>>
    %dma_wait3A_918 = tpu.memref_squeeze %dma_wait3A_917 : memref<1x128x128xf32, #tpu.memory_space<vmem>> -> memref<128x128xf32, #tpu.memory_space<vmem>>
    %dma_wait3A_919 = arith.constant 0 : i32
    %dma_wait3A_920 = tpu.memref_slice %arg9[%dma_wait3A_913, %dma_wait3A_919] : memref<24x128xi32, #tpu.memory_space<vmem>> -> memref<1x128xi32, #tpu.memory_space<vmem>>
    %dma_wait3A_921 = tpu.memref_squeeze %dma_wait3A_920 : memref<1x128xi32, #tpu.memory_space<vmem>> -> memref<128xi32, #tpu.memory_space<vmem>>
    %dma_wait3A_922 = arith.constant 0 : i32
    %dma_wait3A_923 = arith.constant 0 : i32
    %dma_wait3A_924 = tpu.memref_slice %arg2[%dma_wait3A_922, %dma_wait3A_923] : memref<8192x128xf32, #tpu.memory_space<hbm>> -> memref<8192x128xf32, #tpu.memory_space<hbm>>
    tpu.wait_indirect_dma semaphore(%arg11 : memref<!tpu.dma_semaphore, #tpu.memory_space<semaphore_mem>>) src(%dma_wait3A_924 : memref<8192x128xf32, #tpu.memory_space<hbm>>) dst(%dma_wait3A_918 : memref<128x128xf32, #tpu.memory_space<vmem>>)
    %mul3A_925 = arith.constant 1024 : i32
    %mul3A_926 = arith.muli %add3A, %mul3A_925 : i32
    %add3A_927 = arith.constant 0 : i32
    %add3A_928 = arith.addi %mul3A_926, %add3A_927 : i32
    %dma_start3A_929 = arith.constant 0 : i32
    %dma_start3A_930 = arith.constant 0 : i32
    %dma_start3A_931 = arith.constant 0 : i32
    %dma_start3A_932 = tpu.memref_slice %arg10[%dma_start3A_929, %dma_start3A_930, %dma_start3A_931] : memref<4x128x128xf32, #tpu.memory_space<vmem>> -> memref<1x128x128xf32, #tpu.memory_space<vmem>>
    %dma_start3A_933 = tpu.memref_squeeze %dma_start3A_932 : memref<1x128x128xf32, #tpu.memory_space<vmem>> -> memref<128x128xf32, #tpu.memory_space<vmem>>
    %dma_start3A_934 = arith.constant 0 : i32
    %dma_start3A_935 = tpu.memref_slice %arg8[%add3A_928, %dma_start3A_934] : memref<32768x128xf32, #tpu.memory_space<hbm>> -> memref<128x128xf32, #tpu.memory_space<hbm>>
    %dma_start3A_936 = arith.constant 0 : i32
    %dma_start3A_937 = tpu.memref_slice %arg8[%add3A_928, %dma_start3A_936] : memref<32768x128xf32, #tpu.memory_space<hbm>> -> memref<128x128xf32, #tpu.memory_space<hbm>>
    %dma_start3A_938 = arith.constant 0 : i32
    %dma_start3A_939 = arith.constant 0 : i32
    %dma_start3A_940 = tpu.memref_slice %arg10[%dma_start3A_929, %dma_start3A_938, %dma_start3A_939] : memref<4x128x128xf32, #tpu.memory_space<vmem>> -> memref<1x128x128xf32, #tpu.memory_space<vmem>>
    %dma_start3A_941 = tpu.memref_squeeze %dma_start3A_940 : memref<1x128x128xf32, #tpu.memory_space<vmem>> -> memref<128x128xf32, #tpu.memory_space<vmem>>
    tpu.enqueue_dma source(%dma_start3A_941 : memref<128x128xf32, #tpu.memory_space<vmem>>) target(%dma_start3A_937 : memref<128x128xf32, #tpu.memory_space<hbm>>) target_semaphore(%arg15 : memref<!tpu.dma_semaphore, #tpu.memory_space<semaphore_mem>>)
    %dma_wait3A_942 = arith.constant 0 : i32
    %dma_wait3A_943 = arith.constant 0 : i32
    %dma_wait3A_944 = arith.constant 0 : i32
    %dma_wait3A_945 = tpu.memref_slice %arg10[%dma_wait3A_942, %dma_wait3A_943, %dma_wait3A_944] : memref<4x128x128xf32, #tpu.memory_space<vmem>> -> memref<1x128x128xf32, #tpu.memory_space<vmem>>
    %dma_wait3A_946 = tpu.memref_squeeze %dma_wait3A_945 : memref<1x128x128xf32, #tpu.memory_space<vmem>> -> memref<128x128xf32, #tpu.memory_space<vmem>>
    %dma_wait3A_947 = arith.constant 0 : i32
    %dma_wait3A_948 = tpu.memref_slice %arg8[%add3A_928, %dma_wait3A_947] : memref<32768x128xf32, #tpu.memory_space<hbm>> -> memref<128x128xf32, #tpu.memory_space<hbm>>
    %dma_wait3A_949 = arith.constant 0 : i32
    %dma_wait3A_950 = tpu.memref_slice %arg8[%add3A_928, %dma_wait3A_949] : memref<32768x128xf32, #tpu.memory_space<hbm>> -> memref<128x128xf32, #tpu.memory_space<hbm>>
    %dma_wait3A_951 = arith.constant 0 : i32
    %dma_wait3A_952 = arith.constant 0 : i32
    %dma_wait3A_953 = tpu.memref_slice %arg10[%dma_wait3A_942, %dma_wait3A_951, %dma_wait3A_952] : memref<4x128x128xf32, #tpu.memory_space<vmem>> -> memref<1x128x128xf32, #tpu.memory_space<vmem>>
    %dma_wait3A_954 = tpu.memref_squeeze %dma_wait3A_953 : memref<1x128x128xf32, #tpu.memory_space<vmem>> -> memref<128x128xf32, #tpu.memory_space<vmem>>
    tpu.wait_dma2 semaphore(%arg15 : memref<!tpu.dma_semaphore, #tpu.memory_space<semaphore_mem>>) src(%dma_wait3A_954 : memref<128x128xf32, #tpu.memory_space<vmem>>) dst(%dma_wait3A_950 : memref<128x128xf32, #tpu.memory_space<hbm>>)
    %dma_start3A_955 = arith.constant 20 : i32
    %dma_start3A_956 = arith.constant 0 : i32
    %dma_start3A_957 = arith.constant 0 : i32
    %dma_start3A_958 = arith.constant 0 : i32
    %dma_start3A_959 = tpu.memref_slice %arg10[%dma_start3A_956, %dma_start3A_957, %dma_start3A_958] : memref<4x128x128xf32, #tpu.memory_space<vmem>> -> memref<1x128x128xf32, #tpu.memory_space<vmem>>
    %dma_start3A_960 = tpu.memref_squeeze %dma_start3A_959 : memref<1x128x128xf32, #tpu.memory_space<vmem>> -> memref<128x128xf32, #tpu.memory_space<vmem>>
    %dma_start3A_961 = arith.constant 0 : i32
    %dma_start3A_962 = tpu.memref_slice %arg9[%dma_start3A_955, %dma_start3A_961] : memref<24x128xi32, #tpu.memory_space<vmem>> -> memref<1x128xi32, #tpu.memory_space<vmem>>
    %dma_start3A_963 = tpu.memref_squeeze %dma_start3A_962 : memref<1x128xi32, #tpu.memory_space<vmem>> -> memref<128xi32, #tpu.memory_space<vmem>>
    %dma_start3A_964 = arith.constant 0 : i32
    %dma_start3A_965 = arith.constant 0 : i32
    %dma_start3A_966 = tpu.memref_slice %arg2[%dma_start3A_964, %dma_start3A_965] : memref<8192x128xf32, #tpu.memory_space<hbm>> -> memref<8192x128xf32, #tpu.memory_space<hbm>>
    tpu.enqueue_indirect_dma source(%dma_start3A_966 : memref<8192x128xf32, #tpu.memory_space<hbm>>) target(%dma_start3A_960 : memref<128x128xf32, #tpu.memory_space<vmem>>) offsets(%dma_start3A_963 : memref<128xi32, #tpu.memory_space<vmem>>) semaphore(%arg11 : memref<!tpu.dma_semaphore, #tpu.memory_space<semaphore_mem>>)
    %dma_wait3A_967 = arith.constant 17 : i32
    %dma_wait3A_968 = arith.constant 1 : i32
    %dma_wait3A_969 = arith.constant 0 : i32
    %dma_wait3A_970 = arith.constant 0 : i32
    %dma_wait3A_971 = tpu.memref_slice %arg10[%dma_wait3A_968, %dma_wait3A_969, %dma_wait3A_970] : memref<4x128x128xf32, #tpu.memory_space<vmem>> -> memref<1x128x128xf32, #tpu.memory_space<vmem>>
    %dma_wait3A_972 = tpu.memref_squeeze %dma_wait3A_971 : memref<1x128x128xf32, #tpu.memory_space<vmem>> -> memref<128x128xf32, #tpu.memory_space<vmem>>
    %dma_wait3A_973 = arith.constant 0 : i32
    %dma_wait3A_974 = tpu.memref_slice %arg9[%dma_wait3A_967, %dma_wait3A_973] : memref<24x128xi32, #tpu.memory_space<vmem>> -> memref<1x128xi32, #tpu.memory_space<vmem>>
    %dma_wait3A_975 = tpu.memref_squeeze %dma_wait3A_974 : memref<1x128xi32, #tpu.memory_space<vmem>> -> memref<128xi32, #tpu.memory_space<vmem>>
    %dma_wait3A_976 = arith.constant 0 : i32
    %dma_wait3A_977 = arith.constant 0 : i32
    %dma_wait3A_978 = tpu.memref_slice %arg2[%dma_wait3A_976, %dma_wait3A_977] : memref<8192x128xf32, #tpu.memory_space<hbm>> -> memref<8192x128xf32, #tpu.memory_space<hbm>>
    tpu.wait_indirect_dma semaphore(%arg12 : memref<!tpu.dma_semaphore, #tpu.memory_space<semaphore_mem>>) src(%dma_wait3A_978 : memref<8192x128xf32, #tpu.memory_space<hbm>>) dst(%dma_wait3A_972 : memref<128x128xf32, #tpu.memory_space<vmem>>)
    %mul3A_979 = arith.constant 1024 : i32
    %mul3A_980 = arith.muli %add3A, %mul3A_979 : i32
    %add3A_981 = arith.constant 128 : i32
    %add3A_982 = arith.addi %mul3A_980, %add3A_981 : i32
    %dma_start3A_983 = arith.constant 1 : i32
    %dma_start3A_984 = arith.constant 0 : i32
    %dma_start3A_985 = arith.constant 0 : i32
    %dma_start3A_986 = tpu.memref_slice %arg10[%dma_start3A_983, %dma_start3A_984, %dma_start3A_985] : memref<4x128x128xf32, #tpu.memory_space<vmem>> -> memref<1x128x128xf32, #tpu.memory_space<vmem>>
    %dma_start3A_987 = tpu.memref_squeeze %dma_start3A_986 : memref<1x128x128xf32, #tpu.memory_space<vmem>> -> memref<128x128xf32, #tpu.memory_space<vmem>>
    %dma_start3A_988 = arith.constant 0 : i32
    %dma_start3A_989 = tpu.memref_slice %arg8[%add3A_982, %dma_start3A_988] : memref<32768x128xf32, #tpu.memory_space<hbm>> -> memref<128x128xf32, #tpu.memory_space<hbm>>
    %dma_start3A_990 = arith.constant 0 : i32
    %dma_start3A_991 = tpu.memref_slice %arg8[%add3A_982, %dma_start3A_990] : memref<32768x128xf32, #tpu.memory_space<hbm>> -> memref<128x128xf32, #tpu.memory_space<hbm>>
    %dma_start3A_992 = arith.constant 0 : i32
    %dma_start3A_993 = arith.constant 0 : i32
    %dma_start3A_994 = tpu.memref_slice %arg10[%dma_start3A_983, %dma_start3A_992, %dma_start3A_993] : memref<4x128x128xf32, #tpu.memory_space<vmem>> -> memref<1x128x128xf32, #tpu.memory_space<vmem>>
    %dma_start3A_995 = tpu.memref_squeeze %dma_start3A_994 : memref<1x128x128xf32, #tpu.memory_space<vmem>> -> memref<128x128xf32, #tpu.memory_space<vmem>>
    tpu.enqueue_dma source(%dma_start3A_995 : memref<128x128xf32, #tpu.memory_space<vmem>>) target(%dma_start3A_991 : memref<128x128xf32, #tpu.memory_space<hbm>>) target_semaphore(%arg16 : memref<!tpu.dma_semaphore, #tpu.memory_space<semaphore_mem>>)
    %dma_wait3A_996 = arith.constant 1 : i32
    %dma_wait3A_997 = arith.constant 0 : i32
    %dma_wait3A_998 = arith.constant 0 : i32
    %dma_wait3A_999 = tpu.memref_slice %arg10[%dma_wait3A_996, %dma_wait3A_997, %dma_wait3A_998] : memref<4x128x128xf32, #tpu.memory_space<vmem>> -> memref<1x128x128xf32, #tpu.memory_space<vmem>>
    %dma_wait3A_1000 = tpu.memref_squeeze %dma_wait3A_999 : memref<1x128x128xf32, #tpu.memory_space<vmem>> -> memref<128x128xf32, #tpu.memory_space<vmem>>
    %dma_wait3A_1001 = arith.constant 0 : i32
    %dma_wait3A_1002 = tpu.memref_slice %arg8[%add3A_982, %dma_wait3A_1001] : memref<32768x128xf32, #tpu.memory_space<hbm>> -> memref<128x128xf32, #tpu.memory_space<hbm>>
    %dma_wait3A_1003 = arith.constant 0 : i32
    %dma_wait3A_1004 = tpu.memref_slice %arg8[%add3A_982, %dma_wait3A_1003] : memref<32768x128xf32, #tpu.memory_space<hbm>> -> memref<128x128xf32, #tpu.memory_space<hbm>>
    %dma_wait3A_1005 = arith.constant 0 : i32
    %dma_wait3A_1006 = arith.constant 0 : i32
    %dma_wait3A_1007 = tpu.memref_slice %arg10[%dma_wait3A_996, %dma_wait3A_1005, %dma_wait3A_1006] : memref<4x128x128xf32, #tpu.memory_space<vmem>> -> memref<1x128x128xf32, #tpu.memory_space<vmem>>
    %dma_wait3A_1008 = tpu.memref_squeeze %dma_wait3A_1007 : memref<1x128x128xf32, #tpu.memory_space<vmem>> -> memref<128x128xf32, #tpu.memory_space<vmem>>
    tpu.wait_dma2 semaphore(%arg16 : memref<!tpu.dma_semaphore, #tpu.memory_space<semaphore_mem>>) src(%dma_wait3A_1008 : memref<128x128xf32, #tpu.memory_space<vmem>>) dst(%dma_wait3A_1004 : memref<128x128xf32, #tpu.memory_space<hbm>>)
    %dma_start3A_1009 = arith.constant 21 : i32
    %dma_start3A_1010 = arith.constant 1 : i32
    %dma_start3A_1011 = arith.constant 0 : i32
    %dma_start3A_1012 = arith.constant 0 : i32
    %dma_start3A_1013 = tpu.memref_slice %arg10[%dma_start3A_1010, %dma_start3A_1011, %dma_start3A_1012] : memref<4x128x128xf32, #tpu.memory_space<vmem>> -> memref<1x128x128xf32, #tpu.memory_space<vmem>>
    %dma_start3A_1014 = tpu.memref_squeeze %dma_start3A_1013 : memref<1x128x128xf32, #tpu.memory_space<vmem>> -> memref<128x128xf32, #tpu.memory_space<vmem>>
    %dma_start3A_1015 = arith.constant 0 : i32
    %dma_start3A_1016 = tpu.memref_slice %arg9[%dma_start3A_1009, %dma_start3A_1015] : memref<24x128xi32, #tpu.memory_space<vmem>> -> memref<1x128xi32, #tpu.memory_space<vmem>>
    %dma_start3A_1017 = tpu.memref_squeeze %dma_start3A_1016 : memref<1x128xi32, #tpu.memory_space<vmem>> -> memref<128xi32, #tpu.memory_space<vmem>>
    %dma_start3A_1018 = arith.constant 0 : i32
    %dma_start3A_1019 = arith.constant 0 : i32
    %dma_start3A_1020 = tpu.memref_slice %arg2[%dma_start3A_1018, %dma_start3A_1019] : memref<8192x128xf32, #tpu.memory_space<hbm>> -> memref<8192x128xf32, #tpu.memory_space<hbm>>
    tpu.enqueue_indirect_dma source(%dma_start3A_1020 : memref<8192x128xf32, #tpu.memory_space<hbm>>) target(%dma_start3A_1014 : memref<128x128xf32, #tpu.memory_space<vmem>>) offsets(%dma_start3A_1017 : memref<128xi32, #tpu.memory_space<vmem>>) semaphore(%arg12 : memref<!tpu.dma_semaphore, #tpu.memory_space<semaphore_mem>>)
    %dma_wait3A_1021 = arith.constant 18 : i32
    %dma_wait3A_1022 = arith.constant 2 : i32
    %dma_wait3A_1023 = arith.constant 0 : i32
    %dma_wait3A_1024 = arith.constant 0 : i32
    %dma_wait3A_1025 = tpu.memref_slice %arg10[%dma_wait3A_1022, %dma_wait3A_1023, %dma_wait3A_1024] : memref<4x128x128xf32, #tpu.memory_space<vmem>> -> memref<1x128x128xf32, #tpu.memory_space<vmem>>
    %dma_wait3A_1026 = tpu.memref_squeeze %dma_wait3A_1025 : memref<1x128x128xf32, #tpu.memory_space<vmem>> -> memref<128x128xf32, #tpu.memory_space<vmem>>
    %dma_wait3A_1027 = arith.constant 0 : i32
    %dma_wait3A_1028 = tpu.memref_slice %arg9[%dma_wait3A_1021, %dma_wait3A_1027] : memref<24x128xi32, #tpu.memory_space<vmem>> -> memref<1x128xi32, #tpu.memory_space<vmem>>
    %dma_wait3A_1029 = tpu.memref_squeeze %dma_wait3A_1028 : memref<1x128xi32, #tpu.memory_space<vmem>> -> memref<128xi32, #tpu.memory_space<vmem>>
    %dma_wait3A_1030 = arith.constant 0 : i32
    %dma_wait3A_1031 = arith.constant 0 : i32
    %dma_wait3A_1032 = tpu.memref_slice %arg2[%dma_wait3A_1030, %dma_wait3A_1031] : memref<8192x128xf32, #tpu.memory_space<hbm>> -> memref<8192x128xf32, #tpu.memory_space<hbm>>
    tpu.wait_indirect_dma semaphore(%arg13 : memref<!tpu.dma_semaphore, #tpu.memory_space<semaphore_mem>>) src(%dma_wait3A_1032 : memref<8192x128xf32, #tpu.memory_space<hbm>>) dst(%dma_wait3A_1026 : memref<128x128xf32, #tpu.memory_space<vmem>>)
    %mul3A_1033 = arith.constant 1024 : i32
    %mul3A_1034 = arith.muli %add3A, %mul3A_1033 : i32
    %add3A_1035 = arith.constant 256 : i32
    %add3A_1036 = arith.addi %mul3A_1034, %add3A_1035 : i32
    %dma_start3A_1037 = arith.constant 2 : i32
    %dma_start3A_1038 = arith.constant 0 : i32
    %dma_start3A_1039 = arith.constant 0 : i32
    %dma_start3A_1040 = tpu.memref_slice %arg10[%dma_start3A_1037, %dma_start3A_1038, %dma_start3A_1039] : memref<4x128x128xf32, #tpu.memory_space<vmem>> -> memref<1x128x128xf32, #tpu.memory_space<vmem>>
    %dma_start3A_1041 = tpu.memref_squeeze %dma_start3A_1040 : memref<1x128x128xf32, #tpu.memory_space<vmem>> -> memref<128x128xf32, #tpu.memory_space<vmem>>
    %dma_start3A_1042 = arith.constant 0 : i32
    %dma_start3A_1043 = tpu.memref_slice %arg8[%add3A_1036, %dma_start3A_1042] : memref<32768x128xf32, #tpu.memory_space<hbm>> -> memref<128x128xf32, #tpu.memory_space<hbm>>
    %dma_start3A_1044 = arith.constant 0 : i32
    %dma_start3A_1045 = tpu.memref_slice %arg8[%add3A_1036, %dma_start3A_1044] : memref<32768x128xf32, #tpu.memory_space<hbm>> -> memref<128x128xf32, #tpu.memory_space<hbm>>
    %dma_start3A_1046 = arith.constant 0 : i32
    %dma_start3A_1047 = arith.constant 0 : i32
    %dma_start3A_1048 = tpu.memref_slice %arg10[%dma_start3A_1037, %dma_start3A_1046, %dma_start3A_1047] : memref<4x128x128xf32, #tpu.memory_space<vmem>> -> memref<1x128x128xf32, #tpu.memory_space<vmem>>
    %dma_start3A_1049 = tpu.memref_squeeze %dma_start3A_1048 : memref<1x128x128xf32, #tpu.memory_space<vmem>> -> memref<128x128xf32, #tpu.memory_space<vmem>>
    tpu.enqueue_dma source(%dma_start3A_1049 : memref<128x128xf32, #tpu.memory_space<vmem>>) target(%dma_start3A_1045 : memref<128x128xf32, #tpu.memory_space<hbm>>) target_semaphore(%arg17 : memref<!tpu.dma_semaphore, #tpu.memory_space<semaphore_mem>>)
    %dma_wait3A_1050 = arith.constant 2 : i32
    %dma_wait3A_1051 = arith.constant 0 : i32
    %dma_wait3A_1052 = arith.constant 0 : i32
    %dma_wait3A_1053 = tpu.memref_slice %arg10[%dma_wait3A_1050, %dma_wait3A_1051, %dma_wait3A_1052] : memref<4x128x128xf32, #tpu.memory_space<vmem>> -> memref<1x128x128xf32, #tpu.memory_space<vmem>>
    %dma_wait3A_1054 = tpu.memref_squeeze %dma_wait3A_1053 : memref<1x128x128xf32, #tpu.memory_space<vmem>> -> memref<128x128xf32, #tpu.memory_space<vmem>>
    %dma_wait3A_1055 = arith.constant 0 : i32
    %dma_wait3A_1056 = tpu.memref_slice %arg8[%add3A_1036, %dma_wait3A_1055] : memref<32768x128xf32, #tpu.memory_space<hbm>> -> memref<128x128xf32, #tpu.memory_space<hbm>>
    %dma_wait3A_1057 = arith.constant 0 : i32
    %dma_wait3A_1058 = tpu.memref_slice %arg8[%add3A_1036, %dma_wait3A_1057] : memref<32768x128xf32, #tpu.memory_space<hbm>> -> memref<128x128xf32, #tpu.memory_space<hbm>>
    %dma_wait3A_1059 = arith.constant 0 : i32
    %dma_wait3A_1060 = arith.constant 0 : i32
    %dma_wait3A_1061 = tpu.memref_slice %arg10[%dma_wait3A_1050, %dma_wait3A_1059, %dma_wait3A_1060] : memref<4x128x128xf32, #tpu.memory_space<vmem>> -> memref<1x128x128xf32, #tpu.memory_space<vmem>>
    %dma_wait3A_1062 = tpu.memref_squeeze %dma_wait3A_1061 : memref<1x128x128xf32, #tpu.memory_space<vmem>> -> memref<128x128xf32, #tpu.memory_space<vmem>>
    tpu.wait_dma2 semaphore(%arg17 : memref<!tpu.dma_semaphore, #tpu.memory_space<semaphore_mem>>) src(%dma_wait3A_1062 : memref<128x128xf32, #tpu.memory_space<vmem>>) dst(%dma_wait3A_1058 : memref<128x128xf32, #tpu.memory_space<hbm>>)
    %dma_start3A_1063 = arith.constant 22 : i32
    %dma_start3A_1064 = arith.constant 2 : i32
    %dma_start3A_1065 = arith.constant 0 : i32
    %dma_start3A_1066 = arith.constant 0 : i32
    %dma_start3A_1067 = tpu.memref_slice %arg10[%dma_start3A_1064, %dma_start3A_1065, %dma_start3A_1066] : memref<4x128x128xf32, #tpu.memory_space<vmem>> -> memref<1x128x128xf32, #tpu.memory_space<vmem>>
    %dma_start3A_1068 = tpu.memref_squeeze %dma_start3A_1067 : memref<1x128x128xf32, #tpu.memory_space<vmem>> -> memref<128x128xf32, #tpu.memory_space<vmem>>
    %dma_start3A_1069 = arith.constant 0 : i32
    %dma_start3A_1070 = tpu.memref_slice %arg9[%dma_start3A_1063, %dma_start3A_1069] : memref<24x128xi32, #tpu.memory_space<vmem>> -> memref<1x128xi32, #tpu.memory_space<vmem>>
    %dma_start3A_1071 = tpu.memref_squeeze %dma_start3A_1070 : memref<1x128xi32, #tpu.memory_space<vmem>> -> memref<128xi32, #tpu.memory_space<vmem>>
    %dma_start3A_1072 = arith.constant 0 : i32
    %dma_start3A_1073 = arith.constant 0 : i32
    %dma_start3A_1074 = tpu.memref_slice %arg2[%dma_start3A_1072, %dma_start3A_1073] : memref<8192x128xf32, #tpu.memory_space<hbm>> -> memref<8192x128xf32, #tpu.memory_space<hbm>>
    tpu.enqueue_indirect_dma source(%dma_start3A_1074 : memref<8192x128xf32, #tpu.memory_space<hbm>>) target(%dma_start3A_1068 : memref<128x128xf32, #tpu.memory_space<vmem>>) offsets(%dma_start3A_1071 : memref<128xi32, #tpu.memory_space<vmem>>) semaphore(%arg13 : memref<!tpu.dma_semaphore, #tpu.memory_space<semaphore_mem>>)
    %dma_wait3A_1075 = arith.constant 19 : i32
    %dma_wait3A_1076 = arith.constant 3 : i32
    %dma_wait3A_1077 = arith.constant 0 : i32
    %dma_wait3A_1078 = arith.constant 0 : i32
    %dma_wait3A_1079 = tpu.memref_slice %arg10[%dma_wait3A_1076, %dma_wait3A_1077, %dma_wait3A_1078] : memref<4x128x128xf32, #tpu.memory_space<vmem>> -> memref<1x128x128xf32, #tpu.memory_space<vmem>>
    %dma_wait3A_1080 = tpu.memref_squeeze %dma_wait3A_1079 : memref<1x128x128xf32, #tpu.memory_space<vmem>> -> memref<128x128xf32, #tpu.memory_space<vmem>>
    %dma_wait3A_1081 = arith.constant 0 : i32
    %dma_wait3A_1082 = tpu.memref_slice %arg9[%dma_wait3A_1075, %dma_wait3A_1081] : memref<24x128xi32, #tpu.memory_space<vmem>> -> memref<1x128xi32, #tpu.memory_space<vmem>>
    %dma_wait3A_1083 = tpu.memref_squeeze %dma_wait3A_1082 : memref<1x128xi32, #tpu.memory_space<vmem>> -> memref<128xi32, #tpu.memory_space<vmem>>
    %dma_wait3A_1084 = arith.constant 0 : i32
    %dma_wait3A_1085 = arith.constant 0 : i32
    %dma_wait3A_1086 = tpu.memref_slice %arg2[%dma_wait3A_1084, %dma_wait3A_1085] : memref<8192x128xf32, #tpu.memory_space<hbm>> -> memref<8192x128xf32, #tpu.memory_space<hbm>>
    tpu.wait_indirect_dma semaphore(%arg14 : memref<!tpu.dma_semaphore, #tpu.memory_space<semaphore_mem>>) src(%dma_wait3A_1086 : memref<8192x128xf32, #tpu.memory_space<hbm>>) dst(%dma_wait3A_1080 : memref<128x128xf32, #tpu.memory_space<vmem>>)
    %mul3A_1087 = arith.constant 1024 : i32
    %mul3A_1088 = arith.muli %add3A, %mul3A_1087 : i32
    %add3A_1089 = arith.constant 384 : i32
    %add3A_1090 = arith.addi %mul3A_1088, %add3A_1089 : i32
    %dma_start3A_1091 = arith.constant 3 : i32
    %dma_start3A_1092 = arith.constant 0 : i32
    %dma_start3A_1093 = arith.constant 0 : i32
    %dma_start3A_1094 = tpu.memref_slice %arg10[%dma_start3A_1091, %dma_start3A_1092, %dma_start3A_1093] : memref<4x128x128xf32, #tpu.memory_space<vmem>> -> memref<1x128x128xf32, #tpu.memory_space<vmem>>
    %dma_start3A_1095 = tpu.memref_squeeze %dma_start3A_1094 : memref<1x128x128xf32, #tpu.memory_space<vmem>> -> memref<128x128xf32, #tpu.memory_space<vmem>>
    %dma_start3A_1096 = arith.constant 0 : i32
    %dma_start3A_1097 = tpu.memref_slice %arg8[%add3A_1090, %dma_start3A_1096] : memref<32768x128xf32, #tpu.memory_space<hbm>> -> memref<128x128xf32, #tpu.memory_space<hbm>>
    %dma_start3A_1098 = arith.constant 0 : i32
    %dma_start3A_1099 = tpu.memref_slice %arg8[%add3A_1090, %dma_start3A_1098] : memref<32768x128xf32, #tpu.memory_space<hbm>> -> memref<128x128xf32, #tpu.memory_space<hbm>>
    %dma_start3A_1100 = arith.constant 0 : i32
    %dma_start3A_1101 = arith.constant 0 : i32
    %dma_start3A_1102 = tpu.memref_slice %arg10[%dma_start3A_1091, %dma_start3A_1100, %dma_start3A_1101] : memref<4x128x128xf32, #tpu.memory_space<vmem>> -> memref<1x128x128xf32, #tpu.memory_space<vmem>>
    %dma_start3A_1103 = tpu.memref_squeeze %dma_start3A_1102 : memref<1x128x128xf32, #tpu.memory_space<vmem>> -> memref<128x128xf32, #tpu.memory_space<vmem>>
    tpu.enqueue_dma source(%dma_start3A_1103 : memref<128x128xf32, #tpu.memory_space<vmem>>) target(%dma_start3A_1099 : memref<128x128xf32, #tpu.memory_space<hbm>>) target_semaphore(%arg18 : memref<!tpu.dma_semaphore, #tpu.memory_space<semaphore_mem>>)
    %dma_wait3A_1104 = arith.constant 3 : i32
    %dma_wait3A_1105 = arith.constant 0 : i32
    %dma_wait3A_1106 = arith.constant 0 : i32
    %dma_wait3A_1107 = tpu.memref_slice %arg10[%dma_wait3A_1104, %dma_wait3A_1105, %dma_wait3A_1106] : memref<4x128x128xf32, #tpu.memory_space<vmem>> -> memref<1x128x128xf32, #tpu.memory_space<vmem>>
    %dma_wait3A_1108 = tpu.memref_squeeze %dma_wait3A_1107 : memref<1x128x128xf32, #tpu.memory_space<vmem>> -> memref<128x128xf32, #tpu.memory_space<vmem>>
    %dma_wait3A_1109 = arith.constant 0 : i32
    %dma_wait3A_1110 = tpu.memref_slice %arg8[%add3A_1090, %dma_wait3A_1109] : memref<32768x128xf32, #tpu.memory_space<hbm>> -> memref<128x128xf32, #tpu.memory_space<hbm>>
    %dma_wait3A_1111 = arith.constant 0 : i32
    %dma_wait3A_1112 = tpu.memref_slice %arg8[%add3A_1090, %dma_wait3A_1111] : memref<32768x128xf32, #tpu.memory_space<hbm>> -> memref<128x128xf32, #tpu.memory_space<hbm>>
    %dma_wait3A_1113 = arith.constant 0 : i32
    %dma_wait3A_1114 = arith.constant 0 : i32
    %dma_wait3A_1115 = tpu.memref_slice %arg10[%dma_wait3A_1104, %dma_wait3A_1113, %dma_wait3A_1114] : memref<4x128x128xf32, #tpu.memory_space<vmem>> -> memref<1x128x128xf32, #tpu.memory_space<vmem>>
    %dma_wait3A_1116 = tpu.memref_squeeze %dma_wait3A_1115 : memref<1x128x128xf32, #tpu.memory_space<vmem>> -> memref<128x128xf32, #tpu.memory_space<vmem>>
    tpu.wait_dma2 semaphore(%arg18 : memref<!tpu.dma_semaphore, #tpu.memory_space<semaphore_mem>>) src(%dma_wait3A_1116 : memref<128x128xf32, #tpu.memory_space<vmem>>) dst(%dma_wait3A_1112 : memref<128x128xf32, #tpu.memory_space<hbm>>)
    %dma_start3A_1117 = arith.constant 23 : i32
    %dma_start3A_1118 = arith.constant 3 : i32
    %dma_start3A_1119 = arith.constant 0 : i32
    %dma_start3A_1120 = arith.constant 0 : i32
    %dma_start3A_1121 = tpu.memref_slice %arg10[%dma_start3A_1118, %dma_start3A_1119, %dma_start3A_1120] : memref<4x128x128xf32, #tpu.memory_space<vmem>> -> memref<1x128x128xf32, #tpu.memory_space<vmem>>
    %dma_start3A_1122 = tpu.memref_squeeze %dma_start3A_1121 : memref<1x128x128xf32, #tpu.memory_space<vmem>> -> memref<128x128xf32, #tpu.memory_space<vmem>>
    %dma_start3A_1123 = arith.constant 0 : i32
    %dma_start3A_1124 = tpu.memref_slice %arg9[%dma_start3A_1117, %dma_start3A_1123] : memref<24x128xi32, #tpu.memory_space<vmem>> -> memref<1x128xi32, #tpu.memory_space<vmem>>
    %dma_start3A_1125 = tpu.memref_squeeze %dma_start3A_1124 : memref<1x128xi32, #tpu.memory_space<vmem>> -> memref<128xi32, #tpu.memory_space<vmem>>
    %dma_start3A_1126 = arith.constant 0 : i32
    %dma_start3A_1127 = arith.constant 0 : i32
    %dma_start3A_1128 = tpu.memref_slice %arg2[%dma_start3A_1126, %dma_start3A_1127] : memref<8192x128xf32, #tpu.memory_space<hbm>> -> memref<8192x128xf32, #tpu.memory_space<hbm>>
    tpu.enqueue_indirect_dma source(%dma_start3A_1128 : memref<8192x128xf32, #tpu.memory_space<hbm>>) target(%dma_start3A_1122 : memref<128x128xf32, #tpu.memory_space<vmem>>) offsets(%dma_start3A_1125 : memref<128xi32, #tpu.memory_space<vmem>>) semaphore(%arg14 : memref<!tpu.dma_semaphore, #tpu.memory_space<semaphore_mem>>)
    %dma_wait3A_1129 = arith.constant 20 : i32
    %dma_wait3A_1130 = arith.constant 0 : i32
    %dma_wait3A_1131 = arith.constant 0 : i32
    %dma_wait3A_1132 = arith.constant 0 : i32
    %dma_wait3A_1133 = tpu.memref_slice %arg10[%dma_wait3A_1130, %dma_wait3A_1131, %dma_wait3A_1132] : memref<4x128x128xf32, #tpu.memory_space<vmem>> -> memref<1x128x128xf32, #tpu.memory_space<vmem>>
    %dma_wait3A_1134 = tpu.memref_squeeze %dma_wait3A_1133 : memref<1x128x128xf32, #tpu.memory_space<vmem>> -> memref<128x128xf32, #tpu.memory_space<vmem>>
    %dma_wait3A_1135 = arith.constant 0 : i32
    %dma_wait3A_1136 = tpu.memref_slice %arg9[%dma_wait3A_1129, %dma_wait3A_1135] : memref<24x128xi32, #tpu.memory_space<vmem>> -> memref<1x128xi32, #tpu.memory_space<vmem>>
    %dma_wait3A_1137 = tpu.memref_squeeze %dma_wait3A_1136 : memref<1x128xi32, #tpu.memory_space<vmem>> -> memref<128xi32, #tpu.memory_space<vmem>>
    %dma_wait3A_1138 = arith.constant 0 : i32
    %dma_wait3A_1139 = arith.constant 0 : i32
    %dma_wait3A_1140 = tpu.memref_slice %arg2[%dma_wait3A_1138, %dma_wait3A_1139] : memref<8192x128xf32, #tpu.memory_space<hbm>> -> memref<8192x128xf32, #tpu.memory_space<hbm>>
    tpu.wait_indirect_dma semaphore(%arg11 : memref<!tpu.dma_semaphore, #tpu.memory_space<semaphore_mem>>) src(%dma_wait3A_1140 : memref<8192x128xf32, #tpu.memory_space<hbm>>) dst(%dma_wait3A_1134 : memref<128x128xf32, #tpu.memory_space<vmem>>)
    %mul3A_1141 = arith.constant 1024 : i32
    %mul3A_1142 = arith.muli %add3A, %mul3A_1141 : i32
    %add3A_1143 = arith.constant 512 : i32
    %add3A_1144 = arith.addi %mul3A_1142, %add3A_1143 : i32
    %dma_start3A_1145 = arith.constant 0 : i32
    %dma_start3A_1146 = arith.constant 0 : i32
    %dma_start3A_1147 = arith.constant 0 : i32
    %dma_start3A_1148 = tpu.memref_slice %arg10[%dma_start3A_1145, %dma_start3A_1146, %dma_start3A_1147] : memref<4x128x128xf32, #tpu.memory_space<vmem>> -> memref<1x128x128xf32, #tpu.memory_space<vmem>>
    %dma_start3A_1149 = tpu.memref_squeeze %dma_start3A_1148 : memref<1x128x128xf32, #tpu.memory_space<vmem>> -> memref<128x128xf32, #tpu.memory_space<vmem>>
    %dma_start3A_1150 = arith.constant 0 : i32
    %dma_start3A_1151 = tpu.memref_slice %arg8[%add3A_1144, %dma_start3A_1150] : memref<32768x128xf32, #tpu.memory_space<hbm>> -> memref<128x128xf32, #tpu.memory_space<hbm>>
    %dma_start3A_1152 = arith.constant 0 : i32
    %dma_start3A_1153 = tpu.memref_slice %arg8[%add3A_1144, %dma_start3A_1152] : memref<32768x128xf32, #tpu.memory_space<hbm>> -> memref<128x128xf32, #tpu.memory_space<hbm>>
    %dma_start3A_1154 = arith.constant 0 : i32
    %dma_start3A_1155 = arith.constant 0 : i32
    %dma_start3A_1156 = tpu.memref_slice %arg10[%dma_start3A_1145, %dma_start3A_1154, %dma_start3A_1155] : memref<4x128x128xf32, #tpu.memory_space<vmem>> -> memref<1x128x128xf32, #tpu.memory_space<vmem>>
    %dma_start3A_1157 = tpu.memref_squeeze %dma_start3A_1156 : memref<1x128x128xf32, #tpu.memory_space<vmem>> -> memref<128x128xf32, #tpu.memory_space<vmem>>
    tpu.enqueue_dma source(%dma_start3A_1157 : memref<128x128xf32, #tpu.memory_space<vmem>>) target(%dma_start3A_1153 : memref<128x128xf32, #tpu.memory_space<hbm>>) target_semaphore(%arg15 : memref<!tpu.dma_semaphore, #tpu.memory_space<semaphore_mem>>)
    %dma_wait3A_1158 = arith.constant 0 : i32
    %dma_wait3A_1159 = arith.constant 0 : i32
    %dma_wait3A_1160 = arith.constant 0 : i32
    %dma_wait3A_1161 = tpu.memref_slice %arg10[%dma_wait3A_1158, %dma_wait3A_1159, %dma_wait3A_1160] : memref<4x128x128xf32, #tpu.memory_space<vmem>> -> memref<1x128x128xf32, #tpu.memory_space<vmem>>
    %dma_wait3A_1162 = tpu.memref_squeeze %dma_wait3A_1161 : memref<1x128x128xf32, #tpu.memory_space<vmem>> -> memref<128x128xf32, #tpu.memory_space<vmem>>
    %dma_wait3A_1163 = arith.constant 0 : i32
    %dma_wait3A_1164 = tpu.memref_slice %arg8[%add3A_1144, %dma_wait3A_1163] : memref<32768x128xf32, #tpu.memory_space<hbm>> -> memref<128x128xf32, #tpu.memory_space<hbm>>
    %dma_wait3A_1165 = arith.constant 0 : i32
    %dma_wait3A_1166 = tpu.memref_slice %arg8[%add3A_1144, %dma_wait3A_1165] : memref<32768x128xf32, #tpu.memory_space<hbm>> -> memref<128x128xf32, #tpu.memory_space<hbm>>
    %dma_wait3A_1167 = arith.constant 0 : i32
    %dma_wait3A_1168 = arith.constant 0 : i32
    %dma_wait3A_1169 = tpu.memref_slice %arg10[%dma_wait3A_1158, %dma_wait3A_1167, %dma_wait3A_1168] : memref<4x128x128xf32, #tpu.memory_space<vmem>> -> memref<1x128x128xf32, #tpu.memory_space<vmem>>
    %dma_wait3A_1170 = tpu.memref_squeeze %dma_wait3A_1169 : memref<1x128x128xf32, #tpu.memory_space<vmem>> -> memref<128x128xf32, #tpu.memory_space<vmem>>
    tpu.wait_dma2 semaphore(%arg15 : memref<!tpu.dma_semaphore, #tpu.memory_space<semaphore_mem>>) src(%dma_wait3A_1170 : memref<128x128xf32, #tpu.memory_space<vmem>>) dst(%dma_wait3A_1166 : memref<128x128xf32, #tpu.memory_space<hbm>>)
    %dma_wait3A_1171 = arith.constant 21 : i32
    %dma_wait3A_1172 = arith.constant 1 : i32
    %dma_wait3A_1173 = arith.constant 0 : i32
    %dma_wait3A_1174 = arith.constant 0 : i32
    %dma_wait3A_1175 = tpu.memref_slice %arg10[%dma_wait3A_1172, %dma_wait3A_1173, %dma_wait3A_1174] : memref<4x128x128xf32, #tpu.memory_space<vmem>> -> memref<1x128x128xf32, #tpu.memory_space<vmem>>
    %dma_wait3A_1176 = tpu.memref_squeeze %dma_wait3A_1175 : memref<1x128x128xf32, #tpu.memory_space<vmem>> -> memref<128x128xf32, #tpu.memory_space<vmem>>
    %dma_wait3A_1177 = arith.constant 0 : i32
    %dma_wait3A_1178 = tpu.memref_slice %arg9[%dma_wait3A_1171, %dma_wait3A_1177] : memref<24x128xi32, #tpu.memory_space<vmem>> -> memref<1x128xi32, #tpu.memory_space<vmem>>
    %dma_wait3A_1179 = tpu.memref_squeeze %dma_wait3A_1178 : memref<1x128xi32, #tpu.memory_space<vmem>> -> memref<128xi32, #tpu.memory_space<vmem>>
    %dma_wait3A_1180 = arith.constant 0 : i32
    %dma_wait3A_1181 = arith.constant 0 : i32
    %dma_wait3A_1182 = tpu.memref_slice %arg2[%dma_wait3A_1180, %dma_wait3A_1181] : memref<8192x128xf32, #tpu.memory_space<hbm>> -> memref<8192x128xf32, #tpu.memory_space<hbm>>
    tpu.wait_indirect_dma semaphore(%arg12 : memref<!tpu.dma_semaphore, #tpu.memory_space<semaphore_mem>>) src(%dma_wait3A_1182 : memref<8192x128xf32, #tpu.memory_space<hbm>>) dst(%dma_wait3A_1176 : memref<128x128xf32, #tpu.memory_space<vmem>>)
    %mul3A_1183 = arith.constant 1024 : i32
    %mul3A_1184 = arith.muli %add3A, %mul3A_1183 : i32
    %add3A_1185 = arith.constant 640 : i32
    %add3A_1186 = arith.addi %mul3A_1184, %add3A_1185 : i32
    %dma_start3A_1187 = arith.constant 1 : i32
    %dma_start3A_1188 = arith.constant 0 : i32
    %dma_start3A_1189 = arith.constant 0 : i32
    %dma_start3A_1190 = tpu.memref_slice %arg10[%dma_start3A_1187, %dma_start3A_1188, %dma_start3A_1189] : memref<4x128x128xf32, #tpu.memory_space<vmem>> -> memref<1x128x128xf32, #tpu.memory_space<vmem>>
    %dma_start3A_1191 = tpu.memref_squeeze %dma_start3A_1190 : memref<1x128x128xf32, #tpu.memory_space<vmem>> -> memref<128x128xf32, #tpu.memory_space<vmem>>
    %dma_start3A_1192 = arith.constant 0 : i32
    %dma_start3A_1193 = tpu.memref_slice %arg8[%add3A_1186, %dma_start3A_1192] : memref<32768x128xf32, #tpu.memory_space<hbm>> -> memref<128x128xf32, #tpu.memory_space<hbm>>
    %dma_start3A_1194 = arith.constant 0 : i32
    %dma_start3A_1195 = tpu.memref_slice %arg8[%add3A_1186, %dma_start3A_1194] : memref<32768x128xf32, #tpu.memory_space<hbm>> -> memref<128x128xf32, #tpu.memory_space<hbm>>
    %dma_start3A_1196 = arith.constant 0 : i32
    %dma_start3A_1197 = arith.constant 0 : i32
    %dma_start3A_1198 = tpu.memref_slice %arg10[%dma_start3A_1187, %dma_start3A_1196, %dma_start3A_1197] : memref<4x128x128xf32, #tpu.memory_space<vmem>> -> memref<1x128x128xf32, #tpu.memory_space<vmem>>
    %dma_start3A_1199 = tpu.memref_squeeze %dma_start3A_1198 : memref<1x128x128xf32, #tpu.memory_space<vmem>> -> memref<128x128xf32, #tpu.memory_space<vmem>>
    tpu.enqueue_dma source(%dma_start3A_1199 : memref<128x128xf32, #tpu.memory_space<vmem>>) target(%dma_start3A_1195 : memref<128x128xf32, #tpu.memory_space<hbm>>) target_semaphore(%arg16 : memref<!tpu.dma_semaphore, #tpu.memory_space<semaphore_mem>>)
    %dma_wait3A_1200 = arith.constant 1 : i32
    %dma_wait3A_1201 = arith.constant 0 : i32
    %dma_wait3A_1202 = arith.constant 0 : i32
    %dma_wait3A_1203 = tpu.memref_slice %arg10[%dma_wait3A_1200, %dma_wait3A_1201, %dma_wait3A_1202] : memref<4x128x128xf32, #tpu.memory_space<vmem>> -> memref<1x128x128xf32, #tpu.memory_space<vmem>>
    %dma_wait3A_1204 = tpu.memref_squeeze %dma_wait3A_1203 : memref<1x128x128xf32, #tpu.memory_space<vmem>> -> memref<128x128xf32, #tpu.memory_space<vmem>>
    %dma_wait3A_1205 = arith.constant 0 : i32
    %dma_wait3A_1206 = tpu.memref_slice %arg8[%add3A_1186, %dma_wait3A_1205] : memref<32768x128xf32, #tpu.memory_space<hbm>> -> memref<128x128xf32, #tpu.memory_space<hbm>>
    %dma_wait3A_1207 = arith.constant 0 : i32
    %dma_wait3A_1208 = tpu.memref_slice %arg8[%add3A_1186, %dma_wait3A_1207] : memref<32768x128xf32, #tpu.memory_space<hbm>> -> memref<128x128xf32, #tpu.memory_space<hbm>>
    %dma_wait3A_1209 = arith.constant 0 : i32
    %dma_wait3A_1210 = arith.constant 0 : i32
    %dma_wait3A_1211 = tpu.memref_slice %arg10[%dma_wait3A_1200, %dma_wait3A_1209, %dma_wait3A_1210] : memref<4x128x128xf32, #tpu.memory_space<vmem>> -> memref<1x128x128xf32, #tpu.memory_space<vmem>>
    %dma_wait3A_1212 = tpu.memref_squeeze %dma_wait3A_1211 : memref<1x128x128xf32, #tpu.memory_space<vmem>> -> memref<128x128xf32, #tpu.memory_space<vmem>>
    tpu.wait_dma2 semaphore(%arg16 : memref<!tpu.dma_semaphore, #tpu.memory_space<semaphore_mem>>) src(%dma_wait3A_1212 : memref<128x128xf32, #tpu.memory_space<vmem>>) dst(%dma_wait3A_1208 : memref<128x128xf32, #tpu.memory_space<hbm>>)
    %dma_wait3A_1213 = arith.constant 22 : i32
    %dma_wait3A_1214 = arith.constant 2 : i32
    %dma_wait3A_1215 = arith.constant 0 : i32
    %dma_wait3A_1216 = arith.constant 0 : i32
    %dma_wait3A_1217 = tpu.memref_slice %arg10[%dma_wait3A_1214, %dma_wait3A_1215, %dma_wait3A_1216] : memref<4x128x128xf32, #tpu.memory_space<vmem>> -> memref<1x128x128xf32, #tpu.memory_space<vmem>>
    %dma_wait3A_1218 = tpu.memref_squeeze %dma_wait3A_1217 : memref<1x128x128xf32, #tpu.memory_space<vmem>> -> memref<128x128xf32, #tpu.memory_space<vmem>>
    %dma_wait3A_1219 = arith.constant 0 : i32
    %dma_wait3A_1220 = tpu.memref_slice %arg9[%dma_wait3A_1213, %dma_wait3A_1219] : memref<24x128xi32, #tpu.memory_space<vmem>> -> memref<1x128xi32, #tpu.memory_space<vmem>>
    %dma_wait3A_1221 = tpu.memref_squeeze %dma_wait3A_1220 : memref<1x128xi32, #tpu.memory_space<vmem>> -> memref<128xi32, #tpu.memory_space<vmem>>
    %dma_wait3A_1222 = arith.constant 0 : i32
    %dma_wait3A_1223 = arith.constant 0 : i32
    %dma_wait3A_1224 = tpu.memref_slice %arg2[%dma_wait3A_1222, %dma_wait3A_1223] : memref<8192x128xf32, #tpu.memory_space<hbm>> -> memref<8192x128xf32, #tpu.memory_space<hbm>>
    tpu.wait_indirect_dma semaphore(%arg13 : memref<!tpu.dma_semaphore, #tpu.memory_space<semaphore_mem>>) src(%dma_wait3A_1224 : memref<8192x128xf32, #tpu.memory_space<hbm>>) dst(%dma_wait3A_1218 : memref<128x128xf32, #tpu.memory_space<vmem>>)
    %mul3A_1225 = arith.constant 1024 : i32
    %mul3A_1226 = arith.muli %add3A, %mul3A_1225 : i32
    %add3A_1227 = arith.constant 768 : i32
    %add3A_1228 = arith.addi %mul3A_1226, %add3A_1227 : i32
    %dma_start3A_1229 = arith.constant 2 : i32
    %dma_start3A_1230 = arith.constant 0 : i32
    %dma_start3A_1231 = arith.constant 0 : i32
    %dma_start3A_1232 = tpu.memref_slice %arg10[%dma_start3A_1229, %dma_start3A_1230, %dma_start3A_1231] : memref<4x128x128xf32, #tpu.memory_space<vmem>> -> memref<1x128x128xf32, #tpu.memory_space<vmem>>
    %dma_start3A_1233 = tpu.memref_squeeze %dma_start3A_1232 : memref<1x128x128xf32, #tpu.memory_space<vmem>> -> memref<128x128xf32, #tpu.memory_space<vmem>>
    %dma_start3A_1234 = arith.constant 0 : i32
    %dma_start3A_1235 = tpu.memref_slice %arg8[%add3A_1228, %dma_start3A_1234] : memref<32768x128xf32, #tpu.memory_space<hbm>> -> memref<128x128xf32, #tpu.memory_space<hbm>>
    %dma_start3A_1236 = arith.constant 0 : i32
    %dma_start3A_1237 = tpu.memref_slice %arg8[%add3A_1228, %dma_start3A_1236] : memref<32768x128xf32, #tpu.memory_space<hbm>> -> memref<128x128xf32, #tpu.memory_space<hbm>>
    %dma_start3A_1238 = arith.constant 0 : i32
    %dma_start3A_1239 = arith.constant 0 : i32
    %dma_start3A_1240 = tpu.memref_slice %arg10[%dma_start3A_1229, %dma_start3A_1238, %dma_start3A_1239] : memref<4x128x128xf32, #tpu.memory_space<vmem>> -> memref<1x128x128xf32, #tpu.memory_space<vmem>>
    %dma_start3A_1241 = tpu.memref_squeeze %dma_start3A_1240 : memref<1x128x128xf32, #tpu.memory_space<vmem>> -> memref<128x128xf32, #tpu.memory_space<vmem>>
    tpu.enqueue_dma source(%dma_start3A_1241 : memref<128x128xf32, #tpu.memory_space<vmem>>) target(%dma_start3A_1237 : memref<128x128xf32, #tpu.memory_space<hbm>>) target_semaphore(%arg17 : memref<!tpu.dma_semaphore, #tpu.memory_space<semaphore_mem>>)
    %dma_wait3A_1242 = arith.constant 2 : i32
    %dma_wait3A_1243 = arith.constant 0 : i32
    %dma_wait3A_1244 = arith.constant 0 : i32
    %dma_wait3A_1245 = tpu.memref_slice %arg10[%dma_wait3A_1242, %dma_wait3A_1243, %dma_wait3A_1244] : memref<4x128x128xf32, #tpu.memory_space<vmem>> -> memref<1x128x128xf32, #tpu.memory_space<vmem>>
    %dma_wait3A_1246 = tpu.memref_squeeze %dma_wait3A_1245 : memref<1x128x128xf32, #tpu.memory_space<vmem>> -> memref<128x128xf32, #tpu.memory_space<vmem>>
    %dma_wait3A_1247 = arith.constant 0 : i32
    %dma_wait3A_1248 = tpu.memref_slice %arg8[%add3A_1228, %dma_wait3A_1247] : memref<32768x128xf32, #tpu.memory_space<hbm>> -> memref<128x128xf32, #tpu.memory_space<hbm>>
    %dma_wait3A_1249 = arith.constant 0 : i32
    %dma_wait3A_1250 = tpu.memref_slice %arg8[%add3A_1228, %dma_wait3A_1249] : memref<32768x128xf32, #tpu.memory_space<hbm>> -> memref<128x128xf32, #tpu.memory_space<hbm>>
    %dma_wait3A_1251 = arith.constant 0 : i32
    %dma_wait3A_1252 = arith.constant 0 : i32
    %dma_wait3A_1253 = tpu.memref_slice %arg10[%dma_wait3A_1242, %dma_wait3A_1251, %dma_wait3A_1252] : memref<4x128x128xf32, #tpu.memory_space<vmem>> -> memref<1x128x128xf32, #tpu.memory_space<vmem>>
    %dma_wait3A_1254 = tpu.memref_squeeze %dma_wait3A_1253 : memref<1x128x128xf32, #tpu.memory_space<vmem>> -> memref<128x128xf32, #tpu.memory_space<vmem>>
    tpu.wait_dma2 semaphore(%arg17 : memref<!tpu.dma_semaphore, #tpu.memory_space<semaphore_mem>>) src(%dma_wait3A_1254 : memref<128x128xf32, #tpu.memory_space<vmem>>) dst(%dma_wait3A_1250 : memref<128x128xf32, #tpu.memory_space<hbm>>)
    %dma_wait3A_1255 = arith.constant 23 : i32
    %dma_wait3A_1256 = arith.constant 3 : i32
    %dma_wait3A_1257 = arith.constant 0 : i32
    %dma_wait3A_1258 = arith.constant 0 : i32
    %dma_wait3A_1259 = tpu.memref_slice %arg10[%dma_wait3A_1256, %dma_wait3A_1257, %dma_wait3A_1258] : memref<4x128x128xf32, #tpu.memory_space<vmem>> -> memref<1x128x128xf32, #tpu.memory_space<vmem>>
    %dma_wait3A_1260 = tpu.memref_squeeze %dma_wait3A_1259 : memref<1x128x128xf32, #tpu.memory_space<vmem>> -> memref<128x128xf32, #tpu.memory_space<vmem>>
    %dma_wait3A_1261 = arith.constant 0 : i32
    %dma_wait3A_1262 = tpu.memref_slice %arg9[%dma_wait3A_1255, %dma_wait3A_1261] : memref<24x128xi32, #tpu.memory_space<vmem>> -> memref<1x128xi32, #tpu.memory_space<vmem>>
    %dma_wait3A_1263 = tpu.memref_squeeze %dma_wait3A_1262 : memref<1x128xi32, #tpu.memory_space<vmem>> -> memref<128xi32, #tpu.memory_space<vmem>>
    %dma_wait3A_1264 = arith.constant 0 : i32
    %dma_wait3A_1265 = arith.constant 0 : i32
    %dma_wait3A_1266 = tpu.memref_slice %arg2[%dma_wait3A_1264, %dma_wait3A_1265] : memref<8192x128xf32, #tpu.memory_space<hbm>> -> memref<8192x128xf32, #tpu.memory_space<hbm>>
    tpu.wait_indirect_dma semaphore(%arg14 : memref<!tpu.dma_semaphore, #tpu.memory_space<semaphore_mem>>) src(%dma_wait3A_1266 : memref<8192x128xf32, #tpu.memory_space<hbm>>) dst(%dma_wait3A_1260 : memref<128x128xf32, #tpu.memory_space<vmem>>)
    %mul3A_1267 = arith.constant 1024 : i32
    %mul3A_1268 = arith.muli %add3A, %mul3A_1267 : i32
    %add3A_1269 = arith.constant 896 : i32
    %add3A_1270 = arith.addi %mul3A_1268, %add3A_1269 : i32
    %dma_start3A_1271 = arith.constant 3 : i32
    %dma_start3A_1272 = arith.constant 0 : i32
    %dma_start3A_1273 = arith.constant 0 : i32
    %dma_start3A_1274 = tpu.memref_slice %arg10[%dma_start3A_1271, %dma_start3A_1272, %dma_start3A_1273] : memref<4x128x128xf32, #tpu.memory_space<vmem>> -> memref<1x128x128xf32, #tpu.memory_space<vmem>>
    %dma_start3A_1275 = tpu.memref_squeeze %dma_start3A_1274 : memref<1x128x128xf32, #tpu.memory_space<vmem>> -> memref<128x128xf32, #tpu.memory_space<vmem>>
    %dma_start3A_1276 = arith.constant 0 : i32
    %dma_start3A_1277 = tpu.memref_slice %arg8[%add3A_1270, %dma_start3A_1276] : memref<32768x128xf32, #tpu.memory_space<hbm>> -> memref<128x128xf32, #tpu.memory_space<hbm>>
    %dma_start3A_1278 = arith.constant 0 : i32
    %dma_start3A_1279 = tpu.memref_slice %arg8[%add3A_1270, %dma_start3A_1278] : memref<32768x128xf32, #tpu.memory_space<hbm>> -> memref<128x128xf32, #tpu.memory_space<hbm>>
    %dma_start3A_1280 = arith.constant 0 : i32
    %dma_start3A_1281 = arith.constant 0 : i32
    %dma_start3A_1282 = tpu.memref_slice %arg10[%dma_start3A_1271, %dma_start3A_1280, %dma_start3A_1281] : memref<4x128x128xf32, #tpu.memory_space<vmem>> -> memref<1x128x128xf32, #tpu.memory_space<vmem>>
    %dma_start3A_1283 = tpu.memref_squeeze %dma_start3A_1282 : memref<1x128x128xf32, #tpu.memory_space<vmem>> -> memref<128x128xf32, #tpu.memory_space<vmem>>
    tpu.enqueue_dma source(%dma_start3A_1283 : memref<128x128xf32, #tpu.memory_space<vmem>>) target(%dma_start3A_1279 : memref<128x128xf32, #tpu.memory_space<hbm>>) target_semaphore(%arg18 : memref<!tpu.dma_semaphore, #tpu.memory_space<semaphore_mem>>)
    %dma_wait3A_1284 = arith.constant 3 : i32
    %dma_wait3A_1285 = arith.constant 0 : i32
    %dma_wait3A_1286 = arith.constant 0 : i32
    %dma_wait3A_1287 = tpu.memref_slice %arg10[%dma_wait3A_1284, %dma_wait3A_1285, %dma_wait3A_1286] : memref<4x128x128xf32, #tpu.memory_space<vmem>> -> memref<1x128x128xf32, #tpu.memory_space<vmem>>
    %dma_wait3A_1288 = tpu.memref_squeeze %dma_wait3A_1287 : memref<1x128x128xf32, #tpu.memory_space<vmem>> -> memref<128x128xf32, #tpu.memory_space<vmem>>
    %dma_wait3A_1289 = arith.constant 0 : i32
    %dma_wait3A_1290 = tpu.memref_slice %arg8[%add3A_1270, %dma_wait3A_1289] : memref<32768x128xf32, #tpu.memory_space<hbm>> -> memref<128x128xf32, #tpu.memory_space<hbm>>
    %dma_wait3A_1291 = arith.constant 0 : i32
    %dma_wait3A_1292 = tpu.memref_slice %arg8[%add3A_1270, %dma_wait3A_1291] : memref<32768x128xf32, #tpu.memory_space<hbm>> -> memref<128x128xf32, #tpu.memory_space<hbm>>
    %dma_wait3A_1293 = arith.constant 0 : i32
    %dma_wait3A_1294 = arith.constant 0 : i32
    %dma_wait3A_1295 = tpu.memref_slice %arg10[%dma_wait3A_1284, %dma_wait3A_1293, %dma_wait3A_1294] : memref<4x128x128xf32, #tpu.memory_space<vmem>> -> memref<1x128x128xf32, #tpu.memory_space<vmem>>
    %dma_wait3A_1296 = tpu.memref_squeeze %dma_wait3A_1295 : memref<1x128x128xf32, #tpu.memory_space<vmem>> -> memref<128x128xf32, #tpu.memory_space<vmem>>
    tpu.wait_dma2 semaphore(%arg18 : memref<!tpu.dma_semaphore, #tpu.memory_space<semaphore_mem>>) src(%dma_wait3A_1296 : memref<128x128xf32, #tpu.memory_space<vmem>>) dst(%dma_wait3A_1292 : memref<128x128xf32, #tpu.memory_space<hbm>>)
    return
  }
}

module attributes {stable_mosaic.version = 14 : i64} {
  func.func @_nn_body(%arg0: i32, %arg1: i32, %arg2: memref<1x1024x3xf32, #tpu.memory_space<vmem>>, %arg3: memref<1x3x2048xf32, #tpu.memory_space<vmem>>, %arg4: memref<1x128x256xf32, #tpu.memory_space<vmem>>, %arg5: memref<8x128xi32, #tpu.memory_space<vmem>>, %arg6: memref<8x128xi32, #tpu.memory_space<vmem>>, %arg7: memref<8x128xi32, #tpu.memory_space<vmem>>, %arg8: memref<1x1x1024xf32, #tpu.memory_space<vmem>>, %arg9: memref<1x1x1024xf32, #tpu.memory_space<vmem>>, %arg10: memref<1x1x1024xf32, #tpu.memory_space<vmem>>, %arg11: memref<256x128xf32, #tpu.memory_space<vmem>>) attributes {dimension_semantics = [#tpu.dimension_semantics<arbitrary>, #tpu.dimension_semantics<arbitrary>], iteration_bounds = array<i64: 4, 8>, scalar_prefetch = 0 : i64, scratch_operands = 0 : i64, tpu.core_type = #tpu.core_type<tc>, window_params = [{transform_indices = @transform_0, window_bounds = array<i64: 1, 1024, 3>}, {transform_indices = @transform_1, window_bounds = array<i64: 1, 3, 2048>}, {transform_indices = @transform_2, window_bounds = array<i64: 1, 128, 256>}, {transform_indices = @transform_3, window_bounds = array<i64: 8, 128>}, {transform_indices = @transform_4, window_bounds = array<i64: 8, 128>}, {transform_indices = @transform_5, window_bounds = array<i64: 8, 128>}, {transform_indices = @transform_6, window_bounds = array<i64: 1, 1, 1024>}, {transform_indices = @transform_7, window_bounds = array<i64: 1, 1, 1024>}, {transform_indices = @transform_8, window_bounds = array<i64: 1, 1, 1024>}, {transform_indices = @transform_9, window_bounds = array<i64: 256, 128>}]} {
    %get3A = arith.constant 0 : index
    %get3A_0 = arith.constant 0 : index
    %get3A_1 = arith.constant 0 : index
    %get3A_2 = vector.load %arg4[%get3A, %get3A_0, %get3A_1] : memref<1x128x256xf32, #tpu.memory_space<vmem>>, vector<1x128x256xf32>
    %get3A_3 = vector.shape_cast %get3A_2 : vector<1x128x256xf32> to vector<128x256xf32>
    %transpose3A = tpu.transpose %get3A_3, [1, 0] : vector<128x256xf32> -> vector<256x128xf32>
    %swap3A = arith.constant 0 : index
    %swap3A_4 = arith.constant 0 : index
    %swap3A_5 = vector.load %arg11[%swap3A, %swap3A_4] : memref<256x128xf32, #tpu.memory_space<vmem>>, vector<256x128xf32>
    tpu.vector_store %arg11[%swap3A, %swap3A_4], %transpose3A {strides = array<i32>} : memref<256x128xf32, #tpu.memory_space<vmem>>, vector<256x128xf32>,
    %get3A_6 = arith.constant 0 : index
    %get3A_7 = arith.constant 0 : index
    %get3A_8 = arith.constant 0 : index
    %get3A_9 = vector.load %arg2[%get3A_6, %get3A_7, %get3A_8] : memref<1x1024x3xf32, #tpu.memory_space<vmem>>, vector<1x1024x3xf32>
    %get3A_10 = vector.shape_cast %get3A_9 : vector<1x1024x3xf32> to vector<1024x3xf32>
    %get3A_11 = arith.constant 0 : index
    %get3A_12 = arith.constant 0 : index
    %get3A_13 = arith.constant 0 : index
    %get3A_14 = vector.load %arg3[%get3A_11, %get3A_12, %get3A_13] : memref<1x3x2048xf32, #tpu.memory_space<vmem>>, vector<1x3x2048xf32>
    %get3A_15 = vector.shape_cast %get3A_14 : vector<1x3x2048xf32> to vector<3x2048xf32>
    %slice3A = vector.extract_strided_slice %get3A_10 {offsets = [0, 0], sizes = [1024, 1], strides = [1, 1]} : vector<1024x3xf32> to vector<1024x1xf32>
    %slice3A_16 = vector.extract_strided_slice %get3A_10 {offsets = [0, 1], sizes = [1024, 1], strides = [1, 1]} : vector<1024x3xf32> to vector<1024x1xf32>
    %slice3A_17 = vector.extract_strided_slice %get3A_10 {offsets = [0, 2], sizes = [1024, 1], strides = [1, 1]} : vector<1024x3xf32> to vector<1024x1xf32>
    %slice3A_18 = vector.extract_strided_slice %get3A_15 {offsets = [0, 0], sizes = [1, 2048], strides = [1, 1]} : vector<3x2048xf32> to vector<1x2048xf32>
    %slice3A_19 = vector.extract_strided_slice %get3A_15 {offsets = [1, 0], sizes = [1, 2048], strides = [1, 1]} : vector<3x2048xf32> to vector<1x2048xf32>
    %slice3A_20 = vector.extract_strided_slice %get3A_15 {offsets = [2, 0], sizes = [1, 2048], strides = [1, 1]} : vector<3x2048xf32> to vector<1x2048xf32>
    %sub3A = vector.broadcast %slice3A : vector<1024x1xf32> to vector<1024x2048xf32>
    %sub3A_21 = vector.broadcast %slice3A_18 : vector<1x2048xf32> to vector<1024x2048xf32>
    %sub3A_22 = arith.subf %sub3A, %sub3A_21 : vector<1024x2048xf32>
    %integer_pow3A = arith.mulf %sub3A_22, %sub3A_22 : vector<1024x2048xf32>
    %sub3A_23 = vector.broadcast %slice3A_16 : vector<1024x1xf32> to vector<1024x2048xf32>
    %sub3A_24 = vector.broadcast %slice3A_19 : vector<1x2048xf32> to vector<1024x2048xf32>
    %sub3A_25 = arith.subf %sub3A_23, %sub3A_24 : vector<1024x2048xf32>
    %integer_pow3A_26 = arith.mulf %sub3A_25, %sub3A_25 : vector<1024x2048xf32>
    %add3A = arith.addf %integer_pow3A, %integer_pow3A_26 : vector<1024x2048xf32>
    %sub3A_27 = vector.broadcast %slice3A_17 : vector<1024x1xf32> to vector<1024x2048xf32>
    %sub3A_28 = vector.broadcast %slice3A_20 : vector<1x2048xf32> to vector<1024x2048xf32>
    %sub3A_29 = arith.subf %sub3A_27, %sub3A_28 : vector<1024x2048xf32>
    %integer_pow3A_30 = arith.mulf %sub3A_29, %sub3A_29 : vector<1024x2048xf32>
    %add3A_31 = arith.addf %add3A, %integer_pow3A_30 : vector<1024x2048xf32>
    %iota3A = tpu.iota {dimensions = array<i32: 1>} : vector<1024x2048xi32>
    %reduce_min3A = arith.constant dense<0x7F800000> : vector<1024xf32>
    %reduce_min3A_32 = vector.multi_reduction <minimumf>, %add3A_31, %reduce_min3A [1] : vector<1024x2048xf32> to vector<1024xf32>
    %broadcast_in_dim3A = vector.shape_cast %reduce_min3A_32 : vector<1024xf32> to vector<1024x1xf32>
    %eq3A = vector.broadcast %broadcast_in_dim3A : vector<1024x1xf32> to vector<1024x2048xf32>
    %eq3A_33 = arith.cmpf oeq, %add3A_31, %eq3A : vector<1024x2048xf32>
    %jit3A = arith.constant 2048 : i32
    %broadcast_in_dim3A_34 = vector.broadcast %jit3A : i32 to vector<1024x2048xi32>
    %select_n3A = arith.select %eq3A_33, %iota3A, %broadcast_in_dim3A_34 : vector<1024x2048xi1>, vector<1024x2048xi32>
    %reduce_min3A_35 = arith.constant dense<2147483647> : vector<1024xi32>
    %reduce_min3A_36 = vector.multi_reduction <minsi>, %select_n3A, %reduce_min3A_35 [1] : vector<1024x2048xi32> to vector<1024xi32>
    %broadcast_in_dim3A_37 = vector.shape_cast %reduce_min3A_36 : vector<1024xi32> to vector<1024x1xi32>
    %eq3A_38 = vector.broadcast %broadcast_in_dim3A_37 : vector<1024x1xi32> to vector<1024x2048xi32>
    %eq3A_39 = arith.cmpi eq, %select_n3A, %eq3A_38 : vector<1024x2048xi32>
    %jit3A_40 = arith.constant 1.000000e+30 : f32
    %broadcast_in_dim3A_41 = vector.broadcast %jit3A_40 : f32 to vector<1024x2048xf32>
    %select_n3A_42 = arith.select %eq3A_39, %broadcast_in_dim3A_41, %add3A_31 : vector<1024x2048xi1>, vector<1024x2048xf32>
    %reduce_min3A_43 = arith.constant dense<0x7F800000> : vector<1024xf32>
    %reduce_min3A_44 = vector.multi_reduction <minimumf>, %select_n3A_42, %reduce_min3A_43 [1] : vector<1024x2048xf32> to vector<1024xf32>
    %broadcast_in_dim3A_45 = vector.shape_cast %reduce_min3A_44 : vector<1024xf32> to vector<1024x1xf32>
    %eq3A_46 = vector.broadcast %broadcast_in_dim3A_45 : vector<1024x1xf32> to vector<1024x2048xf32>
    %eq3A_47 = arith.cmpf oeq, %select_n3A_42, %eq3A_46 : vector<1024x2048xf32>
    %jit3A_48 = arith.constant 2048 : i32
    %broadcast_in_dim3A_49 = vector.broadcast %jit3A_48 : i32 to vector<1024x2048xi32>
    %select_n3A_50 = arith.select %eq3A_47, %iota3A, %broadcast_in_dim3A_49 : vector<1024x2048xi1>, vector<1024x2048xi32>
    %reduce_min3A_51 = arith.constant dense<2147483647> : vector<1024xi32>
    %reduce_min3A_52 = vector.multi_reduction <minsi>, %select_n3A_50, %reduce_min3A_51 [1] : vector<1024x2048xi32> to vector<1024xi32>
    %broadcast_in_dim3A_53 = vector.shape_cast %reduce_min3A_52 : vector<1024xi32> to vector<1024x1xi32>
    %eq3A_54 = vector.broadcast %broadcast_in_dim3A_53 : vector<1024x1xi32> to vector<1024x2048xi32>
    %eq3A_55 = arith.cmpi eq, %select_n3A_50, %eq3A_54 : vector<1024x2048xi32>
    %jit3A_56 = arith.constant 1.000000e+30 : f32
    %broadcast_in_dim3A_57 = vector.broadcast %jit3A_56 : f32 to vector<1024x2048xf32>
    %select_n3A_58 = arith.select %eq3A_55, %broadcast_in_dim3A_57, %select_n3A_42 : vector<1024x2048xi1>, vector<1024x2048xf32>
    %reduce_min3A_59 = arith.constant dense<0x7F800000> : vector<1024xf32>
    %reduce_min3A_60 = vector.multi_reduction <minimumf>, %select_n3A_58, %reduce_min3A_59 [1] : vector<1024x2048xf32> to vector<1024xf32>
    %broadcast_in_dim3A_61 = vector.shape_cast %reduce_min3A_60 : vector<1024xf32> to vector<1024x1xf32>
    %eq3A_62 = vector.broadcast %broadcast_in_dim3A_61 : vector<1024x1xf32> to vector<1024x2048xf32>
    %eq3A_63 = arith.cmpf oeq, %select_n3A_58, %eq3A_62 : vector<1024x2048xf32>
    %jit3A_64 = arith.constant 2048 : i32
    %broadcast_in_dim3A_65 = vector.broadcast %jit3A_64 : i32 to vector<1024x2048xi32>
    %select_n3A_66 = arith.select %eq3A_63, %iota3A, %broadcast_in_dim3A_65 : vector<1024x2048xi1>, vector<1024x2048xi32>
    %reduce_min3A_67 = arith.constant dense<2147483647> : vector<1024xi32>
    %reduce_min3A_68 = vector.multi_reduction <minsi>, %select_n3A_66, %reduce_min3A_67 [1] : vector<1024x2048xi32> to vector<1024xi32>
    %broadcast_in_dim3A_69 = vector.shape_cast %reduce_min3A_68 : vector<1024xi32> to vector<1024x1xi32>
    %concatenate3A = tpu.concatenate %broadcast_in_dim3A, %broadcast_in_dim3A_45, %broadcast_in_dim3A_61 in 1 : vector<1024x1xf32>, vector<1024x1xf32>, vector<1024x1xf32> -> vector<1024x3xf32>
    %sqrt3A = math.sqrt %concatenate3A : vector<1024x3xf32>
    %add3A_70 = arith.constant 9.99999993E-9 : f32
    %add3A_71 = vector.broadcast %add3A_70 : f32 to vector<1024x3xf32>
    %add3A_72 = arith.addf %sqrt3A, %add3A_71 : vector<1024x3xf32>
    %div3A = arith.constant 1.000000e+00 : f32
    %div3A_73 = vector.broadcast %div3A : f32 to vector<1024x3xf32>
    %div3A_74 = arith.divf %div3A_73, %add3A_72 : vector<1024x3xf32>
    %reduce_sum3A = arith.constant dense<0.000000e+00> : vector<1024xf32>
    %reduce_sum3A_75 = vector.multi_reduction <add>, %div3A_74, %reduce_sum3A [1] : vector<1024x3xf32> to vector<1024xf32>
    %broadcast_in_dim3A_76 = vector.shape_cast %reduce_sum3A_75 : vector<1024xf32> to vector<1024x1xf32>
    %div3A_77 = vector.broadcast %broadcast_in_dim3A_76 : vector<1024x1xf32> to vector<1024x3xf32>
    %div3A_78 = arith.divf %div3A_74, %div3A_77 : vector<1024x3xf32>
    %transpose3A_79 = tpu.transpose %div3A_78, [1, 0] : vector<1024x3xf32> -> vector<3x1024xf32>
    %mul3A = arith.constant 2048 : i32
    %mul3A_80 = arith.muli %arg0, %mul3A : i32
    %add3A_81 = vector.broadcast %mul3A_80 : i32 to vector<1024x1xi32>
    %add3A_82 = arith.addi %broadcast_in_dim3A_37, %add3A_81 : vector<1024x1xi32>
    %reshape3A = vector.shape_cast %add3A_82 : vector<1024x1xi32> to vector<8x128xi32>
    %swap3A_83 = arith.constant 0 : index
    %swap3A_84 = arith.constant 0 : index
    %swap3A_85 = vector.load %arg5[%swap3A_83, %swap3A_84] : memref<8x128xi32, #tpu.memory_space<vmem>>, vector<8x128xi32>
    tpu.vector_store %arg5[%swap3A_83, %swap3A_84], %reshape3A {strides = array<i32>} : memref<8x128xi32, #tpu.memory_space<vmem>>, vector<8x128xi32>,
    %add3A_86 = vector.broadcast %mul3A_80 : i32 to vector<1024x1xi32>
    %add3A_87 = arith.addi %broadcast_in_dim3A_53, %add3A_86 : vector<1024x1xi32>
    %reshape3A_88 = vector.shape_cast %add3A_87 : vector<1024x1xi32> to vector<8x128xi32>
    %swap3A_89 = arith.constant 0 : index
    %swap3A_90 = arith.constant 0 : index
    %swap3A_91 = vector.load %arg6[%swap3A_89, %swap3A_90] : memref<8x128xi32, #tpu.memory_space<vmem>>, vector<8x128xi32>
    tpu.vector_store %arg6[%swap3A_89, %swap3A_90], %reshape3A_88 {strides = array<i32>} : memref<8x128xi32, #tpu.memory_space<vmem>>, vector<8x128xi32>,
    %add3A_92 = vector.broadcast %mul3A_80 : i32 to vector<1024x1xi32>
    %add3A_93 = arith.addi %broadcast_in_dim3A_69, %add3A_92 : vector<1024x1xi32>
    %reshape3A_94 = vector.shape_cast %add3A_93 : vector<1024x1xi32> to vector<8x128xi32>
    %swap3A_95 = arith.constant 0 : index
    %swap3A_96 = arith.constant 0 : index
    %swap3A_97 = vector.load %arg7[%swap3A_95, %swap3A_96] : memref<8x128xi32, #tpu.memory_space<vmem>>, vector<8x128xi32>
    tpu.vector_store %arg7[%swap3A_95, %swap3A_96], %reshape3A_94 {strides = array<i32>} : memref<8x128xi32, #tpu.memory_space<vmem>>, vector<8x128xi32>,
    %slice3A_98 = vector.extract_strided_slice %transpose3A_79 {offsets = [0, 0], sizes = [1, 1024], strides = [1, 1]} : vector<3x1024xf32> to vector<1x1024xf32>
    %swap3A_99 = arith.constant 0 : index
    %swap3A_100 = arith.constant 0 : index
    %swap3A_101 = arith.constant 0 : index
    %swap3A_102 = vector.load %arg8[%swap3A_99, %swap3A_100, %swap3A_101] : memref<1x1x1024xf32, #tpu.memory_space<vmem>>, vector<1x1x1024xf32>
    %swap3A_103 = vector.shape_cast %swap3A_102 : vector<1x1x1024xf32> to vector<1x1024xf32>
    %swap3A_104 = vector.shape_cast %slice3A_98 : vector<1x1024xf32> to vector<1x1x1024xf32>
    tpu.vector_store %arg8[%swap3A_99, %swap3A_100, %swap3A_101], %swap3A_104 {strides = array<i32>} : memref<1x1x1024xf32, #tpu.memory_space<vmem>>, vector<1x1x1024xf32>,
    %slice3A_105 = vector.extract_strided_slice %transpose3A_79 {offsets = [1, 0], sizes = [1, 1024], strides = [1, 1]} : vector<3x1024xf32> to vector<1x1024xf32>
    %swap3A_106 = arith.constant 0 : index
    %swap3A_107 = arith.constant 0 : index
    %swap3A_108 = arith.constant 0 : index
    %swap3A_109 = vector.load %arg9[%swap3A_106, %swap3A_107, %swap3A_108] : memref<1x1x1024xf32, #tpu.memory_space<vmem>>, vector<1x1x1024xf32>
    %swap3A_110 = vector.shape_cast %swap3A_109 : vector<1x1x1024xf32> to vector<1x1024xf32>
    %swap3A_111 = vector.shape_cast %slice3A_105 : vector<1x1024xf32> to vector<1x1x1024xf32>
    tpu.vector_store %arg9[%swap3A_106, %swap3A_107, %swap3A_108], %swap3A_111 {strides = array<i32>} : memref<1x1x1024xf32, #tpu.memory_space<vmem>>, vector<1x1x1024xf32>,
    %slice3A_112 = vector.extract_strided_slice %transpose3A_79 {offsets = [2, 0], sizes = [1, 1024], strides = [1, 1]} : vector<3x1024xf32> to vector<1x1024xf32>
    %swap3A_113 = arith.constant 0 : index
    %swap3A_114 = arith.constant 0 : index
    %swap3A_115 = arith.constant 0 : index
    %swap3A_116 = vector.load %arg10[%swap3A_113, %swap3A_114, %swap3A_115] : memref<1x1x1024xf32, #tpu.memory_space<vmem>>, vector<1x1x1024xf32>
    %swap3A_117 = vector.shape_cast %swap3A_116 : vector<1x1x1024xf32> to vector<1x1024xf32>
    %swap3A_118 = vector.shape_cast %slice3A_112 : vector<1x1024xf32> to vector<1x1x1024xf32>
    tpu.vector_store %arg10[%swap3A_113, %swap3A_114, %swap3A_115], %swap3A_118 {strides = array<i32>} : memref<1x1x1024xf32, #tpu.memory_space<vmem>>, vector<1x1x1024xf32>,
    return
  }
  func.func @transform_0(%arg0: i32, %arg1: i32) -> (i32, i32, i32) {
    %c0_i32 = arith.constant 0 : i32
    %c0_i32_0 = arith.constant 0 : i32
    return %arg0, %arg1, %c0_i32 : i32, i32, i32
  }
  func.func @transform_1(%arg0: i32, %arg1: i32) -> (i32, i32, i32) {
    %c0_i32 = arith.constant 0 : i32
    %c0_i32_0 = arith.constant 0 : i32
    %c0_i32_1 = arith.constant 0 : i32
    return %arg0, %c0_i32, %c0_i32_0 : i32, i32, i32
  }
  func.func @transform_2(%arg0: i32, %arg1: i32) -> (i32, i32, i32) {
    %jit3A = arith.constant 8 : i32
    %eq3A = arith.constant 0 : i32
    %eq3A_0 = arith.cmpi eq, %jit3A, %eq3A : i32
    %jit3A_1 = arith.constant 1 : i32
    %select_n3A = arith.select %eq3A_0, %jit3A_1, %jit3A : i32
    %rem3A = arith.remsi %arg1, %select_n3A : i32
    %ne3A = arith.constant 0 : i32
    %ne3A_2 = arith.cmpi ne, %rem3A, %ne3A : i32
    %lt3A = arith.constant 0 : i32
    %lt3A_3 = arith.cmpi slt, %rem3A, %lt3A : i32
    %lt3A_4 = arith.constant 0 : i32
    %lt3A_5 = arith.cmpi slt, %select_n3A, %lt3A_4 : i32
    %ne3A_6 = arith.xori %lt3A_3, %lt3A_5 : i1
    %and3A = arith.andi %ne3A_6, %ne3A_2 : i1
    %add3A = arith.addi %rem3A, %select_n3A : i32
    %select_n3A_7 = arith.select %and3A, %add3A, %rem3A : i32
    %c0_i32 = arith.constant 0 : i32
    %c0_i32_8 = arith.constant 0 : i32
    return %arg0, %c0_i32, %select_n3A_7 : i32, i32, i32
  }
  func.func @transform_3(%arg0: i32, %arg1: i32) -> (i32, i32) {
    %mul3A = arith.constant 8 : i32
    %mul3A_0 = arith.muli %arg0, %mul3A : i32
    %add3A = arith.addi %mul3A_0, %arg1 : i32
    %c0_i32 = arith.constant 0 : i32
    %c0_i32_1 = arith.constant 0 : i32
    return %add3A, %c0_i32 : i32, i32
  }
  func.func @transform_4(%arg0: i32, %arg1: i32) -> (i32, i32) {
    %mul3A = arith.constant 8 : i32
    %mul3A_0 = arith.muli %arg0, %mul3A : i32
    %add3A = arith.addi %mul3A_0, %arg1 : i32
    %c0_i32 = arith.constant 0 : i32
    %c0_i32_1 = arith.constant 0 : i32
    return %add3A, %c0_i32 : i32, i32
  }
  func.func @transform_5(%arg0: i32, %arg1: i32) -> (i32, i32) {
    %mul3A = arith.constant 8 : i32
    %mul3A_0 = arith.muli %arg0, %mul3A : i32
    %add3A = arith.addi %mul3A_0, %arg1 : i32
    %c0_i32 = arith.constant 0 : i32
    %c0_i32_1 = arith.constant 0 : i32
    return %add3A, %c0_i32 : i32, i32
  }
  func.func @transform_6(%arg0: i32, %arg1: i32) -> (i32, i32, i32) {
    %mul3A = arith.constant 8 : i32
    %mul3A_0 = arith.muli %arg0, %mul3A : i32
    %add3A = arith.addi %mul3A_0, %arg1 : i32
    %c0_i32 = arith.constant 0 : i32
    %c0_i32_1 = arith.constant 0 : i32
    %c0_i32_2 = arith.constant 0 : i32
    return %add3A, %c0_i32, %c0_i32_1 : i32, i32, i32
  }
  func.func @transform_7(%arg0: i32, %arg1: i32) -> (i32, i32, i32) {
    %mul3A = arith.constant 8 : i32
    %mul3A_0 = arith.muli %arg0, %mul3A : i32
    %add3A = arith.addi %mul3A_0, %arg1 : i32
    %c0_i32 = arith.constant 0 : i32
    %c0_i32_1 = arith.constant 0 : i32
    %c0_i32_2 = arith.constant 0 : i32
    return %add3A, %c0_i32, %c0_i32_1 : i32, i32, i32
  }
  func.func @transform_8(%arg0: i32, %arg1: i32) -> (i32, i32, i32) {
    %mul3A = arith.constant 8 : i32
    %mul3A_0 = arith.muli %arg0, %mul3A : i32
    %add3A = arith.addi %mul3A_0, %arg1 : i32
    %c0_i32 = arith.constant 0 : i32
    %c0_i32_1 = arith.constant 0 : i32
    %c0_i32_2 = arith.constant 0 : i32
    return %add3A, %c0_i32, %c0_i32_1 : i32, i32, i32
  }
  func.func @transform_9(%arg0: i32, %arg1: i32) -> (i32, i32) {
    %mul3A = arith.constant 8 : i32
    %mul3A_0 = arith.muli %arg0, %mul3A : i32
    %jit3A = arith.constant 8 : i32
    %eq3A = arith.constant 0 : i32
    %eq3A_1 = arith.cmpi eq, %jit3A, %eq3A : i32
    %jit3A_2 = arith.constant 1 : i32
    %select_n3A = arith.select %eq3A_1, %jit3A_2, %jit3A : i32
    %rem3A = arith.remsi %arg1, %select_n3A : i32
    %ne3A = arith.constant 0 : i32
    %ne3A_3 = arith.cmpi ne, %rem3A, %ne3A : i32
    %lt3A = arith.constant 0 : i32
    %lt3A_4 = arith.cmpi slt, %rem3A, %lt3A : i32
    %lt3A_5 = arith.constant 0 : i32
    %lt3A_6 = arith.cmpi slt, %select_n3A, %lt3A_5 : i32
    %ne3A_7 = arith.xori %lt3A_4, %lt3A_6 : i1
    %and3A = arith.andi %ne3A_7, %ne3A_3 : i1
    %add3A = arith.addi %rem3A, %select_n3A : i32
    %select_n3A_8 = arith.select %and3A, %add3A, %rem3A : i32
    %add3A_9 = arith.addi %mul3A_0, %select_n3A_8 : i32
    %c0_i32 = arith.constant 0 : i32
    %c0_i32_10 = arith.constant 0 : i32
    return %add3A_9, %c0_i32 : i32, i32
  }
}

module attributes {stable_mosaic.version = 14 : i64} {
  func.func @_mlp_body(%arg0: i32, %arg1: i32, %arg2: memref<1024x128xf32, #tpu.memory_space<vmem>>, %arg3: memref<1024x128xf32, #tpu.memory_space<vmem>>, %arg4: memref<1024x128xf32, #tpu.memory_space<vmem>>, %arg5: memref<1x1x1024xf32, #tpu.memory_space<vmem>>, %arg6: memref<1x1x1024xf32, #tpu.memory_space<vmem>>, %arg7: memref<1x1x1024xf32, #tpu.memory_space<vmem>>, %arg8: memref<1x64x1024xf32, #tpu.memory_space<vmem>>, %arg9: memref<128x192xf32, #tpu.memory_space<vmem>>, %arg10: memref<1x128xf32, #tpu.memory_space<vmem>>, %arg11: memref<1x128x1024xf32, #tpu.memory_space<vmem>>) attributes {dimension_semantics = [#tpu.dimension_semantics<arbitrary>, #tpu.dimension_semantics<arbitrary>], iteration_bounds = array<i64: 4, 8>, scalar_prefetch = 0 : i64, scratch_operands = 0 : i64, tpu.core_type = #tpu.core_type<tc>, window_params = [{transform_indices = @transform_0, window_bounds = array<i64: 1024, 128>}, {transform_indices = @transform_1, window_bounds = array<i64: 1024, 128>}, {transform_indices = @transform_2, window_bounds = array<i64: 1024, 128>}, {transform_indices = @transform_3, window_bounds = array<i64: 1, 1, 1024>}, {transform_indices = @transform_4, window_bounds = array<i64: 1, 1, 1024>}, {transform_indices = @transform_5, window_bounds = array<i64: 1, 1, 1024>}, {transform_indices = @transform_6, window_bounds = array<i64: 1, 64, 1024>}, {pipeline_mode = #tpu.pipeline_mode<synchronous>, transform_indices = @transform_7, window_bounds = array<i64: 128, 192>}, {pipeline_mode = #tpu.pipeline_mode<synchronous>, transform_indices = @transform_8, window_bounds = array<i64: 1, 128>}, {transform_indices = @transform_9, window_bounds = array<i64: 1, 128, 1024>}]} {
    %get3A = arith.constant 0 : index
    %get3A_0 = arith.constant 0 : index
    %get3A_1 = arith.constant 0 : index
    %get3A_2 = vector.load %arg5[%get3A, %get3A_0, %get3A_1] : memref<1x1x1024xf32, #tpu.memory_space<vmem>>, vector<1x1x1024xf32>
    %get3A_3 = vector.shape_cast %get3A_2 : vector<1x1x1024xf32> to vector<1x1024xf32>
    %get3A_4 = arith.constant 0 : index
    %get3A_5 = arith.constant 0 : index
    %get3A_6 = arith.constant 0 : index
    %get3A_7 = vector.load %arg6[%get3A_4, %get3A_5, %get3A_6] : memref<1x1x1024xf32, #tpu.memory_space<vmem>>, vector<1x1x1024xf32>
    %get3A_8 = vector.shape_cast %get3A_7 : vector<1x1x1024xf32> to vector<1x1024xf32>
    %get3A_9 = arith.constant 0 : index
    %get3A_10 = arith.constant 0 : index
    %get3A_11 = arith.constant 0 : index
    %get3A_12 = vector.load %arg7[%get3A_9, %get3A_10, %get3A_11] : memref<1x1x1024xf32, #tpu.memory_space<vmem>>, vector<1x1x1024xf32>
    %get3A_13 = vector.shape_cast %get3A_12 : vector<1x1x1024xf32> to vector<1x1024xf32>
    %concatenate3A = tpu.concatenate %get3A_3, %get3A_8, %get3A_13 in 0 : vector<1x1024xf32>, vector<1x1024xf32>, vector<1x1024xf32> -> vector<3x1024xf32>
    %transpose3A = tpu.transpose %concatenate3A, [1, 0] : vector<3x1024xf32> -> vector<1024x3xf32>
    %slice3A = vector.extract_strided_slice %transpose3A {offsets = [0, 0], sizes = [1024, 1], strides = [1, 1]} : vector<1024x3xf32> to vector<1024x1xf32>
    %get3A_14 = arith.constant 0 : index
    %get3A_15 = arith.constant 0 : index
    %get3A_16 = vector.load %arg2[%get3A_14, %get3A_15] : memref<1024x128xf32, #tpu.memory_space<vmem>>, vector<1024x128xf32>
    %mul3A = vector.broadcast %slice3A : vector<1024x1xf32> to vector<1024x128xf32>
    %mul3A_17 = arith.mulf %mul3A, %get3A_16 : vector<1024x128xf32>
    %slice3A_18 = vector.extract_strided_slice %transpose3A {offsets = [0, 1], sizes = [1024, 1], strides = [1, 1]} : vector<1024x3xf32> to vector<1024x1xf32>
    %get3A_19 = arith.constant 0 : index
    %get3A_20 = arith.constant 0 : index
    %get3A_21 = vector.load %arg3[%get3A_19, %get3A_20] : memref<1024x128xf32, #tpu.memory_space<vmem>>, vector<1024x128xf32>
    %mul3A_22 = vector.broadcast %slice3A_18 : vector<1024x1xf32> to vector<1024x128xf32>
    %mul3A_23 = arith.mulf %mul3A_22, %get3A_21 : vector<1024x128xf32>
    %add3A = arith.addf %mul3A_17, %mul3A_23 : vector<1024x128xf32>
    %slice3A_24 = vector.extract_strided_slice %transpose3A {offsets = [0, 2], sizes = [1024, 1], strides = [1, 1]} : vector<1024x3xf32> to vector<1024x1xf32>
    %get3A_25 = arith.constant 0 : index
    %get3A_26 = arith.constant 0 : index
    %get3A_27 = vector.load %arg4[%get3A_25, %get3A_26] : memref<1024x128xf32, #tpu.memory_space<vmem>>, vector<1024x128xf32>
    %mul3A_28 = vector.broadcast %slice3A_24 : vector<1024x1xf32> to vector<1024x128xf32>
    %mul3A_29 = arith.mulf %mul3A_28, %get3A_27 : vector<1024x128xf32>
    %add3A_30 = arith.addf %add3A, %mul3A_29 : vector<1024x128xf32>
    %get3A_31 = arith.constant 0 : index
    %get3A_32 = arith.constant 0 : index
    %get3A_33 = vector.load %arg9[%get3A_31, %get3A_32] : memref<128x192xf32, #tpu.memory_space<vmem>>, vector<128x192xf32>
    %slice3A_34 = vector.extract_strided_slice %get3A_33 {offsets = [0, 0], sizes = [128, 128], strides = [1, 1]} : vector<128x192xf32> to vector<128x128xf32>
    %dot_general3A = arith.constant dense<0.000000e+00> : vector<128x1024xf32>
    %dot_general3A_35 = tpu.matmul %slice3A_34, %add3A_30, %dot_general3A {dimension_numbers = #tpu.dot_dimension_numbers<[1], [1], [0], [0], [0, 0, 1, 0], [], []>, transpose_lhs_hint = false} : vector<128x128xf32>, vector<1024x128xf32>, vector<128x1024xf32> -> vector<128x1024xf32>
    %slice3A_36 = vector.extract_strided_slice %get3A_33 {offsets = [0, 128], sizes = [128, 64], strides = [1, 1]} : vector<128x192xf32> to vector<128x64xf32>
    %get3A_37 = arith.constant 0 : index
    %get3A_38 = arith.constant 0 : index
    %get3A_39 = arith.constant 0 : index
    %get3A_40 = vector.load %arg8[%get3A_37, %get3A_38, %get3A_39] : memref<1x64x1024xf32, #tpu.memory_space<vmem>>, vector<1x64x1024xf32>
    %get3A_41 = vector.shape_cast %get3A_40 : vector<1x64x1024xf32> to vector<64x1024xf32>
    %dot_general3A_42 = arith.constant dense<0.000000e+00> : vector<128x1024xf32>
    %dot_general3A_43 = tpu.matmul %slice3A_36, %get3A_41, %dot_general3A_42 {dimension_numbers = #tpu.dot_dimension_numbers<[1], [0], [0], [1], [0, 0, 1, 1], [], []>, transpose_lhs_hint = false} : vector<128x64xf32>, vector<64x1024xf32>, vector<128x1024xf32> -> vector<128x1024xf32>
    %add3A_44 = arith.addf %dot_general3A_35, %dot_general3A_43 : vector<128x1024xf32>
    %get3A_45 = arith.constant 0 : index
    %get3A_46 = arith.constant 0 : index
    %get3A_47 = vector.load %arg10[%get3A_45, %get3A_46] : memref<1x128xf32, #tpu.memory_space<vmem>>, vector<1x128xf32>
    %transpose3A_48 = tpu.transpose %get3A_47, [1, 0] : vector<1x128xf32> -> vector<128x1xf32>
    %add3A_49 = vector.broadcast %transpose3A_48 : vector<128x1xf32> to vector<128x1024xf32>
    %add3A_50 = arith.addf %add3A_44, %add3A_49 : vector<128x1024xf32>
    %max3A = arith.constant 0.000000e+00 : f32
    %max3A_51 = vector.broadcast %max3A : f32 to vector<128x1024xf32>
    %max3A_52 = arith.maximumf %add3A_50, %max3A_51 : vector<128x1024xf32>
    %swap3A = arith.constant 0 : index
    %swap3A_53 = arith.constant 0 : index
    %swap3A_54 = arith.constant 0 : index
    %swap3A_55 = vector.load %arg11[%swap3A, %swap3A_53, %swap3A_54] : memref<1x128x1024xf32, #tpu.memory_space<vmem>>, vector<1x128x1024xf32>
    %swap3A_56 = vector.shape_cast %swap3A_55 : vector<1x128x1024xf32> to vector<128x1024xf32>
    %swap3A_57 = vector.shape_cast %max3A_52 : vector<128x1024xf32> to vector<1x128x1024xf32>
    tpu.vector_store %arg11[%swap3A, %swap3A_53, %swap3A_54], %swap3A_57 {strides = array<i32>} : memref<1x128x1024xf32, #tpu.memory_space<vmem>>, vector<1x128x1024xf32>,
    return
  }
  func.func @transform_0(%arg0: i32, %arg1: i32) -> (i32, i32) {
    %mul3A = arith.constant 8 : i32
    %mul3A_0 = arith.muli %arg0, %mul3A : i32
    %add3A = arith.addi %mul3A_0, %arg1 : i32
    %c0_i32 = arith.constant 0 : i32
    %c0_i32_1 = arith.constant 0 : i32
    return %add3A, %c0_i32 : i32, i32
  }
  func.func @transform_1(%arg0: i32, %arg1: i32) -> (i32, i32) {
    %mul3A = arith.constant 8 : i32
    %mul3A_0 = arith.muli %arg0, %mul3A : i32
    %add3A = arith.addi %mul3A_0, %arg1 : i32
    %c0_i32 = arith.constant 0 : i32
    %c0_i32_1 = arith.constant 0 : i32
    return %add3A, %c0_i32 : i32, i32
  }
  func.func @transform_2(%arg0: i32, %arg1: i32) -> (i32, i32) {
    %mul3A = arith.constant 8 : i32
    %mul3A_0 = arith.muli %arg0, %mul3A : i32
    %add3A = arith.addi %mul3A_0, %arg1 : i32
    %c0_i32 = arith.constant 0 : i32
    %c0_i32_1 = arith.constant 0 : i32
    return %add3A, %c0_i32 : i32, i32
  }
  func.func @transform_3(%arg0: i32, %arg1: i32) -> (i32, i32, i32) {
    %mul3A = arith.constant 8 : i32
    %mul3A_0 = arith.muli %arg0, %mul3A : i32
    %add3A = arith.addi %mul3A_0, %arg1 : i32
    %c0_i32 = arith.constant 0 : i32
    %c0_i32_1 = arith.constant 0 : i32
    %c0_i32_2 = arith.constant 0 : i32
    return %add3A, %c0_i32, %c0_i32_1 : i32, i32, i32
  }
  func.func @transform_4(%arg0: i32, %arg1: i32) -> (i32, i32, i32) {
    %mul3A = arith.constant 8 : i32
    %mul3A_0 = arith.muli %arg0, %mul3A : i32
    %add3A = arith.addi %mul3A_0, %arg1 : i32
    %c0_i32 = arith.constant 0 : i32
    %c0_i32_1 = arith.constant 0 : i32
    %c0_i32_2 = arith.constant 0 : i32
    return %add3A, %c0_i32, %c0_i32_1 : i32, i32, i32
  }
  func.func @transform_5(%arg0: i32, %arg1: i32) -> (i32, i32, i32) {
    %mul3A = arith.constant 8 : i32
    %mul3A_0 = arith.muli %arg0, %mul3A : i32
    %add3A = arith.addi %mul3A_0, %arg1 : i32
    %c0_i32 = arith.constant 0 : i32
    %c0_i32_1 = arith.constant 0 : i32
    %c0_i32_2 = arith.constant 0 : i32
    return %add3A, %c0_i32, %c0_i32_1 : i32, i32, i32
  }
  func.func @transform_6(%arg0: i32, %arg1: i32) -> (i32, i32, i32) {
    %c0_i32 = arith.constant 0 : i32
    %c0_i32_0 = arith.constant 0 : i32
    return %arg0, %c0_i32, %arg1 : i32, i32, i32
  }
  func.func @transform_7(%arg0: i32, %arg1: i32) -> (i32, i32) {
    %c0_i32 = arith.constant 0 : i32
    %c0_i32_0 = arith.constant 0 : i32
    %c0_i32_1 = arith.constant 0 : i32
    return %c0_i32, %c0_i32_0 : i32, i32
  }
  func.func @transform_8(%arg0: i32, %arg1: i32) -> (i32, i32) {
    %c0_i32 = arith.constant 0 : i32
    %c0_i32_0 = arith.constant 0 : i32
    %c0_i32_1 = arith.constant 0 : i32
    return %c0_i32, %c0_i32_0 : i32, i32
  }
  func.func @transform_9(%arg0: i32, %arg1: i32) -> (i32, i32, i32) {
    %c0_i32 = arith.constant 0 : i32
    %c0_i32_0 = arith.constant 0 : i32
    return %arg0, %c0_i32, %arg1 : i32, i32, i32
  }
}

</mosaic_0001>

<sc_bundles>
// kernel: kernel.5.cloned.1.call-start
scs
__scs_entry_jumppad:
0x0: {  	(pc) =	sbr.rel $0x88, $3  }
0x1: {  	(tag) =	ssettag $0x0;
	lr =	simm.s32 $0x1  }
0x2: {  	[smem:$0x3F9B] =	sst lr;
	_ =	strace $0xD0000000  }
0x3: {  	_ = 	snop  }
0x4: {  	_ = 	snop  }
0x5: {  	_ = 	snop  }
0x6: {  	_ = 	snop  }
0x7: {  	_ = 	snop  }
__scs_overlays_trampoline_lowered:
0x8: {  	[smem:$0x3FAA] =	sst s0  }
0x9: {  	[smem:$0x3FAB] =	sst s1  }
0xa: {  	[smem:$0x3FAC] =	sst s2  }
0xb: {  	[smem:$0x3FAD] =	sst s3  }
0xc: {  	[smem:$0x3FAE] =	sst s4  }
0xd: {  	[smem:$0x3FAF] =	sst s5  }
0xe: {  	[smem:$0x3FB0] =	sst s6  }
0xf: {  	[smem:$0x3FB1] =	sst s7  }
0x10: {  	[smem:$0x3FB2] =	sst s8  }
0x11: {  	[smem:$0x3FB3] =	sst s9;
	s0 =	simm.s32 @!p0 $0x0  }
0x12: {  	s1 =	sld [smem:$0x3F99];
	s0 =	simm.s32 @p0 $0x1  }
0x13: {  	[smem:$0x3FB4] =	sst s0;
	s0 =	simm.s32 @!p1 $0x0  }
0x14: {  	s2 =	sld [smem:$0x3F98];
	s0 =	simm.s32 @p1 $0x1  }
0x15: {  	[smem:$0x3FB5] =	sst s0;
	s0 =	simm.s32 @!p2 $0x0  }
0x16: {  	s3 =	sld [smem:$0x3FDB];
	s0 =	simm.s32 @p2 $0x1  }
0x17: {  	s4 =	simm.s32 $0x1BF5;
	[smem:$0x3FB7] =	sst s0  }
0x18: {  	s0 =	sld [smem:$0x3F9A];
	_ =	swait.ge [sflag:s4], $0x0  }
0x19: {  	s7 =	sld [smem:$0x3F9B]  }
0x1a: {  	s8 =	sadd.s32 $0xFFFFE003, lr  }
0x1b: {  	s9 =	sadd.s32 $0xFFFFFEF7, lr;
	s5 =	simm.s32 $0xFFFFFFFF;
	p2 =	slt.u32 s8, $0xFFFFF086  }
0x1c: {  	p1 =	slt.u32 s9, $0xF7A;
	s5 =	simm.s32 @!p2 $0x0  }
0x1d: {  	s5 =	simm.s32 @p1 $0x1;
	p0 =	seq.s32 s7, s2  }
0x1e: {  	s7 =	smul.u32 @!p0 $0xF7A, s2;
	p2 =	seq.s32 @!p0 s5, $0x0  }
0x1f: {  	s9 =	smul.u32 $0xF7A, s1;
	s8 =	simm.s32 @!p0 $0x1BF5;
	p2 =	por !p2, p0  }
0x20: {  	[sflag:s8] =	ssyncset.s32 @!p0 $0xFFFFF086;
	s6 =	sadd.s32 @!p0 s3, s7;
	s7 =	simm.s32 @!p0 $0x108  }
0x21: {  	s3 =	sadd.s32 s3, s9;
	s6 =	sadd.s32 @!p0 $0x88, s6;
	s7 =	simm.s32 @p2 $0x1082  }
0x22: {  	[simem:s7], [sflag:s8] =	dma.local @!p0 [hbm:s6], $0xF7A  }
0x23: {  	s9 =	sor.u32 $0xD0000000, s2;
	s6 =	simm.s32 $0x108;
	_ =	swait.ge @!p0 [sflag:s8], $0x0  }
0x24: {  	s3 =	sadd.s32 $0x88, s3;
	s6 =	simm.s32 @!p1 $0x1082;
	[sflag:s4] =	ssyncset.s32 $0xFFFFF086  }
0x25: {  	[simem:s6], [sflag:s4] =	dma.local [hbm:s3], $0xF7A  }
0x26: {  	[smem:$0x3F9B] =	sst s1;
	(tag) =	ssettag s2;
	_ =	strace s9  }
0x27: {  	s1 =	sld [smem:$0x3FAB]  }
0x28: {  	s2 =	sld [smem:$0x3FAC]  }
0x29: {  	s4 =	sld [smem:$0x3FAE]  }
0x2a: {  	p0 =	seq.s32 s5, $0x0;
	s5 =	sld [smem:$0x3FAF]  }
0x2b: {  	s6 =	sld [smem:$0x3FB0]  }
0x2c: {  	s7 =	sld [smem:$0x3FB1]  }
0x2d: {  	s3 =	simm.s32 $0x108;
	s8 =	sld [smem:$0x3FB2]  }
0x2e: {  	s3 =	simm.s32 @!p0 $0x1082;
	s9 =	sld [smem:$0x3FB3]  }
0x2f: {  	lr =	sadd.s32 s0, s3;
	s0 =	sld [smem:$0x3FAA]  }
0x30: {  	s3 =	sld [smem:$0x3FAD]  }
0x31: {  	[smem:$0x3FB6] =	sst s10  }
0x32: {  	s10 =	sld [smem:$0x3FB4];
	_ =	sdelay $0x3  }
0x33: {  	p0 =	seq.s32 s10, $0x1;
	s10 =	sld [smem:$0x3FB6];
	_ =	sdelay $0x3  }
0x34: {  	[smem:$0x3FB6] =	sst s10  }
0x35: {  	s10 =	sld [smem:$0x3FB5];
	_ =	sdelay $0x3  }
0x36: {  	p1 =	seq.s32 s10, $0x1;
	s10 =	sld [smem:$0x3FB6];
	_ =	sdelay $0x3  }
0x37: {  	[smem:$0x3FB6] =	sst s10  }
0x38: {  	s10 =	sld [smem:$0x3FB7]  }
0x39: {  	_ = 	snop;
	(pc) =	sbr.ind lr, $3  }
0x3a: {  	_ = 	snop  }
0x3b: {  	_ = 	snop  }
0x3c: {  	p2 =	seq.s32 s10, $0x1;
	s10 =	sld [smem:$0x3FB6]  }
0x3d: {  	_ =	shalt  }
0x3e: {  	_ =	shalt  }
0x3f: {  	_ =	shalt  }
0x40: {  	_ =	shalt  }
0x41: {  	_ =	shalt  }
0x42: {  	_ =	shalt  }
0x43: {  	_ =	shalt  }
0x44: {  	_ =	shalt  }
0x45: {  	_ =	shalt  }
0x46: {  	_ =	shalt  }
0x47: {  	_ =	shalt  }
0x48: {  	_ =	shalt  }
0x49: {  	_ =	shalt  }
0x4a: {  	_ =	shalt  }
0x4b: {  	_ =	shalt  }
0x4c: {  	_ =	shalt  }
0x4d: {  	_ =	shalt  }
0x4e: {  	_ =	shalt  }
0x4f: {  	_ =	shalt  }
0x50: {  	_ =	shalt  }
0x51: {  	_ =	shalt  }
0x52: {  	_ =	shalt  }
0x53: {  	_ =	shalt  }
0x54: {  	_ =	shalt  }
0x55: {  	_ =	shalt  }
0x56: {  	_ =	shalt  }
0x57: {  	_ =	shalt  }
0x58: {  	_ =	shalt  }
0x59: {  	_ =	shalt  }
0x5a: {  	_ =	shalt  }
0x5b: {  	_ =	shalt  }
0x5c: {  	_ =	shalt  }
0x5d: {  	_ =	shalt  }
0x5e: {  	_ =	shalt  }
0x5f: {  	_ =	shalt  }
0x60: {  	_ =	shalt  }
0x61: {  	_ =	shalt  }
0x62: {  	_ =	shalt  }
0x63: {  	_ =	shalt  }
0x64: {  	_ =	shalt  }
0x65: {  	_ =	shalt  }
0x66: {  	_ =	shalt  }
0x67: {  	_ =	shalt  }
0x68: {  	_ =	shalt  }
0x69: {  	_ =	shalt  }
0x6a: {  	_ =	shalt  }
0x6b: {  	_ =	shalt  }
0x6c: {  	_ =	shalt  }
0x6d: {  	_ =	shalt  }
0x6e: {  	_ =	shalt  }
0x6f: {  	_ =	shalt  }
0x70: {  	_ =	shalt  }
0x71: {  	_ =	shalt  }
0x72: {  	_ =	shalt  }
0x73: {  	_ =	shalt  }
0x74: {  	_ =	shalt  }
0x75: {  	_ =	shalt  }
0x76: {  	_ =	shalt  }
0x77: {  	_ =	shalt  }
0x78: {  	_ =	shalt  }
0x79: {  	_ =	shalt  }
0x7a: {  	_ =	shalt  }
0x7b: {  	_ =	shalt  }
0x7c: {  	_ =	shalt  }
0x7d: {  	_ =	shalt  }
0x7e: {  	_ =	shalt  }
0x7f: {  	_ =	shalt  }
0x80: {  	_ =	shalt  }
0x81: {  	_ =	shalt  }
0x82: {  	_ =	shalt  }
0x83: {  	_ =	shalt  }
0x84: {  	_ =	shalt  }
0x85: {  	_ =	shalt  }
0x86: {  	_ =	shalt  }
0x87: {  	_ =	shalt  }
.Lfunc_end0:
.L_simem_size_0:
called_computation_lowered:
.L_overlay_start_0:
0x88: {  	s2 =	sld [smem:$0x3FD9]  }
0x89: {  	s3 =	sld [smem:$0x3FFE];
	_ =	sdelay $0x1  }
0x8a: {  	s1 =	srdreg.scid  }
0x8b: {  	s0 =	sand.u32 $0x1, s1  }
0x8c: {  	s17 =	sshll.u32 s0, $0xA;
	s2 =	sadd.s32 s3, s2  }
0x8d: {  	s2 =	sadd.s32 s2, s17  }
0x8e: {  	[smem:$0x3FC2] =	sst s2  }
0x8f: {  	_ = 	snop  }
0x90: {  	s2 =	sld [smem:$0x3FD0];
	(tm) =	ssettm $0x1  }
0x91: {  	s18 =	sld [smem:$0x3FFB];
	_ =	sdelay $0x3  }
0x92: {  	_ =	strace s18  }
0x93: {  	s3 =	sld [smem:$0x3FFC];
	_ =	sdelay $0x3  }
0x94: {  	_ =	strace s3  }
0x95: {  	s3 =	sld [smem:$0x3FFD];
	_ =	sdelay $0x3  }
0x96: {  	_ =	strace s3  }
0x97: {  	_ =	strace $0x8FFFFFFF  }
0x98: {  	s19 =	sld [smem:$0x3FDB];
	_ =	sdelay $0x1  }
0x99: {  	s4 =	simm.s32 $_scs_section_size  }
0x9a: {  	s5 =	simm.s32 $_size__tile_overlayer_lowered;
	s6 =	simm.s32 $_tile_overlayer_lowered  }
0x9b: {  	s22 =	simm.s32 $0x1BFF;
	s21 =	sshll.u32 s6, $0x1;
	s3 =	sadd.s32 s4, s19  }
0x9c: {  	s7 =	simm.s32 $0x0;
	s20 =	sshll.u32 s5, $0x1;
	s5 =	sadd.s32 s21, s3  }
0x9d: {  	[timem:s7], [sflag:s22] =	dma.local [hbm:s5], s20  }
0x9e: {  	_ =	swait.ge [sflag:s22], s20  }
0x9f: {  	s4 =	ssub.s32 $0x0, s20;
	[sflag:s22] =	ssyncset.done $0x0  }
0xa0: {  	[sflag:s22] =	ssyncadd.s32 s4;
	_ =	sdelay $0x1  }
0xa1: {  	s23 =	simm.s32 $0x1B8B  }
0xa2: {  	_ =	swait.ge [sflag:s23], $0x1  }
0xa3: {  	[sflag:s23] =	ssyncset.done $0x0  }
0xa4: {  	s25 =	simm.s32 $0x1B8E;
	s24 =	sld [smem:$0x3FFE];
	[sflag:s23] =	ssyncadd.s32 $0xFFFFFFFF  }
0xa5: {  	s26 =	simm.s32 $execute0_lowered;
	[smem:$0x3FD2] =	sst s25  }
0xa6: {  	s5 =	sshll.u32 s26, $0x1;
	_ =	strace $0x80000046;
	[dreg:$0x1] =	wrdreg $0xFFFFFFFF  }
0xa7: {  	s28 =	simm.s32 $_size_execute0_lowered;
	s3 =	sadd.s32 s3, s5;
	[dreg:$0x0] =	wrdreg $0x0  }
0xa8: {  	s5 =	sshll.u32 s28, $0x1;
	[dreg:$0x2] =	wrdreg s3  }
0xa9: {  	[dreg:$0x3] =	wrdreg s5  }
0xaa: {  	[dreg:$0x4] =	wrdreg $0xC0  }
0xab: {  	_ =	task [dreg:s7], $0x5FFFF  }
0xac: {  	[dreg:$0x1] =	wrdreg $0xFFFFFFFF  }
0xad: {  	[dreg:$0x0] =	wrdreg $0x60  }
0xae: {  	[dreg:$0x2] =	wrdreg s2  }
0xaf: {  	[dreg:$0x3] =	wrdreg s24  }
0xb0: {  	[dreg:$0x4] =	wrdreg $0x9  }
0xb1: {  	_ =	task.clear_ibuf [dreg:s7], $0x5FFFF;
	_ =	strace $0x90000046  }
0xb2: {  	s29 =	simm.s32 $0x9;
	_ =	strace $0x80000048  }
0xb3: {  	_ =	swait.ge [sflag:s29], $0x1  }
0xb4: {  	[sflag:s29] =	ssyncadd.s32 $0xFFFFFFFF  }
0xb5: {  	_ =	strace $0x90000048  }
0xb6: {  	_ =	sfence  }
0xb7: {  	s30 =	sld [smem:$0x0];
	_ =	sdelay $0x2  }
0xb8: {  	s31 =	sshll.u32 s1, $0xD;
	s1 =	sshrl.u32 s1, $0x2  }
0xb9: {  	s3 =	sand.u32 $0x4000, s31;
	s1 =	sadd.s32 s1, s30  }
0xba: {  	s0 =	sor.u32 s3, s0;
	s1 =	sshll.u32 s1, $0x11  }
0xbb: {  	s0 =	sor.u32 s1, s0  }
0xbc: {  	s0 =	sadd.s32 $0x8F2B, s0  }
0xbd: {  	[sflag:s0] =	ssyncadd.remote.s32 $0x1  }
0xbe: {  	_ =	sfence.sel $0xFFFF  }
0xbf: {  	[dreg:$0x0] =	wrdreg $0xFFFFFFFF;
	(pc) =	sbr.abs _section_cstart, $3  }
0xc0: {  	[dreg:$0x1] =	wrdreg $0xFFFFFFFF  }
0xc1: {  	_ =	task.clear_ibuf [dreg:s7], $0x2FFFF;
	_ =	strace $0x9FFFFFFF  }
0xc2: {  	(tm) =	ssettm $0x7FFFFFFF  }
0xc3: {  	_ =	shalt  }
tec
execute0_lowered:
.L_overlay_start_1:
0x0: {  	(tag) =	ssettag $0x1  }
0x1: {  	s0 =	srdreg.scid;
	s17 =	stileid.u32  }
0x2: {  	s3 =	rddreg [dreg:$0x0];
	s1 =	sand.u32 $0x1, s0;
	s8 =	sshll.u32 s17, $0x1  }
0x3: {  	s4 =	rddreg [dreg:$0x1];
	s2 =	simm.s32 $0x0;
	s0 =	sor.u32 s1, s8  }
0x4: {  	s7 =	sadd.s32 $0x5000, s4;
	s5 =	sshll.u32 s0, $0x7;
	s0 =	sshll.u32 s0, $0xE  }
0x5: {  	[smem:$0x7FF] =	sst s2;
	s5 =	sadd.s32 s5, s4;
	s10 =	sadd.s32 s7, s0  }
0x6: {  	_ =	strace $0x80000047;
	s6 =	sadd.s32 $0x2000, s5;
	[dreg:$0x6] =	wrdreg s10  }
0x7: {  	s9 =	sadd.s32 $0x3000, s5;
	[dreg:$0x3] =	wrdreg s6  }
0x8: {  	s8 =	sor.u32 $0x1000, s0;
	s5 =	sadd.s32 $0x4000, s5;
	[dreg:$0x4] =	wrdreg s9  }
0x9: {  	s12 =	sadd.s32 s7, s8;
	s10 =	sor.u32 $0x2000, s0;
	[dreg:$0x5] =	wrdreg s5  }
0xa: {  	s6 =	sor.u32 $0x800, s0;
	[dreg:$0x8] =	wrdreg s12;
	s14 =	sadd.s32 s7, s10  }
0xb: {  	s9 =	sor.u32 $0x1800, s0;
	s11 =	sadd.s32 s7, s6;
	[dreg:$0xa] =	wrdreg s14  }
0xc: {  	s12 =	sor.u32 $0x3000, s0;
	s13 =	sadd.s32 s7, s9;
	[dreg:$0x7] =	wrdreg s11  }
0xd: {  	s16 =	sadd.s32 s7, s12;
	s14 =	sadd.s32 $0x85000, s4;
	[dreg:$0x9] =	wrdreg s13  }
0xe: {  	s31 =	simm.s32 $0x9;
	[dreg:$0xc] =	wrdreg s16;
	s19 =	sadd.s32 s14, s0  }
0xf: {  	s30 =	simm.s32 $0x400;
	s20 =	sadd.s32 s14, s6;
	[dreg:$0xe] =	wrdreg s19  }
0x10: {  	s29 =	simm.s32 $0x680;
	s21 =	sadd.s32 s14, s8;
	[dreg:$0xf] =	wrdreg s20  }
0x11: {  	s28 =	simm.s32 $0x700;
	s22 =	sadd.s32 s14, s9;
	[dreg:$0x10] =	wrdreg s21  }
0x12: {  	s4 =	sadd.s32 $0x105000, s4;
	s23 =	sadd.s32 s14, s10;
	[dreg:$0x11] =	wrdreg s22  }
0x13: {  	s11 =	sor.u32 $0x2800, s0;
	s25 =	sadd.s32 s14, s12;
	[dreg:$0x12] =	wrdreg s23  }
0x14: {  	s13 =	sor.u32 $0x3800, s0;
	s0 =	sadd.s32 s4, s0;
	[dreg:$0x14] =	wrdreg s25  }
0x15: {  	p0 =	por $0x0, $0x0;
	s6 =	sadd.s32 s4, s6;
	[dreg:$0x16] =	wrdreg s0  }
0x16: {  	s1 =	ssub.s32 $0x2, s1;
	s16 =	simm.s32 $0x100;
	[dreg:$0x17] =	wrdreg s6  }
0x17: {  	s5 =	simm.s32 $0x8C00;
	s15 =	sadd.s32 s7, s11;
	[dreg:$0x1e] =	wrdreg s16  }
0x18: {  	s18 =	sadd.s32 s7, s13;
	s24 =	sadd.s32 s14, s11;
	[dreg:$0xb] =	wrdreg s15  }
0x19: {  	s26 =	sadd.s32 s14, s13;
	s7 =	sadd.s32 s4, s8;
	[dreg:$0xd] =	wrdreg s18  }
0x1a: {  	s8 =	sadd.s32 s4, s9;
	s9 =	sadd.s32 s4, s10;
	[dreg:$0x13] =	wrdreg s24  }
0x1b: {  	s10 =	sadd.s32 s4, s11;
	s11 =	sshrl.u32 s1, $0x1;
	[dreg:$0x15] =	wrdreg s26  }
0x1c: {  	s14 =	sadd.s32 s4, s12;
	s20 =	simm.s32 $0x800;
	[dreg:$0x18] =	wrdreg s7  }
0x1d: {  	s6 =	simm.s32 $0x4C00;
	s19 =	simm.s32 $0x200;
	[dreg:$0x19] =	wrdreg s8  }
0x1e: {  	s16 =	simm.s32 $0x1;
	s21 =	simm.s32 $0x280;
	[dreg:$0x1a] =	wrdreg s9  }
0x1f: {  	s22 =	simm.s32 $0x300;
	s23 =	simm.s32 $0x380;
	[dreg:$0x1b] =	wrdreg s10  }
0x20: {  	s12 =	simm.s32 $0x3;
	s25 =	simm.s32 $0x500;
	[dreg:$0x1c] =	wrdreg s14  }
0x21: {  	s1 =	ssub.s32 s1, s11;
	s15 =	sadd.s32 s4, s13;
	[smem:$0x7F7] =	sst s19  }
0x22: {  	s9 =	simm.s32 $0x80;
	s7 =	simm.s32 $0xC00;
	[smem:$0x7F8] =	sst s21  }
0x23: {  	s18 =	simm.s32 $0x180;
	s4 =	simm.s32 $0xCC00;
	[smem:$0x7F9] =	sst s22  }
0x24: {  	s14 =	simm.s32 $0x2;
	s13 =	simm.s32 $0x6;
	[smem:$0x7FA] =	sst s23  }
0x25: {  	s24 =	simm.s32 $0x480;
	s11 =	simm.s32 $0x7;
	[smem:$0x7FC] =	sst s25  }
0x26: {  	s26 =	simm.s32 $0x580;
	s10 =	simm.s32 $0x4;
	s0 =	smax.u32 s1, $0x1  }
0x27: {  	s8 =	simm.s32 $0x8;
	s25 =	simm.s32 $0x880;
	p1 =	sne.s32 s0, $0x1  }
.Ltmp0:
0x28: {  	s23 =	simm.s32 $0x980;
	[dreg:$0x1d] =	wrdreg s15;
	(pc) =	sbr.rel @!p1 .LBB2_1-.Ltmp0, $4  }
0x29: {  	s22 =	simm.s32 $0xA00;
	s21 =	simm.s32 $0xA80;
	[dreg:$0x1f] =	wrdreg s18  }
0x2a: {  	s19 =	simm.s32 $0xB00;
	s15 =	simm.s32 $0x5;
	[smem:$0x7FB] =	sst s24  }
0x2b: {  	[smem:$0x7FD] =	sst s26;
	s26 =	simm.s32 $0x780;
	s24 =	simm.s32 $0x900  }
0x2c: {  	s18 =	simm.s32 $0xB80;
	s1 =	sadd.s32 $0xFFFFFFFF, s0;
	s0 =	rddreg [dreg:$0x3]  }
0x2d: {  	[tilespmem:s2], [sflag:$0x9] =	stream.linear.gather [hbm4b:s0+s2], $0x400, $0x38;
	[tilespmem:$0x10C00] =	vst v63  }
0x2e: {  	_ =	swait.ge [sflag:s31], $0x400  }
0x2f: {  	[sflag:s31] =	ssyncset.done $0x0  }
0x30: {  	s17 =	rddreg [dreg:$0x4];
	[sflag:s31] =	ssyncadd.s32 $0xFFFFFC00  }
0x31: {  	[tilespmem:s30], [sflag:$0x9] =	stream.linear.gather [hbm4b:s17+s2], $0x400, $0x38;
	[tilespmem:$0x10C00] =	vst v63  }
0x32: {  	_ =	swait.ge [sflag:s31], $0x400  }
0x33: {  	[sflag:s31] =	ssyncset.done $0x0  }
0x34: {  	s17 =	rddreg [dreg:$0x5];
	[sflag:s31] =	ssyncadd.s32 $0xFFFFFC00  }
0x35: {  	[tilespmem:s20], [sflag:$0x9] =	stream.linear.gather [hbm4b:s17+s2], $0x400, $0x38;
	[tilespmem:$0x10C00] =	vst v63  }
0x36: {  	_ =	swait.ge [sflag:s31], $0x400  }
0x37: {  	[sflag:s31] =	ssyncset.done $0x0  }
0x38: {  	[sflag:s31] =	ssyncadd.s32 $0xFFFFFC00  }
0x39: {  	[tilespmem:s7], [sflag:$0x1] =	stream.indirect.gather [hbm4b:s3+s9], $0x80, s2, s9, $0xb8;
	[tilespmem:$0x10C00] =	vst v63  }
0x3a: {  	_ = 	snop  }
0x3b: {  	[tilespmem:s6], [sflag:$0x2] =	stream.indirect.gather [hbm4b:s3+s9], $0x80, s9, s9, $0xb8;
	[tilespmem:$0x10C00] =	vst v63  }
0x3c: {  	s0 =	rddreg [dreg:$0x1e]  }
0x3d: {  	[tilespmem:s5], [sflag:$0x3] =	stream.indirect.gather [hbm4b:s3+s9], $0x80, s0, s9, $0xb8;
	[tilespmem:$0x10C00] =	vst v63  }
0x3e: {  	s17 =	smov.u32 s1;
	s1 =	rddreg [dreg:$0x1f]  }
0x3f: {  	[tilespmem:s4], [sflag:$0x4] =	stream.indirect.gather [hbm4b:s3+s9], $0x80, s1, s9, $0xb8;
	[tilespmem:$0x10C00] =	vst v63  }
0x40: {  	_ =	swait.ge [sflag:s16], $0x4000  }
0x41: {  	[sflag:s16] =	ssyncset.done $0x0  }
0x42: {  	s1 =	rddreg [dreg:$0x6];
	[sflag:s16] =	ssyncadd.s32 $0xFFFFC000  }
0x43: {  	[hbm4b:s1+s2] =	stream.linear.scatter [tilespmem:s7], [sflag:$0x5], $0x4000, $0x38;
	[tilespmem:$0x10C00] =	vst v63  }
0x44: {  	_ =	swait.ge [sflag:s15], $0x4000  }
0x45: {  	s1 =	sld [smem:$0x7F7]  }
0x46: {  	[sflag:s15] =	ssyncset.done $0x0  }
0x47: {  	[sflag:s15] =	ssyncadd.s32 $0xFFFFC000  }
0x48: {  	[tilespmem:s7], [sflag:$0x1] =	stream.indirect.gather [hbm4b:s3+s9], $0x80, s1, s9, $0xb8;
	[tilespmem:$0x10C00] =	vst v63  }
0x49: {  	_ =	swait.ge [sflag:s14], $0x4000  }
0x4a: {  	[sflag:s14] =	ssyncset.done $0x0  }
0x4b: {  	s1 =	rddreg [dreg:$0x7];
	[sflag:s14] =	ssyncadd.s32 $0xFFFFC000  }
0x4c: {  	[hbm4b:s1+s2] =	stream.linear.scatter [tilespmem:s6], [sflag:$0x6], $0x4000, $0x38;
	[tilespmem:$0x10C00] =	vst v63  }
0x4d: {  	_ =	swait.ge [sflag:s13], $0x4000  }
0x4e: {  	s1 =	sld [smem:$0x7F8]  }
0x4f: {  	[sflag:s13] =	ssyncset.done $0x0  }
0x50: {  	[sflag:s13] =	ssyncadd.s32 $0xFFFFC000  }
0x51: {  	[tilespmem:s6], [sflag:$0x2] =	stream.indirect.gather [hbm4b:s3+s9], $0x80, s1, s9, $0xb8;
	[tilespmem:$0x10C00] =	vst v63  }
0x52: {  	_ =	swait.ge [sflag:s12], $0x4000  }
0x53: {  	[sflag:s12] =	ssyncset.done $0x0  }
0x54: {  	s1 =	rddreg [dreg:$0x8];
	[sflag:s12] =	ssyncadd.s32 $0xFFFFC000  }
0x55: {  	[hbm4b:s1+s2] =	stream.linear.scatter [tilespmem:s5], [sflag:$0x7], $0x4000, $0x38;
	[tilespmem:$0x10C00] =	vst v63  }
0x56: {  	_ =	swait.ge [sflag:s11], $0x4000  }
0x57: {  	s1 =	sld [smem:$0x7F9]  }
0x58: {  	[sflag:s11] =	ssyncset.done $0x0  }
0x59: {  	[sflag:s11] =	ssyncadd.s32 $0xFFFFC000  }
0x5a: {  	[tilespmem:s5], [sflag:$0x3] =	stream.indirect.gather [hbm4b:s3+s9], $0x80, s1, s9, $0xb8;
	[tilespmem:$0x10C00] =	vst v63  }
0x5b: {  	_ =	swait.ge [sflag:s10], $0x4000  }
0x5c: {  	[sflag:s10] =	ssyncset.done $0x0  }
0x5d: {  	s1 =	rddreg [dreg:$0x9];
	[sflag:s10] =	ssyncadd.s32 $0xFFFFC000  }
0x5e: {  	[hbm4b:s1+s2] =	stream.linear.scatter [tilespmem:s4], [sflag:$0x8], $0x4000, $0x38;
	[tilespmem:$0x10C00] =	vst v63  }
0x5f: {  	_ =	swait.ge [sflag:s8], $0x4000  }
0x60: {  	s1 =	sld [smem:$0x7FA]  }
0x61: {  	[sflag:s8] =	ssyncset.done $0x0  }
0x62: {  	[sflag:s8] =	ssyncadd.s32 $0xFFFFC000  }
0x63: {  	[tilespmem:s4], [sflag:$0x4] =	stream.indirect.gather [hbm4b:s3+s9], $0x80, s1, s9, $0xb8;
	[tilespmem:$0x10C00] =	vst v63  }
0x64: {  	_ =	swait.ge [sflag:s16], $0x4000  }
0x65: {  	[sflag:s16] =	ssyncset.done $0x0  }
0x66: {  	s1 =	rddreg [dreg:$0xa];
	[sflag:s16] =	ssyncadd.s32 $0xFFFFC000  }
0x67: {  	[hbm4b:s1+s2] =	stream.linear.scatter [tilespmem:s7], [sflag:$0x5], $0x4000, $0x38;
	[tilespmem:$0x10C00] =	vst v63  }
0x68: {  	_ =	swait.ge [sflag:s15], $0x4000  }
0x69: {  	[sflag:s15] =	ssyncset.done $0x0  }
0x6a: {  	[sflag:s15] =	ssyncadd.s32 $0xFFFFC000  }
0x6b: {  	[tilespmem:s7], [sflag:$0x1] =	stream.indirect.gather [hbm4b:s3+s9], $0x80, s30, s9, $0xb8;
	[tilespmem:$0x10C00] =	vst v63  }
0x6c: {  	_ =	swait.ge [sflag:s14], $0x4000  }
0x6d: {  	[sflag:s14] =	ssyncset.done $0x0  }
0x6e: {  	s1 =	rddreg [dreg:$0xb];
	[sflag:s14] =	ssyncadd.s32 $0xFFFFC000  }
0x6f: {  	[hbm4b:s1+s2] =	stream.linear.scatter [tilespmem:s6], [sflag:$0x6], $0x4000, $0x38;
	[tilespmem:$0x10C00] =	vst v63  }
0x70: {  	_ =	swait.ge [sflag:s13], $0x4000  }
0x71: {  	s1 =	sld [smem:$0x7FB]  }
0x72: {  	[sflag:s13] =	ssyncset.done $0x0  }
0x73: {  	[sflag:s13] =	ssyncadd.s32 $0xFFFFC000  }
0x74: {  	[tilespmem:s6], [sflag:$0x2] =	stream.indirect.gather [hbm4b:s3+s9], $0x80, s1, s9, $0xb8;
	[tilespmem:$0x10C00] =	vst v63  }
0x75: {  	_ =	swait.ge [sflag:s12], $0x4000  }
0x76: {  	[sflag:s12] =	ssyncset.done $0x0  }
0x77: {  	s1 =	rddreg [dreg:$0xc];
	[sflag:s12] =	ssyncadd.s32 $0xFFFFC000  }
0x78: {  	[hbm4b:s1+s2] =	stream.linear.scatter [tilespmem:s5], [sflag:$0x7], $0x4000, $0x38;
	[tilespmem:$0x10C00] =	vst v63  }
0x79: {  	_ =	swait.ge [sflag:s11], $0x4000  }
0x7a: {  	s1 =	sld [smem:$0x7FC]  }
0x7b: {  	[sflag:s11] =	ssyncset.done $0x0  }
0x7c: {  	[sflag:s11] =	ssyncadd.s32 $0xFFFFC000  }
0x7d: {  	[tilespmem:s5], [sflag:$0x3] =	stream.indirect.gather [hbm4b:s3+s9], $0x80, s1, s9, $0xb8;
	[tilespmem:$0x10C00] =	vst v63  }
0x7e: {  	_ =	swait.ge [sflag:s10], $0x4000  }
0x7f: {  	[sflag:s10] =	ssyncset.done $0x0  }
0x80: {  	s1 =	rddreg [dreg:$0xd];
	[sflag:s10] =	ssyncadd.s32 $0xFFFFC000  }
0x81: {  	[hbm4b:s1+s2] =	stream.linear.scatter [tilespmem:s4], [sflag:$0x8], $0x4000, $0x38;
	[tilespmem:$0x10C00] =	vst v63  }
0x82: {  	_ =	swait.ge [sflag:s8], $0x4000  }
0x83: {  	s1 =	sld [smem:$0x7FD]  }
0x84: {  	[sflag:s8] =	ssyncset.done $0x0  }
0x85: {  	[sflag:s8] =	ssyncadd.s32 $0xFFFFC000  }
0x86: {  	[tilespmem:s4], [sflag:$0x4] =	stream.indirect.gather [hbm4b:s3+s9], $0x80, s1, s9, $0xb8;
	[tilespmem:$0x10C00] =	vst v63  }
0x87: {  	_ =	swait.ge [sflag:s16], $0x4000  }
0x88: {  	[sflag:s16] =	ssyncset.done $0x0  }
0x89: {  	s1 =	rddreg [dreg:$0xe];
	[sflag:s16] =	ssyncadd.s32 $0xFFFFC000  }
0x8a: {  	[hbm4b:s1+s2] =	stream.linear.scatter [tilespmem:s7], [sflag:$0x5], $0x4000, $0x38;
	[tilespmem:$0x10C00] =	vst v63  }
0x8b: {  	_ =	swait.ge [sflag:s15], $0x4000  }
0x8c: {  	[sflag:s15] =	ssyncset.done $0x0  }
0x8d: {  	s1 =	simm.s32 $0x600;
	[sflag:s15] =	ssyncadd.s32 $0xFFFFC000  }
0x8e: {  	[tilespmem:s7], [sflag:$0x1] =	stream.indirect.gather [hbm4b:s3+s9], $0x80, s1, s9, $0xb8;
	[tilespmem:$0x10C00] =	vst v63  }
0x8f: {  	_ =	swait.ge [sflag:s14], $0x4000  }
0x90: {  	[sflag:s14] =	ssyncset.done $0x0  }
0x91: {  	s1 =	rddreg [dreg:$0xf];
	[sflag:s14] =	ssyncadd.s32 $0xFFFFC000  }
0x92: {  	[hbm4b:s1+s2] =	stream.linear.scatter [tilespmem:s6], [sflag:$0x6], $0x4000, $0x38;
	[tilespmem:$0x10C00] =	vst v63  }
0x93: {  	_ =	swait.ge [sflag:s13], $0x4000  }
0x94: {  	[sflag:s13] =	ssyncset.done $0x0  }
0x95: {  	[sflag:s13] =	ssyncadd.s32 $0xFFFFC000  }
0x96: {  	[tilespmem:s6], [sflag:$0x2] =	stream.indirect.gather [hbm4b:s3+s9], $0x80, s29, s9, $0xb8;
	[tilespmem:$0x10C00] =	vst v63  }
0x97: {  	_ =	swait.ge [sflag:s12], $0x4000  }
0x98: {  	[sflag:s12] =	ssyncset.done $0x0  }
0x99: {  	s1 =	rddreg [dreg:$0x10];
	[sflag:s12] =	ssyncadd.s32 $0xFFFFC000  }
0x9a: {  	[hbm4b:s1+s2] =	stream.linear.scatter [tilespmem:s5], [sflag:$0x7], $0x4000, $0x38;
	[tilespmem:$0x10C00] =	vst v63  }
0x9b: {  	_ =	swait.ge [sflag:s11], $0x4000  }
0x9c: {  	[sflag:s11] =	ssyncset.done $0x0  }
0x9d: {  	[sflag:s11] =	ssyncadd.s32 $0xFFFFC000  }
0x9e: {  	[tilespmem:s5], [sflag:$0x3] =	stream.indirect.gather [hbm4b:s3+s9], $0x80, s28, s9, $0xb8;
	[tilespmem:$0x10C00] =	vst v63  }
0x9f: {  	_ =	swait.ge [sflag:s10], $0x4000  }
0xa0: {  	[sflag:s10] =	ssyncset.done $0x0  }
0xa1: {  	s1 =	rddreg [dreg:$0x11];
	[sflag:s10] =	ssyncadd.s32 $0xFFFFC000  }
0xa2: {  	[hbm4b:s1+s2] =	stream.linear.scatter [tilespmem:s4], [sflag:$0x8], $0x4000, $0x38;
	[tilespmem:$0x10C00] =	vst v63  }
0xa3: {  	_ =	swait.ge [sflag:s8], $0x4000  }
0xa4: {  	[sflag:s8] =	ssyncset.done $0x0  }
0xa5: {  	[sflag:s8] =	ssyncadd.s32 $0xFFFFC000  }
0xa6: {  	[tilespmem:s4], [sflag:$0x4] =	stream.indirect.gather [hbm4b:s3+s9], $0x80, s26, s9, $0xb8;
	[tilespmem:$0x10C00] =	vst v63  }
0xa7: {  	_ =	swait.ge [sflag:s16], $0x4000  }
0xa8: {  	[sflag:s16] =	ssyncset.done $0x0  }
0xa9: {  	s1 =	rddreg [dreg:$0x12];
	[sflag:s16] =	ssyncadd.s32 $0xFFFFC000  }
0xaa: {  	[hbm4b:s1+s2] =	stream.linear.scatter [tilespmem:s7], [sflag:$0x5], $0x4000, $0x38;
	[tilespmem:$0x10C00] =	vst v63  }
0xab: {  	_ =	swait.ge [sflag:s15], $0x4000  }
0xac: {  	[sflag:s15] =	ssyncset.done $0x0  }
0xad: {  	[sflag:s15] =	ssyncadd.s32 $0xFFFFC000  }
0xae: {  	[tilespmem:s7], [sflag:$0x1] =	stream.indirect.gather [hbm4b:s3+s9], $0x80, s20, s9, $0xb8;
	[tilespmem:$0x10C00] =	vst v63  }
0xaf: {  	_ =	swait.ge [sflag:s14], $0x4000  }
0xb0: {  	[sflag:s14] =	ssyncset.done $0x0  }
0xb1: {  	s1 =	rddreg [dreg:$0x13];
	[sflag:s14] =	ssyncadd.s32 $0xFFFFC000  }
0xb2: {  	[hbm4b:s1+s2] =	stream.linear.scatter [tilespmem:s6], [sflag:$0x6], $0x4000, $0x38;
	[tilespmem:$0x10C00] =	vst v63  }
0xb3: {  	_ =	swait.ge [sflag:s13], $0x4000  }
0xb4: {  	[sflag:s13] =	ssyncset.done $0x0  }
0xb5: {  	[sflag:s13] =	ssyncadd.s32 $0xFFFFC000  }
0xb6: {  	[tilespmem:s6], [sflag:$0x2] =	stream.indirect.gather [hbm4b:s3+s9], $0x80, s25, s9, $0xb8;
	[tilespmem:$0x10C00] =	vst v63  }
0xb7: {  	_ =	swait.ge [sflag:s12], $0x4000  }
0xb8: {  	[sflag:s12] =	ssyncset.done $0x0  }
0xb9: {  	s1 =	rddreg [dreg:$0x14];
	[sflag:s12] =	ssyncadd.s32 $0xFFFFC000  }
0xba: {  	[hbm4b:s1+s2] =	stream.linear.scatter [tilespmem:s5], [sflag:$0x7], $0x4000, $0x38;
	[tilespmem:$0x10C00] =	vst v63  }
0xbb: {  	_ =	swait.ge [sflag:s11], $0x4000  }
0xbc: {  	[sflag:s11] =	ssyncset.done $0x0  }
0xbd: {  	[sflag:s11] =	ssyncadd.s32 $0xFFFFC000  }
0xbe: {  	[tilespmem:s5], [sflag:$0x3] =	stream.indirect.gather [hbm4b:s3+s9], $0x80, s24, s9, $0xb8;
	[tilespmem:$0x10C00] =	vst v63  }
0xbf: {  	_ =	swait.ge [sflag:s10], $0x4000  }
0xc0: {  	[sflag:s10] =	ssyncset.done $0x0  }
0xc1: {  	s1 =	rddreg [dreg:$0x15];
	[sflag:s10] =	ssyncadd.s32 $0xFFFFC000  }
0xc2: {  	[hbm4b:s1+s2] =	stream.linear.scatter [tilespmem:s4], [sflag:$0x8], $0x4000, $0x38;
	[tilespmem:$0x10C00] =	vst v63  }
0xc3: {  	_ =	swait.ge [sflag:s8], $0x4000  }
0xc4: {  	[sflag:s8] =	ssyncset.done $0x0  }
0xc5: {  	[sflag:s8] =	ssyncadd.s32 $0xFFFFC000  }
0xc6: {  	[tilespmem:s4], [sflag:$0x4] =	stream.indirect.gather [hbm4b:s3+s9], $0x80, s23, s9, $0xb8;
	[tilespmem:$0x10C00] =	vst v63  }
0xc7: {  	_ =	swait.ge [sflag:s16], $0x4000  }
0xc8: {  	[sflag:s16] =	ssyncset.done $0x0  }
0xc9: {  	s1 =	rddreg [dreg:$0x16];
	[sflag:s16] =	ssyncadd.s32 $0xFFFFC000  }
0xca: {  	[hbm4b:s1+s2] =	stream.linear.scatter [tilespmem:s7], [sflag:$0x5], $0x4000, $0x38;
	[tilespmem:$0x10C00] =	vst v63  }
0xcb: {  	_ =	swait.ge [sflag:s15], $0x4000  }
0xcc: {  	[sflag:s15] =	ssyncset.done $0x0  }
0xcd: {  	[sflag:s15] =	ssyncadd.s32 $0xFFFFC000  }
0xce: {  	[tilespmem:s7], [sflag:$0x1] =	stream.indirect.gather [hbm4b:s3+s9], $0x80, s22, s9, $0xb8;
	[tilespmem:$0x10C00] =	vst v63  }
0xcf: {  	_ =	swait.ge [sflag:s14], $0x4000  }
0xd0: {  	[sflag:s14] =	ssyncset.done $0x0  }
0xd1: {  	s1 =	rddreg [dreg:$0x17];
	[sflag:s14] =	ssyncadd.s32 $0xFFFFC000  }
0xd2: {  	[hbm4b:s1+s2] =	stream.linear.scatter [tilespmem:s6], [sflag:$0x6], $0x4000, $0x38;
	[tilespmem:$0x10C00] =	vst v63  }
0xd3: {  	_ =	swait.ge [sflag:s13], $0x4000  }
0xd4: {  	[sflag:s13] =	ssyncset.done $0x0  }
0xd5: {  	[sflag:s13] =	ssyncadd.s32 $0xFFFFC000  }
0xd6: {  	[tilespmem:s6], [sflag:$0x2] =	stream.indirect.gather [hbm4b:s3+s9], $0x80, s21, s9, $0xb8;
	[tilespmem:$0x10C00] =	vst v63  }
0xd7: {  	_ =	swait.ge [sflag:s12], $0x4000  }
0xd8: {  	[sflag:s12] =	ssyncset.done $0x0  }
0xd9: {  	s1 =	rddreg [dreg:$0x18];
	[sflag:s12] =	ssyncadd.s32 $0xFFFFC000  }
0xda: {  	[hbm4b:s1+s2] =	stream.linear.scatter [tilespmem:s5], [sflag:$0x7], $0x4000, $0x38;
	[tilespmem:$0x10C00] =	vst v63  }
0xdb: {  	_ =	swait.ge [sflag:s11], $0x4000  }
0xdc: {  	[sflag:s11] =	ssyncset.done $0x0  }
0xdd: {  	[sflag:s11] =	ssyncadd.s32 $0xFFFFC000  }
0xde: {  	[tilespmem:s5], [sflag:$0x3] =	stream.indirect.gather [hbm4b:s3+s9], $0x80, s19, s9, $0xb8;
	[tilespmem:$0x10C00] =	vst v63  }
0xdf: {  	_ =	swait.ge [sflag:s10], $0x4000  }
0xe0: {  	[sflag:s10] =	ssyncset.done $0x0  }
0xe1: {  	s1 =	rddreg [dreg:$0x19];
	[sflag:s10] =	ssyncadd.s32 $0xFFFFC000  }
0xe2: {  	[hbm4b:s1+s2] =	stream.linear.scatter [tilespmem:s4], [sflag:$0x8], $0x4000, $0x38;
	[tilespmem:$0x10C00] =	vst v63  }
0xe3: {  	_ =	swait.ge [sflag:s8], $0x4000  }
0xe4: {  	[sflag:s8] =	ssyncset.done $0x0  }
0xe5: {  	[sflag:s8] =	ssyncadd.s32 $0xFFFFC000  }
0xe6: {  	[tilespmem:s4], [sflag:$0x4] =	stream.indirect.gather [hbm4b:s3+s9], $0x80, s18, s9, $0xb8;
	[tilespmem:$0x10C00] =	vst v63  }
0xe7: {  	_ =	swait.ge [sflag:s16], $0x4000  }
0xe8: {  	[sflag:s16] =	ssyncset.done $0x0  }
0xe9: {  	s1 =	rddreg [dreg:$0x1a];
	[sflag:s16] =	ssyncadd.s32 $0xFFFFC000  }
0xea: {  	[hbm4b:s1+s2] =	stream.linear.scatter [tilespmem:s7], [sflag:$0x5], $0x4000, $0x38;
	[tilespmem:$0x10C00] =	vst v63  }
0xeb: {  	_ =	swait.ge [sflag:s15], $0x4000  }
0xec: {  	[sflag:s15] =	ssyncset.done $0x0  }
0xed: {  	[sflag:s15] =	ssyncadd.s32 $0xFFFFC000  }
0xee: {  	_ =	swait.ge [sflag:s14], $0x4000  }
0xef: {  	[sflag:s14] =	ssyncset.done $0x0  }
0xf0: {  	s1 =	rddreg [dreg:$0x1b];
	[sflag:s14] =	ssyncadd.s32 $0xFFFFC000  }
0xf1: {  	[hbm4b:s1+s2] =	stream.linear.scatter [tilespmem:s6], [sflag:$0x6], $0x4000, $0x38;
	[tilespmem:$0x10C00] =	vst v63  }
0xf2: {  	_ =	swait.ge [sflag:s13], $0x4000  }
0xf3: {  	[sflag:s13] =	ssyncset.done $0x0  }
0xf4: {  	[sflag:s13] =	ssyncadd.s32 $0xFFFFC000  }
0xf5: {  	_ =	swait.ge [sflag:s12], $0x4000  }
0xf6: {  	[sflag:s12] =	ssyncset.done $0x0  }
0xf7: {  	s1 =	rddreg [dreg:$0x1c];
	[sflag:s12] =	ssyncadd.s32 $0xFFFFC000  }
0xf8: {  	[hbm4b:s1+s2] =	stream.linear.scatter [tilespmem:s5], [sflag:$0x7], $0x4000, $0x38;
	[tilespmem:$0x10C00] =	vst v63  }
0xf9: {  	_ =	swait.ge [sflag:s11], $0x4000  }
0xfa: {  	[sflag:s11] =	ssyncset.done $0x0  }
0xfb: {  	[sflag:s11] =	ssyncadd.s32 $0xFFFFC000  }
0xfc: {  	p1 =	sne.s32 s17, $0x1;
	_ =	swait.ge [sflag:s10], $0x4000  }
.Ltmp1:
0xfd: {  	[sflag:s10] =	ssyncset.done $0x0;
	(pc) =	sbr.rel @!p1 .LBB2_3-.Ltmp1, $4  }
0xfe: {  	s1 =	rddreg [dreg:$0x1d];
	[sflag:s10] =	ssyncadd.s32 $0xFFFFC000  }
0xff: {  	[hbm4b:s1+s2] =	stream.linear.scatter [tilespmem:s4], [sflag:$0x8], $0x4000, $0x38;
	[tilespmem:$0x10C00] =	vst v63  }
0x100: {  	p0 =	por $0x1, $0x1;
	_ =	swait.ge [sflag:s8], $0x4000  }
0x101: {  	s1 =	sadd.s32 $0xFFFFFFFF, s17;
	s0 =	rddreg [dreg:$0x3];
	[sflag:s8] =	ssyncset.done $0x0  }
.LBB2_4:
0x102: {  	[sflag:s8] =	ssyncadd.s32 $0xFFFFC000  }
0x103: {  	[tilespmem:s2], [sflag:$0x9] =	stream.linear.gather [hbm4b:s0+s2], $0x400, $0x38;
	[tilespmem:$0x10C00] =	vst v63  }
0x104: {  	_ =	swait.ge [sflag:s31], $0x400  }
0x105: {  	[sflag:s31] =	ssyncset.done $0x0  }
0x106: {  	s17 =	rddreg [dreg:$0x4];
	[sflag:s31] =	ssyncadd.s32 $0xFFFFFC00  }
0x107: {  	[tilespmem:s30], [sflag:$0x9] =	stream.linear.gather [hbm4b:s17+s2], $0x400, $0x38;
	[tilespmem:$0x10C00] =	vst v63  }
0x108: {  	_ =	swait.ge [sflag:s31], $0x400  }
0x109: {  	[sflag:s31] =	ssyncset.done $0x0  }
0x10a: {  	s17 =	rddreg [dreg:$0x5];
	[sflag:s31] =	ssyncadd.s32 $0xFFFFFC00  }
0x10b: {  	[tilespmem:s20], [sflag:$0x9] =	stream.linear.gather [hbm4b:s17+s2], $0x400, $0x38;
	[tilespmem:$0x10C00] =	vst v63  }
0x10c: {  	_ =	swait.ge [sflag:s31], $0x400  }
0x10d: {  	[sflag:s31] =	ssyncset.done $0x0  }
0x10e: {  	[sflag:s31] =	ssyncadd.s32 $0xFFFFFC00  }
0x10f: {  	[tilespmem:s7], [sflag:$0x1] =	stream.indirect.gather [hbm4b:s3+s9], $0x80, s2, s9, $0xb8;
	[tilespmem:$0x10C00] =	vst v63  }
0x110: {  	_ = 	snop  }
0x111: {  	[tilespmem:s6], [sflag:$0x2] =	stream.indirect.gather [hbm4b:s3+s9], $0x80, s9, s9, $0xb8;
	[tilespmem:$0x10C00] =	vst v63  }
0x112: {  	s0 =	rddreg [dreg:$0x1e]  }
0x113: {  	[tilespmem:s5], [sflag:$0x3] =	stream.indirect.gather [hbm4b:s3+s9], $0x80, s0, s9, $0xb8;
	[tilespmem:$0x10C00] =	vst v63  }
0x114: {  	s17 =	rddreg [dreg:$0x1f]  }
0x115: {  	[tilespmem:s4], [sflag:$0x4] =	stream.indirect.gather [hbm4b:s3+s9], $0x80, s17, s9, $0xb8;
	[tilespmem:$0x10C00] =	vst v63  }
0x116: {  	_ =	swait.ge [sflag:s16], $0x4000  }
0x117: {  	[sflag:s16] =	ssyncset.done $0x0  }
0x118: {  	s17 =	rddreg [dreg:$0x6];
	[sflag:s16] =	ssyncadd.s32 $0xFFFFC000  }
0x119: {  	[hbm4b:s17+s2] =	stream.linear.scatter [tilespmem:s7], [sflag:$0x5], $0x4000, $0x38;
	[tilespmem:$0x10C00] =	vst v63  }
0x11a: {  	_ =	swait.ge [sflag:s15], $0x4000  }
0x11b: {  	s17 =	sld [smem:$0x7F7]  }
0x11c: {  	[sflag:s15] =	ssyncset.done $0x0  }
0x11d: {  	[sflag:s15] =	ssyncadd.s32 $0xFFFFC000  }
0x11e: {  	[tilespmem:s7], [sflag:$0x1] =	stream.indirect.gather [hbm4b:s3+s9], $0x80, s17, s9, $0xb8;
	[tilespmem:$0x10C00] =	vst v63  }
0x11f: {  	_ =	swait.ge [sflag:s14], $0x4000  }
0x120: {  	[sflag:s14] =	ssyncset.done $0x0  }
0x121: {  	s17 =	rddreg [dreg:$0x7];
	[sflag:s14] =	ssyncadd.s32 $0xFFFFC000  }
0x122: {  	[hbm4b:s17+s2] =	stream.linear.scatter [tilespmem:s6], [sflag:$0x6], $0x4000, $0x38;
	[tilespmem:$0x10C00] =	vst v63  }
0x123: {  	_ =	swait.ge [sflag:s13], $0x4000  }
0x124: {  	s17 =	sld [smem:$0x7F8]  }
0x125: {  	[sflag:s13] =	ssyncset.done $0x0  }
0x126: {  	[sflag:s13] =	ssyncadd.s32 $0xFFFFC000  }
0x127: {  	[tilespmem:s6], [sflag:$0x2] =	stream.indirect.gather [hbm4b:s3+s9], $0x80, s17, s9, $0xb8;
	[tilespmem:$0x10C00] =	vst v63  }
0x128: {  	_ =	swait.ge [sflag:s12], $0x4000  }
0x129: {  	[sflag:s12] =	ssyncset.done $0x0  }
0x12a: {  	s17 =	rddreg [dreg:$0x8];
	[sflag:s12] =	ssyncadd.s32 $0xFFFFC000  }
0x12b: {  	[hbm4b:s17+s2] =	stream.linear.scatter [tilespmem:s5], [sflag:$0x7], $0x4000, $0x38;
	[tilespmem:$0x10C00] =	vst v63  }
0x12c: {  	_ =	swait.ge [sflag:s11], $0x4000  }
0x12d: {  	s17 =	sld [smem:$0x7F9]  }
0x12e: {  	[sflag:s11] =	ssyncset.done $0x0  }
0x12f: {  	[sflag:s11] =	ssyncadd.s32 $0xFFFFC000  }
0x130: {  	[tilespmem:s5], [sflag:$0x3] =	stream.indirect.gather [hbm4b:s3+s9], $0x80, s17, s9, $0xb8;
	[tilespmem:$0x10C00] =	vst v63  }
0x131: {  	_ =	swait.ge [sflag:s10], $0x4000  }
0x132: {  	[sflag:s10] =	ssyncset.done $0x0  }
0x133: {  	s17 =	rddreg [dreg:$0x9];
	[sflag:s10] =	ssyncadd.s32 $0xFFFFC000  }
0x134: {  	[hbm4b:s17+s2] =	stream.linear.scatter [tilespmem:s4], [sflag:$0x8], $0x4000, $0x38;
	[tilespmem:$0x10C00] =	vst v63  }
0x135: {  	_ =	swait.ge [sflag:s8], $0x4000  }
0x136: {  	s17 =	sld [smem:$0x7FA]  }
0x137: {  	[sflag:s8] =	ssyncset.done $0x0  }
0x138: {  	[sflag:s8] =	ssyncadd.s32 $0xFFFFC000  }
0x139: {  	[tilespmem:s4], [sflag:$0x4] =	stream.indirect.gather [hbm4b:s3+s9], $0x80, s17, s9, $0xb8;
	[tilespmem:$0x10C00] =	vst v63  }
0x13a: {  	_ =	swait.ge [sflag:s16], $0x4000  }
0x13b: {  	[sflag:s16] =	ssyncset.done $0x0  }
0x13c: {  	s17 =	rddreg [dreg:$0xa];
	[sflag:s16] =	ssyncadd.s32 $0xFFFFC000  }
0x13d: {  	[hbm4b:s17+s2] =	stream.linear.scatter [tilespmem:s7], [sflag:$0x5], $0x4000, $0x38;
	[tilespmem:$0x10C00] =	vst v63  }
0x13e: {  	_ =	swait.ge [sflag:s15], $0x4000  }
0x13f: {  	[sflag:s15] =	ssyncset.done $0x0  }
0x140: {  	[sflag:s15] =	ssyncadd.s32 $0xFFFFC000  }
0x141: {  	[tilespmem:s7], [sflag:$0x1] =	stream.indirect.gather [hbm4b:s3+s9], $0x80, s30, s9, $0xb8;
	[tilespmem:$0x10C00] =	vst v63  }
0x142: {  	_ =	swait.ge [sflag:s14], $0x4000  }
0x143: {  	[sflag:s14] =	ssyncset.done $0x0  }
0x144: {  	s17 =	rddreg [dreg:$0xb];
	[sflag:s14] =	ssyncadd.s32 $0xFFFFC000  }
0x145: {  	[hbm4b:s17+s2] =	stream.linear.scatter [tilespmem:s6], [sflag:$0x6], $0x4000, $0x38;
	[tilespmem:$0x10C00] =	vst v63  }
0x146: {  	_ =	swait.ge [sflag:s13], $0x4000  }
0x147: {  	s17 =	sld [smem:$0x7FB]  }
0x148: {  	[sflag:s13] =	ssyncset.done $0x0  }
0x149: {  	[sflag:s13] =	ssyncadd.s32 $0xFFFFC000  }
0x14a: {  	[tilespmem:s6], [sflag:$0x2] =	stream.indirect.gather [hbm4b:s3+s9], $0x80, s17, s9, $0xb8;
	[tilespmem:$0x10C00] =	vst v63  }
0x14b: {  	_ =	swait.ge [sflag:s12], $0x4000  }
0x14c: {  	[sflag:s12] =	ssyncset.done $0x0  }
0x14d: {  	s17 =	rddreg [dreg:$0xc];
	[sflag:s12] =	ssyncadd.s32 $0xFFFFC000  }
0x14e: {  	[hbm4b:s17+s2] =	stream.linear.scatter [tilespmem:s5], [sflag:$0x7], $0x4000, $0x38;
	[tilespmem:$0x10C00] =	vst v63  }
0x14f: {  	_ =	swait.ge [sflag:s11], $0x4000  }
0x150: {  	s17 =	sld [smem:$0x7FC]  }
0x151: {  	[sflag:s11] =	ssyncset.done $0x0  }
0x152: {  	[sflag:s11] =	ssyncadd.s32 $0xFFFFC000  }
0x153: {  	[tilespmem:s5], [sflag:$0x3] =	stream.indirect.gather [hbm4b:s3+s9], $0x80, s17, s9, $0xb8;
	[tilespmem:$0x10C00] =	vst v63  }
0x154: {  	_ =	swait.ge [sflag:s10], $0x4000  }
0x155: {  	[sflag:s10] =	ssyncset.done $0x0  }
0x156: {  	s17 =	rddreg [dreg:$0xd];
	[sflag:s10] =	ssyncadd.s32 $0xFFFFC000  }
0x157: {  	[hbm4b:s17+s2] =	stream.linear.scatter [tilespmem:s4], [sflag:$0x8], $0x4000, $0x38;
	[tilespmem:$0x10C00] =	vst v63  }
0x158: {  	_ =	swait.ge [sflag:s8], $0x4000  }
0x159: {  	s17 =	sld [smem:$0x7FD]  }
0x15a: {  	[sflag:s8] =	ssyncset.done $0x0  }
0x15b: {  	[sflag:s8] =	ssyncadd.s32 $0xFFFFC000  }
0x15c: {  	[tilespmem:s4], [sflag:$0x4] =	stream.indirect.gather [hbm4b:s3+s9], $0x80, s17, s9, $0xb8;
	[tilespmem:$0x10C00] =	vst v63  }
0x15d: {  	_ =	swait.ge [sflag:s16], $0x4000  }
0x15e: {  	[sflag:s16] =	ssyncset.done $0x0  }
0x15f: {  	s17 =	rddreg [dreg:$0xe];
	[sflag:s16] =	ssyncadd.s32 $0xFFFFC000  }
0x160: {  	[hbm4b:s17+s2] =	stream.linear.scatter [tilespmem:s7], [sflag:$0x5], $0x4000, $0x38;
	[tilespmem:$0x10C00] =	vst v63  }
0x161: {  	_ =	swait.ge [sflag:s15], $0x4000  }
0x162: {  	[sflag:s15] =	ssyncset.done $0x0  }
0x163: {  	s17 =	simm.s32 $0x600;
	[sflag:s15] =	ssyncadd.s32 $0xFFFFC000  }
0x164: {  	[tilespmem:s7], [sflag:$0x1] =	stream.indirect.gather [hbm4b:s3+s9], $0x80, s17, s9, $0xb8;
	[tilespmem:$0x10C00] =	vst v63  }
0x165: {  	_ =	swait.ge [sflag:s14], $0x4000  }
0x166: {  	[sflag:s14] =	ssyncset.done $0x0  }
0x167: {  	s17 =	rddreg [dreg:$0xf];
	[sflag:s14] =	ssyncadd.s32 $0xFFFFC000  }
0x168: {  	[hbm4b:s17+s2] =	stream.linear.scatter [tilespmem:s6], [sflag:$0x6], $0x4000, $0x38;
	[tilespmem:$0x10C00] =	vst v63  }
0x169: {  	_ =	swait.ge [sflag:s13], $0x4000  }
0x16a: {  	[sflag:s13] =	ssyncset.done $0x0  }
0x16b: {  	[sflag:s13] =	ssyncadd.s32 $0xFFFFC000  }
0x16c: {  	[tilespmem:s6], [sflag:$0x2] =	stream.indirect.gather [hbm4b:s3+s9], $0x80, s29, s9, $0xb8;
	[tilespmem:$0x10C00] =	vst v63  }
0x16d: {  	_ =	swait.ge [sflag:s12], $0x4000  }
0x16e: {  	[sflag:s12] =	ssyncset.done $0x0  }
0x16f: {  	s17 =	rddreg [dreg:$0x10];
	[sflag:s12] =	ssyncadd.s32 $0xFFFFC000  }
0x170: {  	[hbm4b:s17+s2] =	stream.linear.scatter [tilespmem:s5], [sflag:$0x7], $0x4000, $0x38;
	[tilespmem:$0x10C00] =	vst v63  }
0x171: {  	_ =	swait.ge [sflag:s11], $0x4000  }
0x172: {  	[sflag:s11] =	ssyncset.done $0x0  }
0x173: {  	[sflag:s11] =	ssyncadd.s32 $0xFFFFC000  }
0x174: {  	[tilespmem:s5], [sflag:$0x3] =	stream.indirect.gather [hbm4b:s3+s9], $0x80, s28, s9, $0xb8;
	[tilespmem:$0x10C00] =	vst v63  }
0x175: {  	_ =	swait.ge [sflag:s10], $0x4000  }
0x176: {  	[sflag:s10] =	ssyncset.done $0x0  }
0x177: {  	s17 =	rddreg [dreg:$0x11];
	[sflag:s10] =	ssyncadd.s32 $0xFFFFC000  }
0x178: {  	[hbm4b:s17+s2] =	stream.linear.scatter [tilespmem:s4], [sflag:$0x8], $0x4000, $0x38;
	[tilespmem:$0x10C00] =	vst v63  }
0x179: {  	_ =	swait.ge [sflag:s8], $0x4000  }
0x17a: {  	[sflag:s8] =	ssyncset.done $0x0  }
0x17b: {  	[sflag:s8] =	ssyncadd.s32 $0xFFFFC000  }
0x17c: {  	[tilespmem:s4], [sflag:$0x4] =	stream.indirect.gather [hbm4b:s3+s9], $0x80, s26, s9, $0xb8;
	[tilespmem:$0x10C00] =	vst v63  }
0x17d: {  	_ =	swait.ge [sflag:s16], $0x4000  }
0x17e: {  	[sflag:s16] =	ssyncset.done $0x0  }
0x17f: {  	s17 =	rddreg [dreg:$0x12];
	[sflag:s16] =	ssyncadd.s32 $0xFFFFC000  }
0x180: {  	[hbm4b:s17+s2] =	stream.linear.scatter [tilespmem:s7], [sflag:$0x5], $0x4000, $0x38;
	[tilespmem:$0x10C00] =	vst v63  }
0x181: {  	_ =	swait.ge [sflag:s15], $0x4000  }
0x182: {  	[sflag:s15] =	ssyncset.done $0x0  }
0x183: {  	[sflag:s15] =	ssyncadd.s32 $0xFFFFC000  }
0x184: {  	[tilespmem:s7], [sflag:$0x1] =	stream.indirect.gather [hbm4b:s3+s9], $0x80, s20, s9, $0xb8;
	[tilespmem:$0x10C00] =	vst v63  }
0x185: {  	_ =	swait.ge [sflag:s14], $0x4000  }
0x186: {  	[sflag:s14] =	ssyncset.done $0x0  }
0x187: {  	s17 =	rddreg [dreg:$0x13];
	[sflag:s14] =	ssyncadd.s32 $0xFFFFC000  }
0x188: {  	[hbm4b:s17+s2] =	stream.linear.scatter [tilespmem:s6], [sflag:$0x6], $0x4000, $0x38;
	[tilespmem:$0x10C00] =	vst v63  }
0x189: {  	_ =	swait.ge [sflag:s13], $0x4000  }
0x18a: {  	[sflag:s13] =	ssyncset.done $0x0  }
0x18b: {  	[sflag:s13] =	ssyncadd.s32 $0xFFFFC000  }
0x18c: {  	[tilespmem:s6], [sflag:$0x2] =	stream.indirect.gather [hbm4b:s3+s9], $0x80, s25, s9, $0xb8;
	[tilespmem:$0x10C00] =	vst v63  }
0x18d: {  	_ =	swait.ge [sflag:s12], $0x4000  }
0x18e: {  	[sflag:s12] =	ssyncset.done $0x0  }
0x18f: {  	s17 =	rddreg [dreg:$0x14];
	[sflag:s12] =	ssyncadd.s32 $0xFFFFC000  }
0x190: {  	[hbm4b:s17+s2] =	stream.linear.scatter [tilespmem:s5], [sflag:$0x7], $0x4000, $0x38;
	[tilespmem:$0x10C00] =	vst v63  }
0x191: {  	_ =	swait.ge [sflag:s11], $0x4000  }
0x192: {  	[sflag:s11] =	ssyncset.done $0x0  }
0x193: {  	[sflag:s11] =	ssyncadd.s32 $0xFFFFC000  }
0x194: {  	[tilespmem:s5], [sflag:$0x3] =	stream.indirect.gather [hbm4b:s3+s9], $0x80, s24, s9, $0xb8;
	[tilespmem:$0x10C00] =	vst v63  }
0x195: {  	_ =	swait.ge [sflag:s10], $0x4000  }
0x196: {  	[sflag:s10] =	ssyncset.done $0x0  }
0x197: {  	s17 =	rddreg [dreg:$0x15];
	[sflag:s10] =	ssyncadd.s32 $0xFFFFC000  }
0x198: {  	[hbm4b:s17+s2] =	stream.linear.scatter [tilespmem:s4], [sflag:$0x8], $0x4000, $0x38;
	[tilespmem:$0x10C00] =	vst v63  }
0x199: {  	_ =	swait.ge [sflag:s8], $0x4000  }
0x19a: {  	[sflag:s8] =	ssyncset.done $0x0  }
0x19b: {  	[sflag:s8] =	ssyncadd.s32 $0xFFFFC000  }
0x19c: {  	[tilespmem:s4], [sflag:$0x4] =	stream.indirect.gather [hbm4b:s3+s9], $0x80, s23, s9, $0xb8;
	[tilespmem:$0x10C00] =	vst v63  }
0x19d: {  	_ =	swait.ge [sflag:s16], $0x4000  }
0x19e: {  	[sflag:s16] =	ssyncset.done $0x0  }
0x19f: {  	s17 =	rddreg [dreg:$0x16];
	[sflag:s16] =	ssyncadd.s32 $0xFFFFC000  }
0x1a0: {  	[hbm4b:s17+s2] =	stream.linear.scatter [tilespmem:s7], [sflag:$0x5], $0x4000, $0x38;
	[tilespmem:$0x10C00] =	vst v63  }
0x1a1: {  	_ =	swait.ge [sflag:s15], $0x4000  }
0x1a2: {  	[sflag:s15] =	ssyncset.done $0x0  }
0x1a3: {  	[sflag:s15] =	ssyncadd.s32 $0xFFFFC000  }
0x1a4: {  	[tilespmem:s7], [sflag:$0x1] =	stream.indirect.gather [hbm4b:s3+s9], $0x80, s22, s9, $0xb8;
	[tilespmem:$0x10C00] =	vst v63  }
0x1a5: {  	_ =	swait.ge [sflag:s14], $0x4000  }
0x1a6: {  	[sflag:s14] =	ssyncset.done $0x0  }
0x1a7: {  	s17 =	rddreg [dreg:$0x17];
	[sflag:s14] =	ssyncadd.s32 $0xFFFFC000  }
0x1a8: {  	[hbm4b:s17+s2] =	stream.linear.scatter [tilespmem:s6], [sflag:$0x6], $0x4000, $0x38;
	[tilespmem:$0x10C00] =	vst v63  }
0x1a9: {  	_ =	swait.ge [sflag:s13], $0x4000  }
0x1aa: {  	[sflag:s13] =	ssyncset.done $0x0  }
0x1ab: {  	[sflag:s13] =	ssyncadd.s32 $0xFFFFC000  }
0x1ac: {  	[tilespmem:s6], [sflag:$0x2] =	stream.indirect.gather [hbm4b:s3+s9], $0x80, s21, s9, $0xb8;
	[tilespmem:$0x10C00] =	vst v63  }
0x1ad: {  	_ =	swait.ge [sflag:s12], $0x4000  }
0x1ae: {  	[sflag:s12] =	ssyncset.done $0x0  }
0x1af: {  	s17 =	rddreg [dreg:$0x18];
	[sflag:s12] =	ssyncadd.s32 $0xFFFFC000  }
0x1b0: {  	[hbm4b:s17+s2] =	stream.linear.scatter [tilespmem:s5], [sflag:$0x7], $0x4000, $0x38;
	[tilespmem:$0x10C00] =	vst v63  }
0x1b1: {  	_ =	swait.ge [sflag:s11], $0x4000  }
0x1b2: {  	[sflag:s11] =	ssyncset.done $0x0  }
0x1b3: {  	[sflag:s11] =	ssyncadd.s32 $0xFFFFC000  }
0x1b4: {  	[tilespmem:s5], [sflag:$0x3] =	stream.indirect.gather [hbm4b:s3+s9], $0x80, s19, s9, $0xb8;
	[tilespmem:$0x10C00] =	vst v63  }
0x1b5: {  	_ =	swait.ge [sflag:s10], $0x4000  }
0x1b6: {  	[sflag:s10] =	ssyncset.done $0x0  }
0x1b7: {  	s17 =	rddreg [dreg:$0x19];
	[sflag:s10] =	ssyncadd.s32 $0xFFFFC000  }
0x1b8: {  	[hbm4b:s17+s2] =	stream.linear.scatter [tilespmem:s4], [sflag:$0x8], $0x4000, $0x38;
	[tilespmem:$0x10C00] =	vst v63  }
0x1b9: {  	_ =	swait.ge [sflag:s8], $0x4000  }
0x1ba: {  	[sflag:s8] =	ssyncset.done $0x0  }
0x1bb: {  	[sflag:s8] =	ssyncadd.s32 $0xFFFFC000  }
0x1bc: {  	[tilespmem:s4], [sflag:$0x4] =	stream.indirect.gather [hbm4b:s3+s9], $0x80, s18, s9, $0xb8;
	[tilespmem:$0x10C00] =	vst v63  }
0x1bd: {  	_ =	swait.ge [sflag:s16], $0x4000  }
0x1be: {  	[sflag:s16] =	ssyncset.done $0x0  }
0x1bf: {  	s17 =	rddreg [dreg:$0x1a];
	[sflag:s16] =	ssyncadd.s32 $0xFFFFC000  }
0x1c0: {  	[hbm4b:s17+s2] =	stream.linear.scatter [tilespmem:s7], [sflag:$0x5], $0x4000, $0x38;
	[tilespmem:$0x10C00] =	vst v63  }
0x1c1: {  	_ =	swait.ge [sflag:s15], $0x4000  }
0x1c2: {  	[sflag:s15] =	ssyncset.done $0x0  }
0x1c3: {  	[sflag:s15] =	ssyncadd.s32 $0xFFFFC000  }
0x1c4: {  	_ =	swait.ge [sflag:s14], $0x4000  }
0x1c5: {  	[sflag:s14] =	ssyncset.done $0x0  }
0x1c6: {  	s17 =	rddreg [dreg:$0x1b];
	[sflag:s14] =	ssyncadd.s32 $0xFFFFC000  }
0x1c7: {  	[hbm4b:s17+s2] =	stream.linear.scatter [tilespmem:s6], [sflag:$0x6], $0x4000, $0x38;
	[tilespmem:$0x10C00] =	vst v63  }
0x1c8: {  	_ =	swait.ge [sflag:s13], $0x4000  }
0x1c9: {  	[sflag:s13] =	ssyncset.done $0x0  }
0x1ca: {  	[sflag:s13] =	ssyncadd.s32 $0xFFFFC000  }
0x1cb: {  	_ =	swait.ge [sflag:s12], $0x4000  }
0x1cc: {  	[sflag:s12] =	ssyncset.done $0x0  }
0x1cd: {  	s17 =	rddreg [dreg:$0x1c];
	[sflag:s12] =	ssyncadd.s32 $0xFFFFC000  }
0x1ce: {  	[hbm4b:s17+s2] =	stream.linear.scatter [tilespmem:s5], [sflag:$0x7], $0x4000, $0x38;
	[tilespmem:$0x10C00] =	vst v63  }
0x1cf: {  	_ =	swait.ge [sflag:s11], $0x4000  }
0x1d0: {  	[sflag:s11] =	ssyncset.done $0x0  }
0x1d1: {  	[sflag:s11] =	ssyncadd.s32 $0xFFFFC000  }
0x1d2: {  	p1 =	sne.s32 s1, $0x1;
	_ =	swait.ge [sflag:s10], $0x4000  }
.Ltmp2:
0x1d3: {  	[sflag:s10] =	ssyncset.done $0x0;
	(pc) =	sbr.rel @p1 .LBB2_4-.Ltmp2, $4  }
0x1d4: {  	s17 =	rddreg [dreg:$0x1d];
	[sflag:s10] =	ssyncadd.s32 $0xFFFFC000  }
0x1d5: {  	[hbm4b:s17+s2] =	stream.linear.scatter [tilespmem:s4], [sflag:$0x8], $0x4000, $0x38;
	[tilespmem:$0x10C00] =	vst v63  }
0x1d6: {  	_ =	swait.ge [sflag:s8], $0x4000  }
0x1d7: {  	s1 =	sadd.s32 $0xFFFFFFFF, s1;
	s0 =	rddreg [dreg:$0x3];
	[sflag:s8] =	ssyncset.done $0x0  }
0x1d8: {  	s18 =	simm.s32 $0x600;
	s29 =	simm.s32 $0x680  }
0x1d9: {  	s28 =	simm.s32 $0x700;
	s26 =	simm.s32 $0x780;
	s25 =	simm.s32 $0x880  }
0x1da: {  	s24 =	simm.s32 $0x900;
	s23 =	simm.s32 $0x980;
	s22 =	simm.s32 $0xA00  }
0x1db: {  	s21 =	simm.s32 $0xA80;
	s19 =	simm.s32 $0xB00;
	s17 =	stileid.u32  }
.LBB2_6:
0x1dc: {  	[sflag:s8] =	ssyncadd.s32 @p0 $0xFFFFC000  }
0x1dd: {  	[tilespmem:s2], [sflag:$0x9] =	stream.linear.gather [hbm4b:s0+s2], $0x400, $0x38;
	[tilespmem:$0x10C00] =	vst v63  }
0x1de: {  	_ =	swait.ge [sflag:s31], $0x400  }
0x1df: {  	[sflag:s31] =	ssyncset.done $0x0  }
0x1e0: {  	s1 =	rddreg [dreg:$0x4];
	[sflag:s31] =	ssyncadd.s32 $0xFFFFFC00  }
0x1e1: {  	[tilespmem:s30], [sflag:$0x9] =	stream.linear.gather [hbm4b:s1+s2], $0x400, $0x38;
	[tilespmem:$0x10C00] =	vst v63  }
0x1e2: {  	_ =	swait.ge [sflag:s31], $0x400  }
0x1e3: {  	[sflag:s31] =	ssyncset.done $0x0  }
0x1e4: {  	s1 =	rddreg [dreg:$0x5];
	[sflag:s31] =	ssyncadd.s32 $0xFFFFFC00  }
0x1e5: {  	[tilespmem:s20], [sflag:$0x9] =	stream.linear.gather [hbm4b:s1+s2], $0x400, $0x38;
	[tilespmem:$0x10C00] =	vst v63  }
0x1e6: {  	_ =	swait.ge [sflag:s31], $0x400  }
0x1e7: {  	[sflag:s31] =	ssyncset.done $0x0  }
0x1e8: {  	[sflag:s31] =	ssyncadd.s32 $0xFFFFFC00  }
0x1e9: {  	[tilespmem:s7], [sflag:$0x1] =	stream.indirect.gather [hbm4b:s3+s9], $0x80, s2, s9, $0xb8;
	[tilespmem:$0x10C00] =	vst v63  }
0x1ea: {  	_ = 	snop  }
0x1eb: {  	[tilespmem:s6], [sflag:$0x2] =	stream.indirect.gather [hbm4b:s3+s9], $0x80, s9, s9, $0xb8;
	[tilespmem:$0x10C00] =	vst v63  }
0x1ec: {  	s31 =	rddreg [dreg:$0x1e]  }
0x1ed: {  	[tilespmem:s5], [sflag:$0x3] =	stream.indirect.gather [hbm4b:s3+s9], $0x80, s31, s9, $0xb8;
	[tilespmem:$0x10C00] =	vst v63  }
0x1ee: {  	s1 =	rddreg [dreg:$0x1f]  }
0x1ef: {  	[tilespmem:s4], [sflag:$0x4] =	stream.indirect.gather [hbm4b:s3+s9], $0x80, s1, s9, $0xb8;
	[tilespmem:$0x10C00] =	vst v63  }
0x1f0: {  	_ =	swait.ge [sflag:s16], $0x4000  }
0x1f1: {  	[sflag:s16] =	ssyncset.done $0x0  }
0x1f2: {  	s1 =	rddreg [dreg:$0x6];
	[sflag:s16] =	ssyncadd.s32 $0xFFFFC000  }
0x1f3: {  	[hbm4b:s1+s2] =	stream.linear.scatter [tilespmem:s7], [sflag:$0x5], $0x4000, $0x38;
	[tilespmem:$0x10C00] =	vst v63  }
0x1f4: {  	_ =	swait.ge [sflag:s15], $0x4000  }
0x1f5: {  	s31 =	sld [smem:$0x7F7]  }
0x1f6: {  	[sflag:s15] =	ssyncset.done $0x0  }
0x1f7: {  	[sflag:s15] =	ssyncadd.s32 $0xFFFFC000  }
0x1f8: {  	[tilespmem:s7], [sflag:$0x1] =	stream.indirect.gather [hbm4b:s3+s9], $0x80, s31, s9, $0xb8;
	[tilespmem:$0x10C00] =	vst v63  }
0x1f9: {  	_ =	swait.ge [sflag:s14], $0x4000  }
0x1fa: {  	[sflag:s14] =	ssyncset.done $0x0  }
0x1fb: {  	s1 =	rddreg [dreg:$0x7];
	[sflag:s14] =	ssyncadd.s32 $0xFFFFC000  }
0x1fc: {  	[hbm4b:s1+s2] =	stream.linear.scatter [tilespmem:s6], [sflag:$0x6], $0x4000, $0x38;
	[tilespmem:$0x10C00] =	vst v63  }
0x1fd: {  	_ =	swait.ge [sflag:s13], $0x4000  }
0x1fe: {  	s31 =	sld [smem:$0x7F8]  }
0x1ff: {  	[sflag:s13] =	ssyncset.done $0x0  }
0x200: {  	[sflag:s13] =	ssyncadd.s32 $0xFFFFC000  }
0x201: {  	[tilespmem:s6], [sflag:$0x2] =	stream.indirect.gather [hbm4b:s3+s9], $0x80, s31, s9, $0xb8;
	[tilespmem:$0x10C00] =	vst v63  }
0x202: {  	_ =	swait.ge [sflag:s12], $0x4000  }
0x203: {  	[sflag:s12] =	ssyncset.done $0x0  }
0x204: {  	s1 =	rddreg [dreg:$0x8];
	[sflag:s12] =	ssyncadd.s32 $0xFFFFC000  }
0x205: {  	[hbm4b:s1+s2] =	stream.linear.scatter [tilespmem:s5], [sflag:$0x7], $0x4000, $0x38;
	[tilespmem:$0x10C00] =	vst v63  }
0x206: {  	_ =	swait.ge [sflag:s11], $0x4000  }
0x207: {  	s31 =	sld [smem:$0x7F9]  }
0x208: {  	[sflag:s11] =	ssyncset.done $0x0  }
0x209: {  	[sflag:s11] =	ssyncadd.s32 $0xFFFFC000  }
0x20a: {  	[tilespmem:s5], [sflag:$0x3] =	stream.indirect.gather [hbm4b:s3+s9], $0x80, s31, s9, $0xb8;
	[tilespmem:$0x10C00] =	vst v63  }
0x20b: {  	_ =	swait.ge [sflag:s10], $0x4000  }
0x20c: {  	[sflag:s10] =	ssyncset.done $0x0  }
0x20d: {  	s1 =	rddreg [dreg:$0x9];
	[sflag:s10] =	ssyncadd.s32 $0xFFFFC000  }
0x20e: {  	[hbm4b:s1+s2] =	stream.linear.scatter [tilespmem:s4], [sflag:$0x8], $0x4000, $0x38;
	[tilespmem:$0x10C00] =	vst v63  }
0x20f: {  	_ =	swait.ge [sflag:s8], $0x4000  }
0x210: {  	s31 =	sld [smem:$0x7FA]  }
0x211: {  	[sflag:s8] =	ssyncset.done $0x0  }
0x212: {  	[sflag:s8] =	ssyncadd.s32 $0xFFFFC000  }
0x213: {  	[tilespmem:s4], [sflag:$0x4] =	stream.indirect.gather [hbm4b:s3+s9], $0x80, s31, s9, $0xb8;
	[tilespmem:$0x10C00] =	vst v63  }
0x214: {  	_ =	swait.ge [sflag:s16], $0x4000  }
0x215: {  	[sflag:s16] =	ssyncset.done $0x0  }
0x216: {  	s1 =	rddreg [dreg:$0xa];
	[sflag:s16] =	ssyncadd.s32 $0xFFFFC000  }
0x217: {  	[hbm4b:s1+s2] =	stream.linear.scatter [tilespmem:s7], [sflag:$0x5], $0x4000, $0x38;
	[tilespmem:$0x10C00] =	vst v63  }
0x218: {  	_ =	swait.ge [sflag:s15], $0x4000  }
0x219: {  	[sflag:s15] =	ssyncset.done $0x0  }
0x21a: {  	[sflag:s15] =	ssyncadd.s32 $0xFFFFC000  }
0x21b: {  	[tilespmem:s7], [sflag:$0x1] =	stream.indirect.gather [hbm4b:s3+s9], $0x80, s30, s9, $0xb8;
	[tilespmem:$0x10C00] =	vst v63  }
0x21c: {  	_ =	swait.ge [sflag:s14], $0x4000  }
0x21d: {  	[sflag:s14] =	ssyncset.done $0x0  }
0x21e: {  	s31 =	rddreg [dreg:$0xb];
	[sflag:s14] =	ssyncadd.s32 $0xFFFFC000  }
0x21f: {  	[hbm4b:s31+s2] =	stream.linear.scatter [tilespmem:s6], [sflag:$0x6], $0x4000, $0x38;
	[tilespmem:$0x10C00] =	vst v63  }
0x220: {  	_ =	swait.ge [sflag:s13], $0x4000  }
0x221: {  	s1 =	sld [smem:$0x7FB]  }
0x222: {  	[sflag:s13] =	ssyncset.done $0x0  }
0x223: {  	[sflag:s13] =	ssyncadd.s32 $0xFFFFC000  }
0x224: {  	[tilespmem:s6], [sflag:$0x2] =	stream.indirect.gather [hbm4b:s3+s9], $0x80, s1, s9, $0xb8;
	[tilespmem:$0x10C00] =	vst v63  }
0x225: {  	_ =	swait.ge [sflag:s12], $0x4000  }
0x226: {  	[sflag:s12] =	ssyncset.done $0x0  }
0x227: {  	s30 =	rddreg [dreg:$0xc];
	[sflag:s12] =	ssyncadd.s32 $0xFFFFC000  }
0x228: {  	[hbm4b:s30+s2] =	stream.linear.scatter [tilespmem:s5], [sflag:$0x7], $0x4000, $0x38;
	[tilespmem:$0x10C00] =	vst v63  }
0x229: {  	_ =	swait.ge [sflag:s11], $0x4000  }
0x22a: {  	s31 =	sld [smem:$0x7FC]  }
0x22b: {  	[sflag:s11] =	ssyncset.done $0x0  }
0x22c: {  	[sflag:s11] =	ssyncadd.s32 $0xFFFFC000  }
0x22d: {  	[tilespmem:s5], [sflag:$0x3] =	stream.indirect.gather [hbm4b:s3+s9], $0x80, s31, s9, $0xb8;
	[tilespmem:$0x10C00] =	vst v63  }
0x22e: {  	_ =	swait.ge [sflag:s10], $0x4000  }
0x22f: {  	[sflag:s10] =	ssyncset.done $0x0  }
0x230: {  	s1 =	rddreg [dreg:$0xd];
	[sflag:s10] =	ssyncadd.s32 $0xFFFFC000  }
0x231: {  	[hbm4b:s1+s2] =	stream.linear.scatter [tilespmem:s4], [sflag:$0x8], $0x4000, $0x38;
	[tilespmem:$0x10C00] =	vst v63  }
0x232: {  	_ =	swait.ge [sflag:s8], $0x4000  }
0x233: {  	s30 =	sld [smem:$0x7FD]  }
0x234: {  	[sflag:s8] =	ssyncset.done $0x0  }
0x235: {  	[sflag:s8] =	ssyncadd.s32 $0xFFFFC000  }
0x236: {  	[tilespmem:s4], [sflag:$0x4] =	stream.indirect.gather [hbm4b:s3+s9], $0x80, s30, s9, $0xb8;
	[tilespmem:$0x10C00] =	vst v63  }
0x237: {  	_ =	swait.ge [sflag:s16], $0x4000  }
0x238: {  	[sflag:s16] =	ssyncset.done $0x0  }
0x239: {  	s31 =	rddreg [dreg:$0xe];
	[sflag:s16] =	ssyncadd.s32 $0xFFFFC000  }
0x23a: {  	[hbm4b:s31+s2] =	stream.linear.scatter [tilespmem:s7], [sflag:$0x5], $0x4000, $0x38;
	[tilespmem:$0x10C00] =	vst v63  }
0x23b: {  	_ =	swait.ge [sflag:s15], $0x4000  }
0x23c: {  	[sflag:s15] =	ssyncset.done $0x0  }
0x23d: {  	[sflag:s15] =	ssyncadd.s32 $0xFFFFC000  }
0x23e: {  	[tilespmem:s7], [sflag:$0x1] =	stream.indirect.gather [hbm4b:s3+s9], $0x80, s18, s9, $0xb8;
	[tilespmem:$0x10C00] =	vst v63  }
0x23f: {  	_ =	swait.ge [sflag:s14], $0x4000  }
0x240: {  	[sflag:s14] =	ssyncset.done $0x0  }
0x241: {  	s1 =	rddreg [dreg:$0xf];
	[sflag:s14] =	ssyncadd.s32 $0xFFFFC000  }
0x242: {  	[hbm4b:s1+s2] =	stream.linear.scatter [tilespmem:s6], [sflag:$0x6], $0x4000, $0x38;
	[tilespmem:$0x10C00] =	vst v63  }
0x243: {  	_ =	swait.ge [sflag:s13], $0x4000  }
0x244: {  	[sflag:s13] =	ssyncset.done $0x0  }
0x245: {  	[sflag:s13] =	ssyncadd.s32 $0xFFFFC000  }
0x246: {  	[tilespmem:s6], [sflag:$0x2] =	stream.indirect.gather [hbm4b:s3+s9], $0x80, s29, s9, $0xb8;
	[tilespmem:$0x10C00] =	vst v63  }
0x247: {  	_ =	swait.ge [sflag:s12], $0x4000  }
0x248: {  	[sflag:s12] =	ssyncset.done $0x0  }
0x249: {  	s18 =	rddreg [dreg:$0x10];
	[sflag:s12] =	ssyncadd.s32 $0xFFFFC000  }
0x24a: {  	[hbm4b:s18+s2] =	stream.linear.scatter [tilespmem:s5], [sflag:$0x7], $0x4000, $0x38;
	[tilespmem:$0x10C00] =	vst v63  }
0x24b: {  	_ =	swait.ge [sflag:s11], $0x4000  }
0x24c: {  	[sflag:s11] =	ssyncset.done $0x0  }
0x24d: {  	[sflag:s11] =	ssyncadd.s32 $0xFFFFC000  }
0x24e: {  	[tilespmem:s5], [sflag:$0x3] =	stream.indirect.gather [hbm4b:s3+s9], $0x80, s28, s9, $0xb8;
	[tilespmem:$0x10C00] =	vst v63  }
0x24f: {  	_ =	swait.ge [sflag:s10], $0x4000  }
0x250: {  	[sflag:s10] =	ssyncset.done $0x0  }
0x251: {  	s29 =	rddreg [dreg:$0x11];
	[sflag:s10] =	ssyncadd.s32 $0xFFFFC000  }
0x252: {  	[hbm4b:s29+s2] =	stream.linear.scatter [tilespmem:s4], [sflag:$0x8], $0x4000, $0x38;
	[tilespmem:$0x10C00] =	vst v63  }
0x253: {  	_ =	swait.ge [sflag:s8], $0x4000  }
0x254: {  	[sflag:s8] =	ssyncset.done $0x0  }
0x255: {  	[sflag:s8] =	ssyncadd.s32 $0xFFFFC000  }
0x256: {  	[tilespmem:s4], [sflag:$0x4] =	stream.indirect.gather [hbm4b:s3+s9], $0x80, s26, s9, $0xb8;
	[tilespmem:$0x10C00] =	vst v63  }
0x257: {  	_ =	swait.ge [sflag:s16], $0x4000  }
0x258: {  	[sflag:s16] =	ssyncset.done $0x0  }
0x259: {  	s30 =	rddreg [dreg:$0x12];
	[sflag:s16] =	ssyncadd.s32 $0xFFFFC000  }
0x25a: {  	[hbm4b:s30+s2] =	stream.linear.scatter [tilespmem:s7], [sflag:$0x5], $0x4000, $0x38;
	[tilespmem:$0x10C00] =	vst v63  }
0x25b: {  	_ =	swait.ge [sflag:s15], $0x4000  }
0x25c: {  	[sflag:s15] =	ssyncset.done $0x0  }
0x25d: {  	[sflag:s15] =	ssyncadd.s32 $0xFFFFC000  }
0x25e: {  	[tilespmem:s7], [sflag:$0x1] =	stream.indirect.gather [hbm4b:s3+s9], $0x80, s20, s9, $0xb8;
	[tilespmem:$0x10C00] =	vst v63  }
0x25f: {  	_ =	swait.ge [sflag:s14], $0x4000  }
0x260: {  	[sflag:s14] =	ssyncset.done $0x0  }
0x261: {  	s31 =	rddreg [dreg:$0x13];
	[sflag:s14] =	ssyncadd.s32 $0xFFFFC000  }
0x262: {  	[hbm4b:s31+s2] =	stream.linear.scatter [tilespmem:s6], [sflag:$0x6], $0x4000, $0x38;
	[tilespmem:$0x10C00] =	vst v63  }
0x263: {  	_ =	swait.ge [sflag:s13], $0x4000  }
0x264: {  	[sflag:s13] =	ssyncset.done $0x0  }
0x265: {  	[sflag:s13] =	ssyncadd.s32 $0xFFFFC000  }
0x266: {  	[tilespmem:s6], [sflag:$0x2] =	stream.indirect.gather [hbm4b:s3+s9], $0x80, s25, s9, $0xb8;
	[tilespmem:$0x10C00] =	vst v63  }
0x267: {  	_ =	swait.ge [sflag:s12], $0x4000  }
0x268: {  	[sflag:s12] =	ssyncset.done $0x0  }
0x269: {  	s1 =	rddreg [dreg:$0x14];
	[sflag:s12] =	ssyncadd.s32 $0xFFFFC000  }
0x26a: {  	[hbm4b:s1+s2] =	stream.linear.scatter [tilespmem:s5], [sflag:$0x7], $0x4000, $0x38;
	[tilespmem:$0x10C00] =	vst v63  }
0x26b: {  	_ =	swait.ge [sflag:s11], $0x4000  }
0x26c: {  	[sflag:s11] =	ssyncset.done $0x0  }
0x26d: {  	[sflag:s11] =	ssyncadd.s32 $0xFFFFC000  }
0x26e: {  	[tilespmem:s5], [sflag:$0x3] =	stream.indirect.gather [hbm4b:s3+s9], $0x80, s24, s9, $0xb8;
	[tilespmem:$0x10C00] =	vst v63  }
0x26f: {  	_ =	swait.ge [sflag:s10], $0x4000  }
0x270: {  	[sflag:s10] =	ssyncset.done $0x0  }
0x271: {  	s18 =	rddreg [dreg:$0x15];
	[sflag:s10] =	ssyncadd.s32 $0xFFFFC000  }
0x272: {  	[hbm4b:s18+s2] =	stream.linear.scatter [tilespmem:s4], [sflag:$0x8], $0x4000, $0x38;
	[tilespmem:$0x10C00] =	vst v63  }
0x273: {  	_ =	swait.ge [sflag:s8], $0x4000  }
0x274: {  	[sflag:s8] =	ssyncset.done $0x0  }
0x275: {  	[sflag:s8] =	ssyncadd.s32 $0xFFFFC000  }
0x276: {  	[tilespmem:s4], [sflag:$0x4] =	stream.indirect.gather [hbm4b:s3+s9], $0x80, s23, s9, $0xb8;
	[tilespmem:$0x10C00] =	vst v63  }
0x277: {  	_ =	swait.ge [sflag:s16], $0x4000  }
0x278: {  	[sflag:s16] =	ssyncset.done $0x0  }
0x279: {  	s20 =	rddreg [dreg:$0x16];
	[sflag:s16] =	ssyncadd.s32 $0xFFFFC000  }
0x27a: {  	[hbm4b:s20+s2] =	stream.linear.scatter [tilespmem:s7], [sflag:$0x5], $0x4000, $0x38;
	[tilespmem:$0x10C00] =	vst v63  }
0x27b: {  	_ =	swait.ge [sflag:s15], $0x4000  }
0x27c: {  	[sflag:s15] =	ssyncset.done $0x0  }
0x27d: {  	[sflag:s15] =	ssyncadd.s32 $0xFFFFC000  }
0x27e: {  	[tilespmem:s7], [sflag:$0x1] =	stream.indirect.gather [hbm4b:s3+s9], $0x80, s22, s9, $0xb8;
	[tilespmem:$0x10C00] =	vst v63  }
0x27f: {  	_ =	swait.ge [sflag:s14], $0x4000  }
0x280: {  	[sflag:s14] =	ssyncset.done $0x0  }
0x281: {  	s23 =	rddreg [dreg:$0x17];
	[sflag:s14] =	ssyncadd.s32 $0xFFFFC000  }
0x282: {  	[hbm4b:s23+s2] =	stream.linear.scatter [tilespmem:s6], [sflag:$0x6], $0x4000, $0x38;
	[tilespmem:$0x10C00] =	vst v63  }
0x283: {  	_ =	swait.ge [sflag:s13], $0x4000  }
0x284: {  	[sflag:s13] =	ssyncset.done $0x0  }
0x285: {  	[sflag:s13] =	ssyncadd.s32 $0xFFFFC000  }
0x286: {  	[tilespmem:s6], [sflag:$0x2] =	stream.indirect.gather [hbm4b:s3+s9], $0x80, s21, s9, $0xb8;
	[tilespmem:$0x10C00] =	vst v63  }
0x287: {  	_ =	swait.ge [sflag:s12], $0x4000  }
0x288: {  	[sflag:s12] =	ssyncset.done $0x0  }
0x289: {  	s24 =	rddreg [dreg:$0x18];
	[sflag:s12] =	ssyncadd.s32 $0xFFFFC000  }
0x28a: {  	[hbm4b:s24+s2] =	stream.linear.scatter [tilespmem:s5], [sflag:$0x7], $0x4000, $0x38;
	[tilespmem:$0x10C00] =	vst v63  }
0x28b: {  	_ =	swait.ge [sflag:s11], $0x4000  }
0x28c: {  	[sflag:s11] =	ssyncset.done $0x0  }
0x28d: {  	[sflag:s11] =	ssyncadd.s32 $0xFFFFC000  }
0x28e: {  	[tilespmem:s5], [sflag:$0x3] =	stream.indirect.gather [hbm4b:s3+s9], $0x80, s19, s9, $0xb8;
	[tilespmem:$0x10C00] =	vst v63  }
0x28f: {  	_ =	swait.ge [sflag:s10], $0x4000  }
0x290: {  	[sflag:s10] =	ssyncset.done $0x0  }
0x291: {  	s25 =	rddreg [dreg:$0x19];
	[sflag:s10] =	ssyncadd.s32 $0xFFFFC000  }
0x292: {  	[hbm4b:s25+s2] =	stream.linear.scatter [tilespmem:s4], [sflag:$0x8], $0x4000, $0x38;
	[tilespmem:$0x10C00] =	vst v63  }
0x293: {  	_ =	swait.ge [sflag:s8], $0x4000  }
0x294: {  	[sflag:s8] =	ssyncset.done $0x0  }
0x295: {  	s26 =	simm.s32 $0xB80;
	[sflag:s8] =	ssyncadd.s32 $0xFFFFC000  }
0x296: {  	[tilespmem:s4], [sflag:$0x4] =	stream.indirect.gather [hbm4b:s3+s9], $0x80, s26, s9, $0xb8;
	[tilespmem:$0x10C00] =	vst v63  }
0x297: {  	_ =	swait.ge [sflag:s16], $0x4000  }
0x298: {  	[sflag:s16] =	ssyncset.done $0x0  }
0x299: {  	s28 =	rddreg [dreg:$0x1a];
	[sflag:s16] =	ssyncadd.s32 $0xFFFFC000  }
0x29a: {  	[hbm4b:s28+s2] =	stream.linear.scatter [tilespmem:s7], [sflag:$0x5], $0x4000, $0x38;
	[tilespmem:$0x10C00] =	vst v63  }
0x29b: {  	_ =	swait.ge [sflag:s15], $0x4000  }
0x29c: {  	[sflag:s15] =	ssyncset.done $0x0  }
0x29d: {  	[sflag:s15] =	ssyncadd.s32 $0xFFFFC000  }
0x29e: {  	_ =	swait.ge [sflag:s14], $0x4000  }
0x29f: {  	[sflag:s14] =	ssyncset.done $0x0  }
0x2a0: {  	s29 =	rddreg [dreg:$0x1b];
	[sflag:s14] =	ssyncadd.s32 $0xFFFFC000  }
0x2a1: {  	[hbm4b:s29+s2] =	stream.linear.scatter [tilespmem:s6], [sflag:$0x6], $0x4000, $0x38;
	[tilespmem:$0x10C00] =	vst v63  }
0x2a2: {  	_ =	swait.ge [sflag:s13], $0x4000  }
0x2a3: {  	[sflag:s13] =	ssyncset.done $0x0  }
0x2a4: {  	[sflag:s13] =	ssyncadd.s32 $0xFFFFC000  }
0x2a5: {  	_ =	swait.ge [sflag:s12], $0x4000  }
0x2a6: {  	[sflag:s12] =	ssyncset.done $0x0  }
0x2a7: {  	s30 =	rddreg [dreg:$0x1c];
	[sflag:s12] =	ssyncadd.s32 $0xFFFFC000  }
0x2a8: {  	[hbm4b:s30+s2] =	stream.linear.scatter [tilespmem:s5], [sflag:$0x7], $0x4000, $0x38;
	[tilespmem:$0x10C00] =	vst v63  }
0x2a9: {  	_ =	swait.ge [sflag:s11], $0x4000  }
0x2aa: {  	[sflag:s11] =	ssyncset.done $0x0  }
0x2ab: {  	[sflag:s11] =	ssyncadd.s32 $0xFFFFC000  }
0x2ac: {  	_ =	swait.ge [sflag:s10], $0x4000  }
0x2ad: {  	[sflag:s10] =	ssyncset.done $0x0  }
0x2ae: {  	s31 =	rddreg [dreg:$0x1d];
	[sflag:s10] =	ssyncadd.s32 $0xFFFFC000  }
0x2af: {  	[hbm4b:s31+s2] =	stream.linear.scatter [tilespmem:s4], [sflag:$0x8], $0x4000, $0x38;
	[tilespmem:$0x10C00] =	vst v63  }
0x2b0: {  	_ =	swait.ge [sflag:s8], $0x4000  }
0x2b1: {  	[sflag:s8] =	ssyncset.done $0x0  }
0x2b2: {  	[sflag:s8] =	ssyncadd.s32 $0xFFFFC000  }
0x2b3: {  	_ =	sfence.sel $0x180000  }
0x2b4: {  	[bflag:$0x0] =	sbarrier.arrive $0xFFFF  }
0x2b5: {  	_ =	strace $0x90000047  }
0x2b6: {  	[bflag:$0x2] =	sbarrier.arrive $0xFFFF  }
0x2b7: {  	p0 =	sne.s32 s17, $0x0;
	s0 =	rddreg [dreg:$0x2]  }
0x2b8: {  	s0 =	sadd.s32 @!p0 $0x100000, s0  }
0x2b9: {  	[sflag:s0] =	ssyncadd.tile.s32 @!p0 $0x1;
	_ =	shalt  }
.LBB2_1:
.Ltmp3:
0x2ba: {  	(pc) =	sbr.rel .LBB2_6-.Ltmp3, $4  }
0x2bb: {  	s18 =	simm.s32 $0x600  }
0x2bc: {  	s29 =	simm.s32 $0x680;
	s28 =	simm.s32 $0x700;
	s26 =	simm.s32 $0x780  }
0x2bd: {  	s25 =	simm.s32 $0x880;
	s24 =	simm.s32 $0x900;
	s23 =	simm.s32 $0x980  }
0x2be: {  	s22 =	simm.s32 $0xA00;
	s21 =	simm.s32 $0xA80;
	s19 =	simm.s32 $0xB00  }
.LBB2_3:
.Ltmp4:
0x2bf: {  	(pc) =	sbr.rel .LBB2_6-.Ltmp4, $4  }
0x2c0: {  	s18 =	simm.s32 $0x600;
	s29 =	simm.s32 $0x680  }
0x2c1: {  	s28 =	simm.s32 $0x700;
	s26 =	simm.s32 $0x780;
	s25 =	simm.s32 $0x880  }
0x2c2: {  	s24 =	simm.s32 $0x900;
	s23 =	simm.s32 $0x980;
	s22 =	simm.s32 $0xA00  }
0x2c3: {  	s21 =	simm.s32 $0xA80;
	s19 =	simm.s32 $0xB00;
	s17 =	stileid.u32  }
.Lfunc_end2:
_tile_overlayer_lowered:
.L_overlay_start_2:
0x2c4: {  	(tag) =	ssettag $0x2  }
0x2c5: {  	s0 =	rddreg [dreg:$0x0];
	s2 =	stileid.u32  }
0x2c6: {  	s1 =	rddreg [dreg:$0x1];
	p0 =	sne.s32 s2, $0x0  }
0x2c7: {  	s3 =	rddreg [dreg:$0x2];
	[bflag:$0x3] =	sbarrier.arrive $0xFFFF;
	s2 =	simm.s32 @!p0 $0x1C09  }
0x2c8: {  	[timem:s3], [sflag:s2] =	dma.local @!p0 [hbm:s0], s1  }
0x2c9: {  	s0 =	simm.s32 @!p0 $0x9  }
0x2ca: {  	_ =	swait.ge @!p0 [sflag:s0], s1  }
0x2cb: {  	s1 =	ssub.s32 @!p0 $0x0, s1;
	[sflag:s0] =	ssyncset.done @!p0 $0x0  }
0x2cc: {  	[sflag:s0] =	ssyncadd.s32 @!p0 s1  }
0x2cd: {  	[bflag:$0x3] =	sbarrier.arrive $0xFFFF  }
0x2ce: {  	_ =	shalt  }

</sc_bundles>
